<compile_context>
chip_gen: v7x
topology: tpu7x:2x2x1
jax: 0.10.2.dev20260603
libtpu: 0.0.44.dev20260713+nightly
codegen_flags: <defaults>
</compile_context>

<pallas_src>
import functools
import math

import jax
import jax.numpy as jnp
import numpy as np
from jax.experimental import pallas as pl
from jax.experimental.pallas import tpu as pltpu

B_, C_, H_, W_ = 2, 384, 224, 224
WIN = 7
D_STATE = 16
DT_RANK = 24
KDIR = 4
PERK = C_ // KDIR

NH = H_ // WIN
NW = W_ // WIN
N_WINDOWS = NH * NW
TOP_K = 256
GRID_N = 16
L_SCAN = TOP_K * WIN * WIN
NG = 2 * KDIR
GL = 128
DLANE = NG * GL

SCAN_T = 64
GWIN = 8



def _windowize_kernel(x_ref, i96_ref, xw_ref, pool_ref):
    xin = x_ref[0, :, 0]
    dn = (((0,), (0,)), ((), ()))
    t = jax.lax.dot_general(xin, i96_ref[...], dn,
                            preferred_element_type=jnp.float32)
    w = t.reshape(8, 7, 32, 7, GL).transpose(0, 2, 1, 3, 4).reshape(256, 49, GL)
    xw_ref[0, 0] = w
    pool_ref[0, 0, 0] = jnp.sum(w, axis=1) * np.float32(1.0 / 49.0)


def _windowize(x5, i96):
    return pl.pallas_call(
        _windowize_kernel,
        grid=(B_, KDIR, 4),
        in_specs=[
            pl.BlockSpec((1, PERK, 1, 56, W_), lambda b, k, hb: (b, 0, k, hb, 0)),
            pl.BlockSpec((PERK, GL), lambda b, k, hb: (0, 0)),
        ],
        out_specs=[
            pl.BlockSpec((1, 1, 256, 49, GL), lambda b, k, hb: (b, k, hb, 0, 0)),
            pl.BlockSpec((1, 1, 1, 256, GL), lambda b, k, hb: (b, k, hb, 0, 0)),
        ],
        out_shape=[
            jax.ShapeDtypeStruct((B_, KDIR, N_WINDOWS, 49, GL), jnp.float32),
            jax.ShapeDtypeStruct((B_, KDIR, 4, 256, GL), jnp.float32),
        ],
    )(x5, i96)




def _gather_kernel(sel_ref, *refs):
    xw = refs[:GWIN]
    pst_ref, mk_ref = refs[GWIN], refs[GWIN + 1]
    u_ref, aux_ref = refs[GWIN + 2], refs[GWIN + 3]
    dn = (((1,), (0,)), ((), ()))
    acc = jnp.zeros((GWIN * 49, GL), jnp.float32)
    for j in range(GWIN):
        acc = acc + jax.lax.dot_general(pst_ref[0, j], xw[j][0, 0, 0], dn,
                                        preferred_element_type=jnp.float32)
    u_ref[...] = acc
    aux_ref[...] = jax.lax.dot_general(acc, mk_ref[0], dn,
                                       preferred_element_type=jnp.float32)


def _gather(sel, xwp, pstack, mks):
    def xw_map(j):
        def f(b, k, ib, sref):
            i = ib * GWIN + j
            i1 = (i % 16) * 16 + i // 16
            i2 = 255 - i
            i3 = (i2 % 16) * 16 + i2 // 16
            idx = jnp.where(k == 0, i,
                            jnp.where(k == 1, i1, jnp.where(k == 2, i2, i3)))
            return (b, k, sref[b, idx], 0, 0)
        return f

    grid_spec = pltpu.PrefetchScalarGridSpec(
        num_scalar_prefetch=1,
        grid=(B_, KDIR, TOP_K // GWIN),
        in_specs=[pl.BlockSpec((1, 1, 1, 49, GL), xw_map(j)) for j in range(GWIN)]
        + [
            pl.BlockSpec((1, GWIN, GWIN * 49, 49), lambda b, k, ib, s: (k, 0, 0, 0)),
            pl.BlockSpec((1, GL, GL), lambda b, k, ib, s: (k, 0, 0)),
        ],
        out_specs=[
            pl.BlockSpec((GWIN * 49, GL), lambda b, k, ib, s: (ib, b * KDIR + k)),
            pl.BlockSpec((GWIN * 49, GL), lambda b, k, ib, s: (ib, b * KDIR + k)),
        ],
    )
    return pl.pallas_call(
        _gather_kernel,
        grid_spec=grid_spec,
        out_shape=[
            jax.ShapeDtypeStruct((L_SCAN, DLANE), jnp.float32),
            jax.ShapeDtypeStruct((L_SCAN, DLANE), jnp.float32),
        ],
    )(sel, *([xwp] * GWIN), pstack, mks)



def _scan_chunk_kernel(u_ref, aux_ref, aarr_ref, dtb_ref, ds_ref, e8_ref,
                       y_ref, h_ref, hbuf_ref, da_ref, dbu_ref):
    T = y_ref.shape[0]

    @pl.when(pl.program_id(0) == 0)
    def _():
        h_ref[...] = jnp.zeros_like(h_ref)

    aux = aux_ref[...]
    delta = jax.nn.softplus(aux + dtb_ref[0][None, :])
    du = delta * u_ref[...]
    da_ref[...] = jnp.exp(delta[:, None, :] * aarr_ref[...][None, :, :])
    bc = jnp.stack([aux[:, g * GL + 96:(g + 1) * GL] for g in range(NG)],
                   axis=2)
    dn = (((2,), (0,)), ((), ()))
    bcex = jax.lax.dot_general(bc, e8_ref[...], dn,
                               preferred_element_type=jnp.float32)
    dbu_ref[...] = du[:, None, :] * bcex[:, :16, :]

    def body(t, h):
        h = da_ref[t] * h + dbu_ref[t]
        hbuf_ref[t] = h
        return h

    h = jax.lax.fori_loop(0, T, body, h_ref[...])
    h_ref[...] = h
    y_ref[...] = (jnp.sum(hbuf_ref[...] * bcex[:, 16:, :], axis=1)
                  + u_ref[...] * ds_ref[0][None, :])


def _selective_scan_pallas(u2, aux, aarr, dtb2, ds2, e8):
    L = u2.shape[0]
    T = SCAN_T
    return pl.pallas_call(
        _scan_chunk_kernel,
        grid=(L // T,),
        in_specs=[
            pl.BlockSpec((T, DLANE), lambda i: (i, 0)),
            pl.BlockSpec((T, DLANE), lambda i: (i, 0)),
            pl.BlockSpec((16, DLANE), lambda i: (0, 0)),
            pl.BlockSpec((1, DLANE), lambda i: (0, 0)),
            pl.BlockSpec((1, DLANE), lambda i: (0, 0)),
            pl.BlockSpec((NG, DLANE), lambda i: (0, 0)),
        ],
        out_specs=pl.BlockSpec((T, DLANE), lambda i: (i, 0)),
        out_shape=jax.ShapeDtypeStruct((L, DLANE), jnp.float32),
        scratch_shapes=[
            pltpu.VMEM((16, DLANE), jnp.float32),
            pltpu.VMEM((T, 16, DLANE), jnp.float32),
            pltpu.VMEM((T, 16, DLANE), jnp.float32),
            pltpu.VMEM((T, 16, DLANE), jnp.float32),
        ],
    )(u2, aux, aarr, dtb2, ds2, e8)



def _local_reverse(t, nH, nW, wH, wW, flip=False, column_first=False):
    Bsz, c, L = t.shape
    if flip:
        t = t[..., ::-1]
    if column_first:
        t = jnp.transpose(t.reshape(Bsz, c, nW, nH, wW, wH), (0, 1, 3, 5, 2, 4)).reshape(Bsz, c, L)
    else:
        t = jnp.transpose(t.reshape(Bsz, c, nH, nW, wH, wW), (0, 1, 2, 4, 3, 5)).reshape(Bsz, c, L)
    return t


def _build_constants(x_proj_weight, dt_projs_weight, dt_projs_bias, A_logs, Ds):
    f32 = jnp.float32
    i96 = jnp.zeros((PERK, GL), f32).at[jnp.arange(PERK), jnp.arange(PERK)].set(1.0)

    p = np.arange(49)
    src = [p, (p % 7) * 7 + p // 7, 48 - p, ((48 - p) % 7) * 7 + (48 - p) // 7]
    pstack = np.zeros((KDIR, GWIN, GWIN * 49, 49), np.float32)
    for k in range(KDIR):
        for j in range(GWIN):
            pstack[k, j, j * 49 + p, src[k]] = 1.0
    pstack = jnp.asarray(pstack)

    xpw = x_proj_weight
    dtw = dt_projs_weight
    mdt = jnp.einsum('krd,ker->kde', xpw[:, :DT_RANK], dtw)
    mks = jnp.zeros((KDIR, GL, GL), f32)
    mks = mks.at[:, :PERK, :PERK].set(mdt)
    mks = mks.at[:, :PERK, PERK:PERK + 16].set(
        jnp.transpose(xpw[:, DT_RANK:DT_RANK + 16], (0, 2, 1)))
    mks = mks.at[:, :PERK, PERK + 16:].set(
        jnp.transpose(xpw[:, DT_RANK + 16:], (0, 2, 1)))

    lane = np.arange(DLANE)
    g = lane // GL
    d = lane % GL
    k_of = g % KDIR
    used = d < PERK
    j_of = np.where(used, k_of * PERK + np.minimum(d, PERK - 1), 0)

    A = -jnp.exp(A_logs)
    usedj = jnp.asarray(used)
    jofj = jnp.asarray(j_of)
    aarr = jnp.where(usedj[None, :], A.T[:, jofj], -1.0)
    dtb = jnp.where(usedj, dt_projs_bias.reshape(-1)[jofj], 0.0)
    dsp = jnp.where(usedj, Ds[jofj], 0.0)
    e8 = (jnp.arange(NG)[:, None] == jnp.asarray(g)[None, :]).astype(f32)

    return (i96, pstack, mks, aarr.astype(f32),
            dtb.reshape(1, DLANE).astype(f32), dsp.reshape(1, DLANE).astype(f32),
            e8)


def kernel(x, x_proj_weight, dt_projs_weight, dt_projs_bias, A_logs, Ds,
           rw1, rb1, rw2, rb2):
    B, C, H, W = x.shape
    n = GRID_N
    L = L_SCAN

    (i96, pstack, mks, aarr, dtbp, dsp, e8) = _build_constants(
        x_proj_weight, dt_projs_weight, dt_projs_bias, A_logs, Ds)

    x5 = x.reshape(B, PERK, KDIR, H, W)
    xwp, pooled = _windowize(x5, i96)

    po = jnp.transpose(pooled[..., :PERK], (0, 2, 3, 4, 1)).reshape(B, N_WINDOWS, C)
    hx = jax.nn.gelu(po @ rw1.T + rb1, approximate=False)
    lgx = (hx @ rw2.T + rb2)[..., 0]
    orig_rw = jax.nn.softmax(lgx, axis=1)
    routing_weights, sel = jax.lax.top_k(orig_rw, TOP_K)

    u2p, aux = _gather(sel, xwp, pstack, mks)
    y2p = _selective_scan_pallas(u2p, aux, aarr, dtbp, dsp, e8)

    out_y = jnp.transpose(
        y2p.reshape(L, B, KDIR, GL)[..., :PERK], (1, 2, 3, 0))

    ys = [
        _local_reverse(out_y[:, 0], n, n, WIN, WIN, flip=False, column_first=False),
        _local_reverse(out_y[:, 1], n, n, WIN, WIN, flip=False, column_first=True),
        _local_reverse(out_y[:, 2], n, n, WIN, WIN, flip=True, column_first=False),
        _local_reverse(out_y[:, 3], n, n, WIN, WIN, flip=True, column_first=True),
    ]
    y = jnp.concatenate(ys, axis=1)
    y = jnp.transpose(y.reshape(B, C, n * n, WIN * WIN), (0, 2, 1, 3)).reshape(B, TOP_K, -1)
    current_state = y * routing_weights[:, :, None]

    windows_flat = jnp.transpose(
        x.reshape(B, C, NH, WIN, NW, WIN), (0, 2, 4, 1, 3, 5)
    ).reshape(B, N_WINDOWS, C * WIN * WIN)
    residual_x = windows_flat * orig_rw[:, :, None]
    residual_x = residual_x.at[jnp.arange(B)[:, None], sel].set(current_state)
    out = jnp.transpose(
        residual_x.reshape(B, NH, NW, C, WIN, WIN), (0, 3, 1, 4, 2, 5)
    ).reshape(B, C, H, W)
    return out

# --- scband reference (transcript-rebuilt; emitter-appended) ---
"""Pipeline reference for scband-fqsm-56384330662191 (READ-ONLY COPY).

The authoritative reference and input builder live on the scoring server;
editing this copy changes nothing except your own understanding.
"""

import jax, jax.numpy as jnp
import numpy as np
import math

B_, C_, H_, W_ = 2, 384, 224, 224
WIN = 7
K_RATIO = 0.25
D_STATE = 16
DT_RANK = 24
KDIR = 4

def nearest_perfect_square(val):
    if val <= 0:
        return 0
    s = math.sqrt(val)
    f = math.floor(s) ** 2
    c = math.ceil(s) ** 2
    return f if abs(f - val) <= abs(c - val) else c

def setup_inputs(seed: int = 0):
    key = jax.random.key(seed)
    ks = jax.random.split(key, 8)
    perK = C_ // KDIR
    x = jax.random.normal(ks[0], (B_, C_, H_, W_), dtype=jnp.float32)
    x_proj_weight = jax.random.normal(ks[1], (KDIR, DT_RANK + 2 * D_STATE, perK), dtype=jnp.float32) * (perK ** -0.5)
    dt_std = DT_RANK ** -0.5
    dt_projs_weight = jax.random.uniform(ks[2], (KDIR, perK, DT_RANK), minval=-dt_std, maxval=dt_std, dtype=jnp.float32)
    rng = np.random.RandomState(0)
    dt = np.exp(rng.rand(KDIR, perK) * (math.log(0.1) - math.log(0.001)) + math.log(0.001)).clip(min=1e-4)
    inv_dt = dt + np.log(-np.expm1(-dt))
    dt_projs_bias = jnp.asarray(inv_dt, dtype=jnp.float32)
    A = np.tile(np.arange(1, D_STATE + 1, dtype=np.float32)[None, :], (KDIR * perK, 1))
    A_logs = jnp.asarray(np.log(A), dtype=jnp.float32)
    Ds = jnp.ones((KDIR * perK,), dtype=jnp.float32)
    rw1 = jax.random.normal(ks[3], (C_ // 4, C_), dtype=jnp.float32) * (C_ ** -0.5)
    rb1 = jnp.zeros((C_ // 4,), dtype=jnp.float32)
    rw2 = jax.random.normal(ks[4], (1, C_ // 4), dtype=jnp.float32) * ((C_ // 4) ** -0.5)
    rb2 = jnp.zeros((1,), dtype=jnp.float32)
    return {"x": x, "x_proj_weight": x_proj_weight, "dt_projs_weight": dt_projs_weight, "dt_projs_bias": dt_projs_bias, "A_logs": A_logs, "Ds": Ds, "rw1": rw1, "rb1": rb1, "rw2": rw2, "rb2": rb2}

def _selective_scan(u, delta, A, Bmat, Cmat, D, delta_bias):
    # reference (sequential) selective scan, delta_softplus=True
    b, d, l = u.shape
    g = Bmat.shape[1]
    n = A.shape[1]
    dpg = d // g
    delta = jax.nn.softplus(delta + delta_bias[None, :, None])
    delta_t = jnp.transpose(delta, (2, 0, 1))
    u_t = jnp.transpose(u, (2, 0, 1))
    B_t = jnp.transpose(Bmat, (3, 0, 1, 2))
    C_t = jnp.transpose(Cmat, (3, 0, 1, 2))

    def step(x_state, inp):
        dt_i, B_i, C_i, u_i = inp
        dA = jnp.exp(dt_i[..., None] * A[None])
        dBu = (dt_i * u_i).reshape(b, g, dpg)[..., None] * B_i[:, :, None, :]
        x_state = dA * x_state + dBu.reshape(b, d, n)
        C_full = jnp.broadcast_to(C_i[:, :, None, :], (b, g, dpg, n)).reshape(b, d, n)
        y = jnp.sum(x_state * C_full, axis=-1)
        return x_state, y

    init = jnp.zeros((b, d, n), dtype=u.dtype)
    _, ys = jax.lax.scan(step, init, (delta_t, B_t, C_t, u_t))
    y = jnp.transpose(ys, (1, 2, 0))
    return y + u * D[None, :, None]

def _local_scan(t, Bsz, c, flip=False, column_first=False):
    if column_first:
        t = jnp.transpose(t, (0, 3, 2, 1, 5, 4)).reshape(Bsz, c, -1)
    else:
        t = jnp.transpose(t, (0, 3, 1, 2, 4, 5)).reshape(Bsz, c, -1)
    if flip:
        t = t[..., ::-1]
    return t

def _local_reverse(t, nH, nW, wH, wW, flip=False, column_first=False):
    Bsz, c, L = t.shape
    if flip:
        t = t[..., ::-1]
    if column_first:
        t = jnp.transpose(t.reshape(Bsz, c, nW, nH, wW, wH), (0, 1, 3, 5, 2, 4)).reshape(Bsz, c, L)
    else:
        t = jnp.transpose(t.reshape(Bsz, c, nH, nW, wH, wW), (0, 1, 2, 4, 3, 5)).reshape(Bsz, c, L)
    return t

def _forward(x, x_proj_weight, dt_projs_weight, dt_projs_bias, A_logs, Ds, rw1, rb1, rw2, rb2):
    B, C, H, W = x.shape
    nH, nW = H // WIN, W // WIN
    N = nH * nW
    windows = jnp.transpose(x.reshape(B, C, nH, WIN, nW, WIN), (0, 2, 4, 1, 3, 5)).reshape(B, N, C, WIN, WIN)
    pooled = windows.mean(axis=(-2, -1))
    h = jax.nn.gelu(pooled @ rw1.T + rb1, approximate=False)
    router_logits = (h @ rw2.T + rb2)[..., 0]
    orig_rw = jax.nn.softmax(router_logits, axis=1)
    top_k = nearest_perfect_square(N * K_RATIO)
    top_k = min(max(top_k, 1), N)
    n = int(math.sqrt(top_k))
    routing_weights, sel = jax.lax.top_k(orig_rw, top_k)
    windows_flat = windows.reshape(B, N, -1)
    current = jnp.take_along_axis(windows_flat, sel[:, :, None], axis=1)
    current = current.reshape(B, n, n, C, WIN, WIN)
    L = n * n * WIN * WIN
    cs = jnp.transpose(current.reshape(B, n, n, C // 4, 4, WIN, WIN), (0, 1, 2, 4, 3, 5, 6)).reshape(B, n, n, C, WIN, WIN)
    x_split = jnp.split(cs, 4, axis=3)
    xs = [
        _local_scan(x_split[0], B, C // 4, flip=False, column_first=False),
        _local_scan(x_split[1], B, C // 4, flip=False, column_first=True),
        _local_scan(x_split[2], B, C // 4, flip=True, column_first=False),
        _local_scan(x_split[3], B, C // 4, flip=True, column_first=True),
    ]
    xs = jnp.stack(xs, axis=1).reshape(B, 4, -1, L)
    x_dbl = jnp.einsum('bkdl,kcd->bkcl', xs, x_proj_weight)
    dts, Bs, Cs = jnp.split(x_dbl, [DT_RANK, DT_RANK + D_STATE], axis=2)
    dts = jnp.einsum('bkrl,kdr->bkdl', dts, dt_projs_weight)
    xs_f = xs.reshape(B, -1, L)
    dts_f = dts.reshape(B, -1, L)
    As = -jnp.exp(A_logs)
    out_y = _selective_scan(xs_f, dts_f, As, Bs, Cs, Ds, dt_projs_bias.reshape(-1)).reshape(B, 4, -1, L)
    ys = [
        _local_reverse(out_y[:, 0], n, n, WIN, WIN, flip=False, column_first=False),
        _local_reverse(out_y[:, 1], n, n, WIN, WIN, flip=False, column_first=True),
        _local_reverse(out_y[:, 2], n, n, WIN, WIN, flip=True, column_first=False),
        _local_reverse(out_y[:, 3], n, n, WIN, WIN, flip=True, column_first=True),
    ]
    y = jnp.concatenate(ys, axis=1)
    y = jnp.transpose(y.reshape(B, C, n * n, WIN * WIN), (0, 2, 1, 3)).reshape(B, top_k, -1)
    current_state = y * routing_weights[:, :, None]
    residual_x = windows_flat * orig_rw[:, :, None]
    residual_x = residual_x.at[jnp.arange(B)[:, None], sel].set(current_state)
    out = jnp.transpose(residual_x.reshape(B, nH, nW, C, WIN, WIN), (0, 3, 1, 4, 2, 5)).reshape(B, C, H, W)
    return out

def reference(x, x_proj_weight, dt_projs_weight, dt_projs_bias, A_logs, Ds, rw1, rb1, rw2, rb2):
    return _forward(x, x_proj_weight, dt_projs_weight, dt_projs_bias, A_logs, Ds, rw1, rb1, rw2, rb2)

if __name__ == "__main__":
    import jax
    _d = setup_inputs()
    print(jax.jit(kernel)(*tuple(_d.values())))

</pallas_src>

<mosaic_0001>
module attributes {stable_mosaic.version = 14 : i64} {
  func.func @_windowize_kernel(%arg0: i32, %arg1: i32, %arg2: i32, %arg3: memref<1x96x1x56x224xf32, #tpu.memory_space<vmem>>, %arg4: memref<96x128xf32, #tpu.memory_space<vmem>>, %arg5: memref<1x1x256x49x128xf32, #tpu.memory_space<vmem>>, %arg6: memref<1x1x1x256x128xf32, #tpu.memory_space<vmem>>) attributes {dimension_semantics = [#tpu.dimension_semantics<arbitrary>, #tpu.dimension_semantics<arbitrary>, #tpu.dimension_semantics<arbitrary>], iteration_bounds = array<i64: 2, 4, 4>, scalar_prefetch = 0 : i64, scratch_operands = 0 : i64, tpu.core_type = #tpu.core_type<tc>, window_params = [{transform_indices = @transform_0, window_bounds = array<i64: 1, 96, 1, 56, 224>}, {pipeline_mode = #tpu.pipeline_mode<synchronous>, transform_indices = @transform_1, window_bounds = array<i64: 96, 128>}, {transform_indices = @transform_2, window_bounds = array<i64: 1, 1, 256, 49, 128>}, {transform_indices = @transform_3, window_bounds = array<i64: 1, 1, 1, 256, 128>}]} {
    %get3A = arith.constant 0 : index
    %get3A_0 = arith.constant 0 : index
    %get3A_1 = arith.constant 0 : index
    %get3A_2 = arith.constant 0 : index
    %get3A_3 = arith.constant 0 : index
    %get3A_4 = vector.load %arg3[%get3A, %get3A_0, %get3A_1, %get3A_2, %get3A_3] : memref<1x96x1x56x224xf32, #tpu.memory_space<vmem>>, vector<1x96x1x56x224xf32>
    %get3A_5 = vector.shape_cast %get3A_4 : vector<1x96x1x56x224xf32> to vector<96x56x224xf32>
    %get3A_6 = arith.constant 0 : index
    %get3A_7 = arith.constant 0 : index
    %get3A_8 = vector.load %arg4[%get3A_6, %get3A_7] : memref<96x128xf32, #tpu.memory_space<vmem>>, vector<96x128xf32>
    %dot_general3A = arith.constant dense<0.000000e+00> : vector<56x224x128xf32>
    %dot_general3A_9 = tpu.matmul %get3A_5, %get3A_8, %dot_general3A {dimension_numbers = #tpu.dot_dimension_numbers<[0], [0], [1, 2], [1], [0, 1, 0, 2, 1, 1], [], []>, transpose_lhs_hint = false} : vector<96x56x224xf32>, vector<96x128xf32>, vector<56x224x128xf32> -> vector<56x224x128xf32>
    %reshape3A = vector.shape_cast %dot_general3A_9 : vector<56x224x128xf32> to vector<8x7x32x7x128xf32>
    %transpose3A = tpu.transpose %reshape3A, [0, 2, 1, 3, 4] : vector<8x7x32x7x128xf32> -> vector<8x32x7x7x128xf32>
    %reshape3A_10 = vector.shape_cast %transpose3A : vector<8x32x7x7x128xf32> to vector<256x49x128xf32>
    %swap3A = arith.constant 0 : index
    %swap3A_11 = arith.constant 0 : index
    %swap3A_12 = arith.constant 0 : index
    %swap3A_13 = arith.constant 0 : index
    %swap3A_14 = arith.constant 0 : index
    %swap3A_15 = vector.load %arg5[%swap3A, %swap3A_11, %swap3A_12, %swap3A_13, %swap3A_14] : memref<1x1x256x49x128xf32, #tpu.memory_space<vmem>>, vector<1x1x256x49x128xf32>
    %swap3A_16 = vector.shape_cast %swap3A_15 : vector<1x1x256x49x128xf32> to vector<256x49x128xf32>
    %swap3A_17 = vector.shape_cast %reshape3A_10 : vector<256x49x128xf32> to vector<1x1x256x49x128xf32>
    tpu.vector_store %arg5[%swap3A, %swap3A_11, %swap3A_12, %swap3A_13, %swap3A_14], %swap3A_17 {strides = array<i32>} : memref<1x1x256x49x128xf32, #tpu.memory_space<vmem>>, vector<1x1x256x49x128xf32>,
    %reduce_sum3A = arith.constant dense<0.000000e+00> : vector<256x128xf32>
    %reduce_sum3A_18 = vector.multi_reduction <add>, %reshape3A_10, %reduce_sum3A [1] : vector<256x49x128xf32> to vector<256x128xf32>
    %mul3A = arith.constant 0.0204081628 : f32
    %mul3A_19 = vector.broadcast %mul3A : f32 to vector<256x128xf32>
    %mul3A_20 = arith.mulf %reduce_sum3A_18, %mul3A_19 : vector<256x128xf32>
    %swap3A_21 = arith.constant 0 : index
    %swap3A_22 = arith.constant 0 : index
    %swap3A_23 = arith.constant 0 : index
    %swap3A_24 = arith.constant 0 : index
    %swap3A_25 = arith.constant 0 : index
    %swap3A_26 = vector.load %arg6[%swap3A_21, %swap3A_22, %swap3A_23, %swap3A_24, %swap3A_25] : memref<1x1x1x256x128xf32, #tpu.memory_space<vmem>>, vector<1x1x1x256x128xf32>
    %swap3A_27 = vector.shape_cast %swap3A_26 : vector<1x1x1x256x128xf32> to vector<256x128xf32>
    %swap3A_28 = vector.shape_cast %mul3A_20 : vector<256x128xf32> to vector<1x1x1x256x128xf32>
    tpu.vector_store %arg6[%swap3A_21, %swap3A_22, %swap3A_23, %swap3A_24, %swap3A_25], %swap3A_28 {strides = array<i32>} : memref<1x1x1x256x128xf32, #tpu.memory_space<vmem>>, vector<1x1x1x256x128xf32>,
    return
  }
  func.func @transform_0(%arg0: i32, %arg1: i32, %arg2: i32) -> (i32, i32, i32, i32, i32) {
    %c0_i32 = arith.constant 0 : i32
    %c0_i32_0 = arith.constant 0 : i32
    %c0_i32_1 = arith.constant 0 : i32
    return %arg0, %c0_i32, %arg1, %arg2, %c0_i32_0 : i32, i32, i32, i32, i32
  }
  func.func @transform_1(%arg0: i32, %arg1: i32, %arg2: i32) -> (i32, i32) {
    %c0_i32 = arith.constant 0 : i32
    %c0_i32_0 = arith.constant 0 : i32
    %c0_i32_1 = arith.constant 0 : i32
    return %c0_i32, %c0_i32_0 : i32, i32
  }
  func.func @transform_2(%arg0: i32, %arg1: i32, %arg2: i32) -> (i32, i32, i32, i32, i32) {
    %c0_i32 = arith.constant 0 : i32
    %c0_i32_0 = arith.constant 0 : i32
    %c0_i32_1 = arith.constant 0 : i32
    return %arg0, %arg1, %arg2, %c0_i32, %c0_i32_0 : i32, i32, i32, i32, i32
  }
  func.func @transform_3(%arg0: i32, %arg1: i32, %arg2: i32) -> (i32, i32, i32, i32, i32) {
    %c0_i32 = arith.constant 0 : i32
    %c0_i32_0 = arith.constant 0 : i32
    %c0_i32_1 = arith.constant 0 : i32
    return %arg0, %arg1, %arg2, %c0_i32, %c0_i32_0 : i32, i32, i32, i32, i32
  }
}

module attributes {stable_mosaic.version = 14 : i64} {
  func.func @_gather_kernel(%arg0: i32, %arg1: i32, %arg2: i32, %arg3: memref<2x256xi32, #tpu.memory_space<smem>>, %arg4: memref<1x1x1x49x128xf32, #tpu.memory_space<vmem>>, %arg5: memref<1x1x1x49x128xf32, #tpu.memory_space<vmem>>, %arg6: memref<1x1x1x49x128xf32, #tpu.memory_space<vmem>>, %arg7: memref<1x1x1x49x128xf32, #tpu.memory_space<vmem>>, %arg8: memref<1x1x1x49x128xf32, #tpu.memory_space<vmem>>, %arg9: memref<1x1x1x49x128xf32, #tpu.memory_space<vmem>>, %arg10: memref<1x1x1x49x128xf32, #tpu.memory_space<vmem>>, %arg11: memref<1x1x1x49x128xf32, #tpu.memory_space<vmem>>, %arg12: memref<1x8x392x49xf32, #tpu.memory_space<vmem>>, %arg13: memref<1x128x128xf32, #tpu.memory_space<vmem>>, %arg14: memref<392x128xf32, #tpu.memory_space<vmem>>, %arg15: memref<392x128xf32, #tpu.memory_space<vmem>>) attributes {dimension_semantics = [#tpu.dimension_semantics<arbitrary>, #tpu.dimension_semantics<arbitrary>, #tpu.dimension_semantics<arbitrary>], iteration_bounds = array<i64: 2, 4, 32>, scalar_prefetch = 1 : i64, scratch_operands = 0 : i64, tpu.core_type = #tpu.core_type<tc>, window_params = [{transform_indices = @transform_0, window_bounds = array<i64: 1, 1, 1, 49, 128>}, {transform_indices = @transform_1, window_bounds = array<i64: 1, 1, 1, 49, 128>}, {transform_indices = @transform_2, window_bounds = array<i64: 1, 1, 1, 49, 128>}, {transform_indices = @transform_3, window_bounds = array<i64: 1, 1, 1, 49, 128>}, {transform_indices = @transform_4, window_bounds = array<i64: 1, 1, 1, 49, 128>}, {transform_indices = @transform_5, window_bounds = array<i64: 1, 1, 1, 49, 128>}, {transform_indices = @transform_6, window_bounds = array<i64: 1, 1, 1, 49, 128>}, {transform_indices = @transform_7, window_bounds = array<i64: 1, 1, 1, 49, 128>}, {transform_indices = @transform_8, window_bounds = array<i64: 1, 8, 392, 49>}, {transform_indices = @transform_9, window_bounds = array<i64: 1, 128, 128>}, {transform_indices = @transform_10, window_bounds = array<i64: 392, 128>}, {transform_indices = @transform_11, window_bounds = array<i64: 392, 128>}]} {
    %broadcast_in_dim3A = arith.constant 0.000000e+00 : f32
    %broadcast_in_dim3A_0 = vector.broadcast %broadcast_in_dim3A : f32 to vector<392x128xf32>
    %get3A = arith.constant 0 : index
    %get3A_1 = arith.constant 0 : index
    %get3A_2 = arith.constant 0 : index
    %get3A_3 = arith.constant 0 : index
    %get3A_4 = vector.load %arg12[%get3A, %get3A_1, %get3A_2, %get3A_3] : memref<1x8x392x49xf32, #tpu.memory_space<vmem>>, vector<1x1x392x49xf32>
    %get3A_5 = vector.shape_cast %get3A_4 : vector<1x1x392x49xf32> to vector<392x49xf32>
    %get3A_6 = arith.constant 0 : index
    %get3A_7 = arith.constant 0 : index
    %get3A_8 = arith.constant 0 : index
    %get3A_9 = arith.constant 0 : index
    %get3A_10 = arith.constant 0 : index
    %get3A_11 = vector.load %arg4[%get3A_6, %get3A_7, %get3A_8, %get3A_9, %get3A_10] : memref<1x1x1x49x128xf32, #tpu.memory_space<vmem>>, vector<1x1x1x49x128xf32>
    %get3A_12 = vector.shape_cast %get3A_11 : vector<1x1x1x49x128xf32> to vector<49x128xf32>
    %dot_general3A = arith.constant dense<0.000000e+00> : vector<392x128xf32>
    %dot_general3A_13 = tpu.matmul %get3A_5, %get3A_12, %dot_general3A {dimension_numbers = #tpu.dot_dimension_numbers<[1], [0], [0], [1], [0, 0, 1, 1], [], []>, transpose_lhs_hint = false} : vector<392x49xf32>, vector<49x128xf32>, vector<392x128xf32> -> vector<392x128xf32>
    %add3A = arith.addf %broadcast_in_dim3A_0, %dot_general3A_13 : vector<392x128xf32>
    %get3A_14 = arith.constant 0 : index
    %get3A_15 = arith.constant 1 : index
    %get3A_16 = arith.constant 0 : index
    %get3A_17 = arith.constant 0 : index
    %get3A_18 = vector.load %arg12[%get3A_14, %get3A_15, %get3A_16, %get3A_17] : memref<1x8x392x49xf32, #tpu.memory_space<vmem>>, vector<1x1x392x49xf32>
    %get3A_19 = vector.shape_cast %get3A_18 : vector<1x1x392x49xf32> to vector<392x49xf32>
    %get3A_20 = arith.constant 0 : index
    %get3A_21 = arith.constant 0 : index
    %get3A_22 = arith.constant 0 : index
    %get3A_23 = arith.constant 0 : index
    %get3A_24 = arith.constant 0 : index
    %get3A_25 = vector.load %arg5[%get3A_20, %get3A_21, %get3A_22, %get3A_23, %get3A_24] : memref<1x1x1x49x128xf32, #tpu.memory_space<vmem>>, vector<1x1x1x49x128xf32>
    %get3A_26 = vector.shape_cast %get3A_25 : vector<1x1x1x49x128xf32> to vector<49x128xf32>
    %dot_general3A_27 = arith.constant dense<0.000000e+00> : vector<392x128xf32>
    %dot_general3A_28 = tpu.matmul %get3A_19, %get3A_26, %dot_general3A_27 {dimension_numbers = #tpu.dot_dimension_numbers<[1], [0], [0], [1], [0, 0, 1, 1], [], []>, transpose_lhs_hint = false} : vector<392x49xf32>, vector<49x128xf32>, vector<392x128xf32> -> vector<392x128xf32>
    %add3A_29 = arith.addf %add3A, %dot_general3A_28 : vector<392x128xf32>
    %get3A_30 = arith.constant 0 : index
    %get3A_31 = arith.constant 2 : index
    %get3A_32 = arith.constant 0 : index
    %get3A_33 = arith.constant 0 : index
    %get3A_34 = vector.load %arg12[%get3A_30, %get3A_31, %get3A_32, %get3A_33] : memref<1x8x392x49xf32, #tpu.memory_space<vmem>>, vector<1x1x392x49xf32>
    %get3A_35 = vector.shape_cast %get3A_34 : vector<1x1x392x49xf32> to vector<392x49xf32>
    %get3A_36 = arith.constant 0 : index
    %get3A_37 = arith.constant 0 : index
    %get3A_38 = arith.constant 0 : index
    %get3A_39 = arith.constant 0 : index
    %get3A_40 = arith.constant 0 : index
    %get3A_41 = vector.load %arg6[%get3A_36, %get3A_37, %get3A_38, %get3A_39, %get3A_40] : memref<1x1x1x49x128xf32, #tpu.memory_space<vmem>>, vector<1x1x1x49x128xf32>
    %get3A_42 = vector.shape_cast %get3A_41 : vector<1x1x1x49x128xf32> to vector<49x128xf32>
    %dot_general3A_43 = arith.constant dense<0.000000e+00> : vector<392x128xf32>
    %dot_general3A_44 = tpu.matmul %get3A_35, %get3A_42, %dot_general3A_43 {dimension_numbers = #tpu.dot_dimension_numbers<[1], [0], [0], [1], [0, 0, 1, 1], [], []>, transpose_lhs_hint = false} : vector<392x49xf32>, vector<49x128xf32>, vector<392x128xf32> -> vector<392x128xf32>
    %add3A_45 = arith.addf %add3A_29, %dot_general3A_44 : vector<392x128xf32>
    %get3A_46 = arith.constant 0 : index
    %get3A_47 = arith.constant 3 : index
    %get3A_48 = arith.constant 0 : index
    %get3A_49 = arith.constant 0 : index
    %get3A_50 = vector.load %arg12[%get3A_46, %get3A_47, %get3A_48, %get3A_49] : memref<1x8x392x49xf32, #tpu.memory_space<vmem>>, vector<1x1x392x49xf32>
    %get3A_51 = vector.shape_cast %get3A_50 : vector<1x1x392x49xf32> to vector<392x49xf32>
    %get3A_52 = arith.constant 0 : index
    %get3A_53 = arith.constant 0 : index
    %get3A_54 = arith.constant 0 : index
    %get3A_55 = arith.constant 0 : index
    %get3A_56 = arith.constant 0 : index
    %get3A_57 = vector.load %arg7[%get3A_52, %get3A_53, %get3A_54, %get3A_55, %get3A_56] : memref<1x1x1x49x128xf32, #tpu.memory_space<vmem>>, vector<1x1x1x49x128xf32>
    %get3A_58 = vector.shape_cast %get3A_57 : vector<1x1x1x49x128xf32> to vector<49x128xf32>
    %dot_general3A_59 = arith.constant dense<0.000000e+00> : vector<392x128xf32>
    %dot_general3A_60 = tpu.matmul %get3A_51, %get3A_58, %dot_general3A_59 {dimension_numbers = #tpu.dot_dimension_numbers<[1], [0], [0], [1], [0, 0, 1, 1], [], []>, transpose_lhs_hint = false} : vector<392x49xf32>, vector<49x128xf32>, vector<392x128xf32> -> vector<392x128xf32>
    %add3A_61 = arith.addf %add3A_45, %dot_general3A_60 : vector<392x128xf32>
    %get3A_62 = arith.constant 0 : index
    %get3A_63 = arith.constant 4 : index
    %get3A_64 = arith.constant 0 : index
    %get3A_65 = arith.constant 0 : index
    %get3A_66 = vector.load %arg12[%get3A_62, %get3A_63, %get3A_64, %get3A_65] : memref<1x8x392x49xf32, #tpu.memory_space<vmem>>, vector<1x1x392x49xf32>
    %get3A_67 = vector.shape_cast %get3A_66 : vector<1x1x392x49xf32> to vector<392x49xf32>
    %get3A_68 = arith.constant 0 : index
    %get3A_69 = arith.constant 0 : index
    %get3A_70 = arith.constant 0 : index
    %get3A_71 = arith.constant 0 : index
    %get3A_72 = arith.constant 0 : index
    %get3A_73 = vector.load %arg8[%get3A_68, %get3A_69, %get3A_70, %get3A_71, %get3A_72] : memref<1x1x1x49x128xf32, #tpu.memory_space<vmem>>, vector<1x1x1x49x128xf32>
    %get3A_74 = vector.shape_cast %get3A_73 : vector<1x1x1x49x128xf32> to vector<49x128xf32>
    %dot_general3A_75 = arith.constant dense<0.000000e+00> : vector<392x128xf32>
    %dot_general3A_76 = tpu.matmul %get3A_67, %get3A_74, %dot_general3A_75 {dimension_numbers = #tpu.dot_dimension_numbers<[1], [0], [0], [1], [0, 0, 1, 1], [], []>, transpose_lhs_hint = false} : vector<392x49xf32>, vector<49x128xf32>, vector<392x128xf32> -> vector<392x128xf32>
    %add3A_77 = arith.addf %add3A_61, %dot_general3A_76 : vector<392x128xf32>
    %get3A_78 = arith.constant 0 : index
    %get3A_79 = arith.constant 5 : index
    %get3A_80 = arith.constant 0 : index
    %get3A_81 = arith.constant 0 : index
    %get3A_82 = vector.load %arg12[%get3A_78, %get3A_79, %get3A_80, %get3A_81] : memref<1x8x392x49xf32, #tpu.memory_space<vmem>>, vector<1x1x392x49xf32>
    %get3A_83 = vector.shape_cast %get3A_82 : vector<1x1x392x49xf32> to vector<392x49xf32>
    %get3A_84 = arith.constant 0 : index
    %get3A_85 = arith.constant 0 : index
    %get3A_86 = arith.constant 0 : index
    %get3A_87 = arith.constant 0 : index
    %get3A_88 = arith.constant 0 : index
    %get3A_89 = vector.load %arg9[%get3A_84, %get3A_85, %get3A_86, %get3A_87, %get3A_88] : memref<1x1x1x49x128xf32, #tpu.memory_space<vmem>>, vector<1x1x1x49x128xf32>
    %get3A_90 = vector.shape_cast %get3A_89 : vector<1x1x1x49x128xf32> to vector<49x128xf32>
    %dot_general3A_91 = arith.constant dense<0.000000e+00> : vector<392x128xf32>
    %dot_general3A_92 = tpu.matmul %get3A_83, %get3A_90, %dot_general3A_91 {dimension_numbers = #tpu.dot_dimension_numbers<[1], [0], [0], [1], [0, 0, 1, 1], [], []>, transpose_lhs_hint = false} : vector<392x49xf32>, vector<49x128xf32>, vector<392x128xf32> -> vector<392x128xf32>
    %add3A_93 = arith.addf %add3A_77, %dot_general3A_92 : vector<392x128xf32>
    %get3A_94 = arith.constant 0 : index
    %get3A_95 = arith.constant 6 : index
    %get3A_96 = arith.constant 0 : index
    %get3A_97 = arith.constant 0 : index
    %get3A_98 = vector.load %arg12[%get3A_94, %get3A_95, %get3A_96, %get3A_97] : memref<1x8x392x49xf32, #tpu.memory_space<vmem>>, vector<1x1x392x49xf32>
    %get3A_99 = vector.shape_cast %get3A_98 : vector<1x1x392x49xf32> to vector<392x49xf32>
    %get3A_100 = arith.constant 0 : index
    %get3A_101 = arith.constant 0 : index
    %get3A_102 = arith.constant 0 : index
    %get3A_103 = arith.constant 0 : index
    %get3A_104 = arith.constant 0 : index
    %get3A_105 = vector.load %arg10[%get3A_100, %get3A_101, %get3A_102, %get3A_103, %get3A_104] : memref<1x1x1x49x128xf32, #tpu.memory_space<vmem>>, vector<1x1x1x49x128xf32>
    %get3A_106 = vector.shape_cast %get3A_105 : vector<1x1x1x49x128xf32> to vector<49x128xf32>
    %dot_general3A_107 = arith.constant dense<0.000000e+00> : vector<392x128xf32>
    %dot_general3A_108 = tpu.matmul %get3A_99, %get3A_106, %dot_general3A_107 {dimension_numbers = #tpu.dot_dimension_numbers<[1], [0], [0], [1], [0, 0, 1, 1], [], []>, transpose_lhs_hint = false} : vector<392x49xf32>, vector<49x128xf32>, vector<392x128xf32> -> vector<392x128xf32>
    %add3A_109 = arith.addf %add3A_93, %dot_general3A_108 : vector<392x128xf32>
    %get3A_110 = arith.constant 0 : index
    %get3A_111 = arith.constant 7 : index
    %get3A_112 = arith.constant 0 : index
    %get3A_113 = arith.constant 0 : index
    %get3A_114 = vector.load %arg12[%get3A_110, %get3A_111, %get3A_112, %get3A_113] : memref<1x8x392x49xf32, #tpu.memory_space<vmem>>, vector<1x1x392x49xf32>
    %get3A_115 = vector.shape_cast %get3A_114 : vector<1x1x392x49xf32> to vector<392x49xf32>
    %get3A_116 = arith.constant 0 : index
    %get3A_117 = arith.constant 0 : index
    %get3A_118 = arith.constant 0 : index
    %get3A_119 = arith.constant 0 : index
    %get3A_120 = arith.constant 0 : index
    %get3A_121 = vector.load %arg11[%get3A_116, %get3A_117, %get3A_118, %get3A_119, %get3A_120] : memref<1x1x1x49x128xf32, #tpu.memory_space<vmem>>, vector<1x1x1x49x128xf32>
    %get3A_122 = vector.shape_cast %get3A_121 : vector<1x1x1x49x128xf32> to vector<49x128xf32>
    %dot_general3A_123 = arith.constant dense<0.000000e+00> : vector<392x128xf32>
    %dot_general3A_124 = tpu.matmul %get3A_115, %get3A_122, %dot_general3A_123 {dimension_numbers = #tpu.dot_dimension_numbers<[1], [0], [0], [1], [0, 0, 1, 1], [], []>, transpose_lhs_hint = false} : vector<392x49xf32>, vector<49x128xf32>, vector<392x128xf32> -> vector<392x128xf32>
    %add3A_125 = arith.addf %add3A_109, %dot_general3A_124 : vector<392x128xf32>
    %swap3A = arith.constant 0 : index
    %swap3A_126 = arith.constant 0 : index
    %swap3A_127 = vector.load %arg14[%swap3A, %swap3A_126] : memref<392x128xf32, #tpu.memory_space<vmem>>, vector<392x128xf32>
    tpu.vector_store %arg14[%swap3A, %swap3A_126], %add3A_125 {strides = array<i32>} : memref<392x128xf32, #tpu.memory_space<vmem>>, vector<392x128xf32>,
    %get3A_128 = arith.constant 0 : index
    %get3A_129 = arith.constant 0 : index
    %get3A_130 = arith.constant 0 : index
    %get3A_131 = vector.load %arg13[%get3A_128, %get3A_129, %get3A_130] : memref<1x128x128xf32, #tpu.memory_space<vmem>>, vector<1x128x128xf32>
    %get3A_132 = vector.shape_cast %get3A_131 : vector<1x128x128xf32> to vector<128x128xf32>
    %dot_general3A_133 = arith.constant dense<0.000000e+00> : vector<392x128xf32>
    %dot_general3A_134 = tpu.matmul %add3A_125, %get3A_132, %dot_general3A_133 {dimension_numbers = #tpu.dot_dimension_numbers<[1], [0], [0], [1], [0, 0, 1, 1], [], []>, transpose_lhs_hint = false} : vector<392x128xf32>, vector<128x128xf32>, vector<392x128xf32> -> vector<392x128xf32>
    %swap3A_135 = arith.constant 0 : index
    %swap3A_136 = arith.constant 0 : index
    %swap3A_137 = vector.load %arg15[%swap3A_135, %swap3A_136] : memref<392x128xf32, #tpu.memory_space<vmem>>, vector<392x128xf32>
    tpu.vector_store %arg15[%swap3A_135, %swap3A_136], %dot_general3A_134 {strides = array<i32>} : memref<392x128xf32, #tpu.memory_space<vmem>>, vector<392x128xf32>,
    return
  }
  func.func @transform_0(%arg0: i32, %arg1: i32, %arg2: i32, %arg3: memref<2x256xi32, #tpu.memory_space<smem>>) -> (i32, i32, i32, i32, i32) {
    %mul3A = arith.constant 8 : i32
    %mul3A_0 = arith.muli %arg2, %mul3A : i32
    %add3A = arith.constant 0 : i32
    %add3A_1 = arith.addi %mul3A_0, %add3A : i32
    %jit3A = arith.constant 16 : i32
    %eq3A = arith.constant 0 : i32
    %eq3A_2 = arith.cmpi eq, %jit3A, %eq3A : i32
    %jit3A_3 = arith.constant 1 : i32
    %select_n3A = arith.select %eq3A_2, %jit3A_3, %jit3A : i32
    %rem3A = arith.remsi %add3A_1, %select_n3A : i32
    %ne3A = arith.constant 0 : i32
    %ne3A_4 = arith.cmpi ne, %rem3A, %ne3A : i32
    %lt3A = arith.constant 0 : i32
    %lt3A_5 = arith.cmpi slt, %rem3A, %lt3A : i32
    %lt3A_6 = arith.constant 0 : i32
    %lt3A_7 = arith.cmpi slt, %select_n3A, %lt3A_6 : i32
    %ne3A_8 = arith.xori %lt3A_5, %lt3A_7 : i1
    %and3A = arith.andi %ne3A_8, %ne3A_4 : i1
    %add3A_9 = arith.addi %rem3A, %select_n3A : i32
    %select_n3A_10 = arith.select %and3A, %add3A_9, %rem3A : i32
    %mul3A_11 = arith.constant 16 : i32
    %mul3A_12 = arith.muli %select_n3A_10, %mul3A_11 : i32
    %jit3A_13 = arith.constant 16 : i32
    %div3A = arith.divsi %add3A_1, %jit3A_13 : i32
    %sign3A = arith.constant 0 : i32
    %sign3A_14 = arith.cmpi sgt, %add3A_1, %sign3A : i32
    %sign3A_15 = arith.extui %sign3A_14 : i1 to i32
    %sign3A_16 = arith.constant 0 : i32
    %sign3A_17 = arith.cmpi slt, %add3A_1, %sign3A_16 : i32
    %sign3A_18 = arith.extui %sign3A_17 : i1 to i32
    %sign3A_19 = arith.subi %sign3A_15, %sign3A_18 : i32
    %sign3A_20 = arith.constant 0 : i32
    %sign3A_21 = arith.cmpi sgt, %jit3A_13, %sign3A_20 : i32
    %sign3A_22 = arith.extui %sign3A_21 : i1 to i32
    %sign3A_23 = arith.constant 0 : i32
    %sign3A_24 = arith.cmpi slt, %jit3A_13, %sign3A_23 : i32
    %sign3A_25 = arith.extui %sign3A_24 : i1 to i32
    %sign3A_26 = arith.subi %sign3A_22, %sign3A_25 : i32
    %ne3A_27 = arith.cmpi ne, %sign3A_19, %sign3A_26 : i32
    %rem3A_28 = arith.remsi %add3A_1, %jit3A_13 : i32
    %ne3A_29 = arith.constant 0 : i32
    %ne3A_30 = arith.cmpi ne, %rem3A_28, %ne3A_29 : i32
    %and3A_31 = arith.andi %ne3A_27, %ne3A_30 : i1
    %sub3A = arith.constant 1 : i32
    %sub3A_32 = arith.subi %div3A, %sub3A : i32
    %select_n3A_33 = arith.select %and3A_31, %sub3A_32, %div3A : i32
    %add3A_34 = arith.addi %mul3A_12, %select_n3A_33 : i32
    %sub3A_35 = arith.constant 255 : i32
    %sub3A_36 = arith.subi %sub3A_35, %add3A_1 : i32
    %jit3A_37 = arith.constant 16 : i32
    %eq3A_38 = arith.constant 0 : i32
    %eq3A_39 = arith.cmpi eq, %jit3A_37, %eq3A_38 : i32
    %jit3A_40 = arith.constant 1 : i32
    %select_n3A_41 = arith.select %eq3A_39, %jit3A_40, %jit3A_37 : i32
    %rem3A_42 = arith.remsi %sub3A_36, %select_n3A_41 : i32
    %ne3A_43 = arith.constant 0 : i32
    %ne3A_44 = arith.cmpi ne, %rem3A_42, %ne3A_43 : i32
    %lt3A_45 = arith.constant 0 : i32
    %lt3A_46 = arith.cmpi slt, %rem3A_42, %lt3A_45 : i32
    %lt3A_47 = arith.constant 0 : i32
    %lt3A_48 = arith.cmpi slt, %select_n3A_41, %lt3A_47 : i32
    %ne3A_49 = arith.xori %lt3A_46, %lt3A_48 : i1
    %and3A_50 = arith.andi %ne3A_49, %ne3A_44 : i1
    %add3A_51 = arith.addi %rem3A_42, %select_n3A_41 : i32
    %select_n3A_52 = arith.select %and3A_50, %add3A_51, %rem3A_42 : i32
    %mul3A_53 = arith.constant 16 : i32
    %mul3A_54 = arith.muli %select_n3A_52, %mul3A_53 : i32
    %jit3A_55 = arith.constant 16 : i32
    %div3A_56 = arith.divsi %sub3A_36, %jit3A_55 : i32
    %sign3A_57 = arith.constant 0 : i32
    %sign3A_58 = arith.cmpi sgt, %sub3A_36, %sign3A_57 : i32
    %sign3A_59 = arith.extui %sign3A_58 : i1 to i32
    %sign3A_60 = arith.constant 0 : i32
    %sign3A_61 = arith.cmpi slt, %sub3A_36, %sign3A_60 : i32
    %sign3A_62 = arith.extui %sign3A_61 : i1 to i32
    %sign3A_63 = arith.subi %sign3A_59, %sign3A_62 : i32
    %sign3A_64 = arith.constant 0 : i32
    %sign3A_65 = arith.cmpi sgt, %jit3A_55, %sign3A_64 : i32
    %sign3A_66 = arith.extui %sign3A_65 : i1 to i32
    %sign3A_67 = arith.constant 0 : i32
    %sign3A_68 = arith.cmpi slt, %jit3A_55, %sign3A_67 : i32
    %sign3A_69 = arith.extui %sign3A_68 : i1 to i32
    %sign3A_70 = arith.subi %sign3A_66, %sign3A_69 : i32
    %ne3A_71 = arith.cmpi ne, %sign3A_63, %sign3A_70 : i32
    %rem3A_72 = arith.remsi %sub3A_36, %jit3A_55 : i32
    %ne3A_73 = arith.constant 0 : i32
    %ne3A_74 = arith.cmpi ne, %rem3A_72, %ne3A_73 : i32
    %and3A_75 = arith.andi %ne3A_71, %ne3A_74 : i1
    %sub3A_76 = arith.constant 1 : i32
    %sub3A_77 = arith.subi %div3A_56, %sub3A_76 : i32
    %select_n3A_78 = arith.select %and3A_75, %sub3A_77, %div3A_56 : i32
    %add3A_79 = arith.addi %mul3A_54, %select_n3A_78 : i32
    %eq3A_80 = arith.constant 0 : i32
    %eq3A_81 = arith.cmpi eq, %arg1, %eq3A_80 : i32
    %eq3A_82 = arith.constant 1 : i32
    %eq3A_83 = arith.cmpi eq, %arg1, %eq3A_82 : i32
    %eq3A_84 = arith.constant 2 : i32
    %eq3A_85 = arith.cmpi eq, %arg1, %eq3A_84 : i32
    %select_n3A_86 = arith.select %eq3A_85, %sub3A_36, %add3A_79 : i32
    %select_n3A_87 = arith.select %eq3A_83, %add3A_34, %select_n3A_86 : i32
    %select_n3A_88 = arith.select %eq3A_81, %add3A_1, %select_n3A_87 : i32
    %get3A = arith.index_cast %arg0 : i32 to index
    %get3A_89 = arith.index_cast %select_n3A_88 : i32 to index
    %get3A_90 = memref.load %arg3[%get3A, %get3A_89] : memref<2x256xi32, #tpu.memory_space<smem>>
    %c0_i32 = arith.constant 0 : i32
    %c0_i32_91 = arith.constant 0 : i32
    %c0_i32_92 = arith.constant 0 : i32
    return %arg0, %arg1, %get3A_90, %c0_i32, %c0_i32_91 : i32, i32, i32, i32, i32
  }
  func.func @transform_1(%arg0: i32, %arg1: i32, %arg2: i32, %arg3: memref<2x256xi32, #tpu.memory_space<smem>>) -> (i32, i32, i32, i32, i32) {
    %mul3A = arith.constant 8 : i32
    %mul3A_0 = arith.muli %arg2, %mul3A : i32
    %add3A = arith.constant 1 : i32
    %add3A_1 = arith.addi %mul3A_0, %add3A : i32
    %jit3A = arith.constant 16 : i32
    %eq3A = arith.constant 0 : i32
    %eq3A_2 = arith.cmpi eq, %jit3A, %eq3A : i32
    %jit3A_3 = arith.constant 1 : i32
    %select_n3A = arith.select %eq3A_2, %jit3A_3, %jit3A : i32
    %rem3A = arith.remsi %add3A_1, %select_n3A : i32
    %ne3A = arith.constant 0 : i32
    %ne3A_4 = arith.cmpi ne, %rem3A, %ne3A : i32
    %lt3A = arith.constant 0 : i32
    %lt3A_5 = arith.cmpi slt, %rem3A, %lt3A : i32
    %lt3A_6 = arith.constant 0 : i32
    %lt3A_7 = arith.cmpi slt, %select_n3A, %lt3A_6 : i32
    %ne3A_8 = arith.xori %lt3A_5, %lt3A_7 : i1
    %and3A = arith.andi %ne3A_8, %ne3A_4 : i1
    %add3A_9 = arith.addi %rem3A, %select_n3A : i32
    %select_n3A_10 = arith.select %and3A, %add3A_9, %rem3A : i32
    %mul3A_11 = arith.constant 16 : i32
    %mul3A_12 = arith.muli %select_n3A_10, %mul3A_11 : i32
    %jit3A_13 = arith.constant 16 : i32
    %div3A = arith.divsi %add3A_1, %jit3A_13 : i32
    %sign3A = arith.constant 0 : i32
    %sign3A_14 = arith.cmpi sgt, %add3A_1, %sign3A : i32
    %sign3A_15 = arith.extui %sign3A_14 : i1 to i32
    %sign3A_16 = arith.constant 0 : i32
    %sign3A_17 = arith.cmpi slt, %add3A_1, %sign3A_16 : i32
    %sign3A_18 = arith.extui %sign3A_17 : i1 to i32
    %sign3A_19 = arith.subi %sign3A_15, %sign3A_18 : i32
    %sign3A_20 = arith.constant 0 : i32
    %sign3A_21 = arith.cmpi sgt, %jit3A_13, %sign3A_20 : i32
    %sign3A_22 = arith.extui %sign3A_21 : i1 to i32
    %sign3A_23 = arith.constant 0 : i32
    %sign3A_24 = arith.cmpi slt, %jit3A_13, %sign3A_23 : i32
    %sign3A_25 = arith.extui %sign3A_24 : i1 to i32
    %sign3A_26 = arith.subi %sign3A_22, %sign3A_25 : i32
    %ne3A_27 = arith.cmpi ne, %sign3A_19, %sign3A_26 : i32
    %rem3A_28 = arith.remsi %add3A_1, %jit3A_13 : i32
    %ne3A_29 = arith.constant 0 : i32
    %ne3A_30 = arith.cmpi ne, %rem3A_28, %ne3A_29 : i32
    %and3A_31 = arith.andi %ne3A_27, %ne3A_30 : i1
    %sub3A = arith.constant 1 : i32
    %sub3A_32 = arith.subi %div3A, %sub3A : i32
    %select_n3A_33 = arith.select %and3A_31, %sub3A_32, %div3A : i32
    %add3A_34 = arith.addi %mul3A_12, %select_n3A_33 : i32
    %sub3A_35 = arith.constant 255 : i32
    %sub3A_36 = arith.subi %sub3A_35, %add3A_1 : i32
    %jit3A_37 = arith.constant 16 : i32
    %eq3A_38 = arith.constant 0 : i32
    %eq3A_39 = arith.cmpi eq, %jit3A_37, %eq3A_38 : i32
    %jit3A_40 = arith.constant 1 : i32
    %select_n3A_41 = arith.select %eq3A_39, %jit3A_40, %jit3A_37 : i32
    %rem3A_42 = arith.remsi %sub3A_36, %select_n3A_41 : i32
    %ne3A_43 = arith.constant 0 : i32
    %ne3A_44 = arith.cmpi ne, %rem3A_42, %ne3A_43 : i32
    %lt3A_45 = arith.constant 0 : i32
    %lt3A_46 = arith.cmpi slt, %rem3A_42, %lt3A_45 : i32
    %lt3A_47 = arith.constant 0 : i32
    %lt3A_48 = arith.cmpi slt, %select_n3A_41, %lt3A_47 : i32
    %ne3A_49 = arith.xori %lt3A_46, %lt3A_48 : i1
    %and3A_50 = arith.andi %ne3A_49, %ne3A_44 : i1
    %add3A_51 = arith.addi %rem3A_42, %select_n3A_41 : i32
    %select_n3A_52 = arith.select %and3A_50, %add3A_51, %rem3A_42 : i32
    %mul3A_53 = arith.constant 16 : i32
    %mul3A_54 = arith.muli %select_n3A_52, %mul3A_53 : i32
    %jit3A_55 = arith.constant 16 : i32
    %div3A_56 = arith.divsi %sub3A_36, %jit3A_55 : i32
    %sign3A_57 = arith.constant 0 : i32
    %sign3A_58 = arith.cmpi sgt, %sub3A_36, %sign3A_57 : i32
    %sign3A_59 = arith.extui %sign3A_58 : i1 to i32
    %sign3A_60 = arith.constant 0 : i32
    %sign3A_61 = arith.cmpi slt, %sub3A_36, %sign3A_60 : i32
    %sign3A_62 = arith.extui %sign3A_61 : i1 to i32
    %sign3A_63 = arith.subi %sign3A_59, %sign3A_62 : i32
    %sign3A_64 = arith.constant 0 : i32
    %sign3A_65 = arith.cmpi sgt, %jit3A_55, %sign3A_64 : i32
    %sign3A_66 = arith.extui %sign3A_65 : i1 to i32
    %sign3A_67 = arith.constant 0 : i32
    %sign3A_68 = arith.cmpi slt, %jit3A_55, %sign3A_67 : i32
    %sign3A_69 = arith.extui %sign3A_68 : i1 to i32
    %sign3A_70 = arith.subi %sign3A_66, %sign3A_69 : i32
    %ne3A_71 = arith.cmpi ne, %sign3A_63, %sign3A_70 : i32
    %rem3A_72 = arith.remsi %sub3A_36, %jit3A_55 : i32
    %ne3A_73 = arith.constant 0 : i32
    %ne3A_74 = arith.cmpi ne, %rem3A_72, %ne3A_73 : i32
    %and3A_75 = arith.andi %ne3A_71, %ne3A_74 : i1
    %sub3A_76 = arith.constant 1 : i32
    %sub3A_77 = arith.subi %div3A_56, %sub3A_76 : i32
    %select_n3A_78 = arith.select %and3A_75, %sub3A_77, %div3A_56 : i32
    %add3A_79 = arith.addi %mul3A_54, %select_n3A_78 : i32
    %eq3A_80 = arith.constant 0 : i32
    %eq3A_81 = arith.cmpi eq, %arg1, %eq3A_80 : i32
    %eq3A_82 = arith.constant 1 : i32
    %eq3A_83 = arith.cmpi eq, %arg1, %eq3A_82 : i32
    %eq3A_84 = arith.constant 2 : i32
    %eq3A_85 = arith.cmpi eq, %arg1, %eq3A_84 : i32
    %select_n3A_86 = arith.select %eq3A_85, %sub3A_36, %add3A_79 : i32
    %select_n3A_87 = arith.select %eq3A_83, %add3A_34, %select_n3A_86 : i32
    %select_n3A_88 = arith.select %eq3A_81, %add3A_1, %select_n3A_87 : i32
    %get3A = arith.index_cast %arg0 : i32 to index
    %get3A_89 = arith.index_cast %select_n3A_88 : i32 to index
    %get3A_90 = memref.load %arg3[%get3A, %get3A_89] : memref<2x256xi32, #tpu.memory_space<smem>>
    %c0_i32 = arith.constant 0 : i32
    %c0_i32_91 = arith.constant 0 : i32
    %c0_i32_92 = arith.constant 0 : i32
    return %arg0, %arg1, %get3A_90, %c0_i32, %c0_i32_91 : i32, i32, i32, i32, i32
  }
  func.func @transform_2(%arg0: i32, %arg1: i32, %arg2: i32, %arg3: memref<2x256xi32, #tpu.memory_space<smem>>) -> (i32, i32, i32, i32, i32) {
    %mul3A = arith.constant 8 : i32
    %mul3A_0 = arith.muli %arg2, %mul3A : i32
    %add3A = arith.constant 2 : i32
    %add3A_1 = arith.addi %mul3A_0, %add3A : i32
    %jit3A = arith.constant 16 : i32
    %eq3A = arith.constant 0 : i32
    %eq3A_2 = arith.cmpi eq, %jit3A, %eq3A : i32
    %jit3A_3 = arith.constant 1 : i32
    %select_n3A = arith.select %eq3A_2, %jit3A_3, %jit3A : i32
    %rem3A = arith.remsi %add3A_1, %select_n3A : i32
    %ne3A = arith.constant 0 : i32
    %ne3A_4 = arith.cmpi ne, %rem3A, %ne3A : i32
    %lt3A = arith.constant 0 : i32
    %lt3A_5 = arith.cmpi slt, %rem3A, %lt3A : i32
    %lt3A_6 = arith.constant 0 : i32
    %lt3A_7 = arith.cmpi slt, %select_n3A, %lt3A_6 : i32
    %ne3A_8 = arith.xori %lt3A_5, %lt3A_7 : i1
    %and3A = arith.andi %ne3A_8, %ne3A_4 : i1
    %add3A_9 = arith.addi %rem3A, %select_n3A : i32
    %select_n3A_10 = arith.select %and3A, %add3A_9, %rem3A : i32
    %mul3A_11 = arith.constant 16 : i32
    %mul3A_12 = arith.muli %select_n3A_10, %mul3A_11 : i32
    %jit3A_13 = arith.constant 16 : i32
    %div3A = arith.divsi %add3A_1, %jit3A_13 : i32
    %sign3A = arith.constant 0 : i32
    %sign3A_14 = arith.cmpi sgt, %add3A_1, %sign3A : i32
    %sign3A_15 = arith.extui %sign3A_14 : i1 to i32
    %sign3A_16 = arith.constant 0 : i32
    %sign3A_17 = arith.cmpi slt, %add3A_1, %sign3A_16 : i32
    %sign3A_18 = arith.extui %sign3A_17 : i1 to i32
    %sign3A_19 = arith.subi %sign3A_15, %sign3A_18 : i32
    %sign3A_20 = arith.constant 0 : i32
    %sign3A_21 = arith.cmpi sgt, %jit3A_13, %sign3A_20 : i32
    %sign3A_22 = arith.extui %sign3A_21 : i1 to i32
    %sign3A_23 = arith.constant 0 : i32
    %sign3A_24 = arith.cmpi slt, %jit3A_13, %sign3A_23 : i32
    %sign3A_25 = arith.extui %sign3A_24 : i1 to i32
    %sign3A_26 = arith.subi %sign3A_22, %sign3A_25 : i32
    %ne3A_27 = arith.cmpi ne, %sign3A_19, %sign3A_26 : i32
    %rem3A_28 = arith.remsi %add3A_1, %jit3A_13 : i32
    %ne3A_29 = arith.constant 0 : i32
    %ne3A_30 = arith.cmpi ne, %rem3A_28, %ne3A_29 : i32
    %and3A_31 = arith.andi %ne3A_27, %ne3A_30 : i1
    %sub3A = arith.constant 1 : i32
    %sub3A_32 = arith.subi %div3A, %sub3A : i32
    %select_n3A_33 = arith.select %and3A_31, %sub3A_32, %div3A : i32
    %add3A_34 = arith.addi %mul3A_12, %select_n3A_33 : i32
    %sub3A_35 = arith.constant 255 : i32
    %sub3A_36 = arith.subi %sub3A_35, %add3A_1 : i32
    %jit3A_37 = arith.constant 16 : i32
    %eq3A_38 = arith.constant 0 : i32
    %eq3A_39 = arith.cmpi eq, %jit3A_37, %eq3A_38 : i32
    %jit3A_40 = arith.constant 1 : i32
    %select_n3A_41 = arith.select %eq3A_39, %jit3A_40, %jit3A_37 : i32
    %rem3A_42 = arith.remsi %sub3A_36, %select_n3A_41 : i32
    %ne3A_43 = arith.constant 0 : i32
    %ne3A_44 = arith.cmpi ne, %rem3A_42, %ne3A_43 : i32
    %lt3A_45 = arith.constant 0 : i32
    %lt3A_46 = arith.cmpi slt, %rem3A_42, %lt3A_45 : i32
    %lt3A_47 = arith.constant 0 : i32
    %lt3A_48 = arith.cmpi slt, %select_n3A_41, %lt3A_47 : i32
    %ne3A_49 = arith.xori %lt3A_46, %lt3A_48 : i1
    %and3A_50 = arith.andi %ne3A_49, %ne3A_44 : i1
    %add3A_51 = arith.addi %rem3A_42, %select_n3A_41 : i32
    %select_n3A_52 = arith.select %and3A_50, %add3A_51, %rem3A_42 : i32
    %mul3A_53 = arith.constant 16 : i32
    %mul3A_54 = arith.muli %select_n3A_52, %mul3A_53 : i32
    %jit3A_55 = arith.constant 16 : i32
    %div3A_56 = arith.divsi %sub3A_36, %jit3A_55 : i32
    %sign3A_57 = arith.constant 0 : i32
    %sign3A_58 = arith.cmpi sgt, %sub3A_36, %sign3A_57 : i32
    %sign3A_59 = arith.extui %sign3A_58 : i1 to i32
    %sign3A_60 = arith.constant 0 : i32
    %sign3A_61 = arith.cmpi slt, %sub3A_36, %sign3A_60 : i32
    %sign3A_62 = arith.extui %sign3A_61 : i1 to i32
    %sign3A_63 = arith.subi %sign3A_59, %sign3A_62 : i32
    %sign3A_64 = arith.constant 0 : i32
    %sign3A_65 = arith.cmpi sgt, %jit3A_55, %sign3A_64 : i32
    %sign3A_66 = arith.extui %sign3A_65 : i1 to i32
    %sign3A_67 = arith.constant 0 : i32
    %sign3A_68 = arith.cmpi slt, %jit3A_55, %sign3A_67 : i32
    %sign3A_69 = arith.extui %sign3A_68 : i1 to i32
    %sign3A_70 = arith.subi %sign3A_66, %sign3A_69 : i32
    %ne3A_71 = arith.cmpi ne, %sign3A_63, %sign3A_70 : i32
    %rem3A_72 = arith.remsi %sub3A_36, %jit3A_55 : i32
    %ne3A_73 = arith.constant 0 : i32
    %ne3A_74 = arith.cmpi ne, %rem3A_72, %ne3A_73 : i32
    %and3A_75 = arith.andi %ne3A_71, %ne3A_74 : i1
    %sub3A_76 = arith.constant 1 : i32
    %sub3A_77 = arith.subi %div3A_56, %sub3A_76 : i32
    %select_n3A_78 = arith.select %and3A_75, %sub3A_77, %div3A_56 : i32
    %add3A_79 = arith.addi %mul3A_54, %select_n3A_78 : i32
    %eq3A_80 = arith.constant 0 : i32
    %eq3A_81 = arith.cmpi eq, %arg1, %eq3A_80 : i32
    %eq3A_82 = arith.constant 1 : i32
    %eq3A_83 = arith.cmpi eq, %arg1, %eq3A_82 : i32
    %eq3A_84 = arith.constant 2 : i32
    %eq3A_85 = arith.cmpi eq, %arg1, %eq3A_84 : i32
    %select_n3A_86 = arith.select %eq3A_85, %sub3A_36, %add3A_79 : i32
    %select_n3A_87 = arith.select %eq3A_83, %add3A_34, %select_n3A_86 : i32
    %select_n3A_88 = arith.select %eq3A_81, %add3A_1, %select_n3A_87 : i32
    %get3A = arith.index_cast %arg0 : i32 to index
    %get3A_89 = arith.index_cast %select_n3A_88 : i32 to index
    %get3A_90 = memref.load %arg3[%get3A, %get3A_89] : memref<2x256xi32, #tpu.memory_space<smem>>
    %c0_i32 = arith.constant 0 : i32
    %c0_i32_91 = arith.constant 0 : i32
    %c0_i32_92 = arith.constant 0 : i32
    return %arg0, %arg1, %get3A_90, %c0_i32, %c0_i32_91 : i32, i32, i32, i32, i32
  }
  func.func @transform_3(%arg0: i32, %arg1: i32, %arg2: i32, %arg3: memref<2x256xi32, #tpu.memory_space<smem>>) -> (i32, i32, i32, i32, i32) {
    %mul3A = arith.constant 8 : i32
    %mul3A_0 = arith.muli %arg2, %mul3A : i32
    %add3A = arith.constant 3 : i32
    %add3A_1 = arith.addi %mul3A_0, %add3A : i32
    %jit3A = arith.constant 16 : i32
    %eq3A = arith.constant 0 : i32
    %eq3A_2 = arith.cmpi eq, %jit3A, %eq3A : i32
    %jit3A_3 = arith.constant 1 : i32
    %select_n3A = arith.select %eq3A_2, %jit3A_3, %jit3A : i32
    %rem3A = arith.remsi %add3A_1, %select_n3A : i32
    %ne3A = arith.constant 0 : i32
    %ne3A_4 = arith.cmpi ne, %rem3A, %ne3A : i32
    %lt3A = arith.constant 0 : i32
    %lt3A_5 = arith.cmpi slt, %rem3A, %lt3A : i32
    %lt3A_6 = arith.constant 0 : i32
    %lt3A_7 = arith.cmpi slt, %select_n3A, %lt3A_6 : i32
    %ne3A_8 = arith.xori %lt3A_5, %lt3A_7 : i1
    %and3A = arith.andi %ne3A_8, %ne3A_4 : i1
    %add3A_9 = arith.addi %rem3A, %select_n3A : i32
    %select_n3A_10 = arith.select %and3A, %add3A_9, %rem3A : i32
    %mul3A_11 = arith.constant 16 : i32
    %mul3A_12 = arith.muli %select_n3A_10, %mul3A_11 : i32
    %jit3A_13 = arith.constant 16 : i32
    %div3A = arith.divsi %add3A_1, %jit3A_13 : i32
    %sign3A = arith.constant 0 : i32
    %sign3A_14 = arith.cmpi sgt, %add3A_1, %sign3A : i32
    %sign3A_15 = arith.extui %sign3A_14 : i1 to i32
    %sign3A_16 = arith.constant 0 : i32
    %sign3A_17 = arith.cmpi slt, %add3A_1, %sign3A_16 : i32
    %sign3A_18 = arith.extui %sign3A_17 : i1 to i32
    %sign3A_19 = arith.subi %sign3A_15, %sign3A_18 : i32
    %sign3A_20 = arith.constant 0 : i32
    %sign3A_21 = arith.cmpi sgt, %jit3A_13, %sign3A_20 : i32
    %sign3A_22 = arith.extui %sign3A_21 : i1 to i32
    %sign3A_23 = arith.constant 0 : i32
    %sign3A_24 = arith.cmpi slt, %jit3A_13, %sign3A_23 : i32
    %sign3A_25 = arith.extui %sign3A_24 : i1 to i32
    %sign3A_26 = arith.subi %sign3A_22, %sign3A_25 : i32
    %ne3A_27 = arith.cmpi ne, %sign3A_19, %sign3A_26 : i32
    %rem3A_28 = arith.remsi %add3A_1, %jit3A_13 : i32
    %ne3A_29 = arith.constant 0 : i32
    %ne3A_30 = arith.cmpi ne, %rem3A_28, %ne3A_29 : i32
    %and3A_31 = arith.andi %ne3A_27, %ne3A_30 : i1
    %sub3A = arith.constant 1 : i32
    %sub3A_32 = arith.subi %div3A, %sub3A : i32
    %select_n3A_33 = arith.select %and3A_31, %sub3A_32, %div3A : i32
    %add3A_34 = arith.addi %mul3A_12, %select_n3A_33 : i32
    %sub3A_35 = arith.constant 255 : i32
    %sub3A_36 = arith.subi %sub3A_35, %add3A_1 : i32
    %jit3A_37 = arith.constant 16 : i32
    %eq3A_38 = arith.constant 0 : i32
    %eq3A_39 = arith.cmpi eq, %jit3A_37, %eq3A_38 : i32
    %jit3A_40 = arith.constant 1 : i32
    %select_n3A_41 = arith.select %eq3A_39, %jit3A_40, %jit3A_37 : i32
    %rem3A_42 = arith.remsi %sub3A_36, %select_n3A_41 : i32
    %ne3A_43 = arith.constant 0 : i32
    %ne3A_44 = arith.cmpi ne, %rem3A_42, %ne3A_43 : i32
    %lt3A_45 = arith.constant 0 : i32
    %lt3A_46 = arith.cmpi slt, %rem3A_42, %lt3A_45 : i32
    %lt3A_47 = arith.constant 0 : i32
    %lt3A_48 = arith.cmpi slt, %select_n3A_41, %lt3A_47 : i32
    %ne3A_49 = arith.xori %lt3A_46, %lt3A_48 : i1
    %and3A_50 = arith.andi %ne3A_49, %ne3A_44 : i1
    %add3A_51 = arith.addi %rem3A_42, %select_n3A_41 : i32
    %select_n3A_52 = arith.select %and3A_50, %add3A_51, %rem3A_42 : i32
    %mul3A_53 = arith.constant 16 : i32
    %mul3A_54 = arith.muli %select_n3A_52, %mul3A_53 : i32
    %jit3A_55 = arith.constant 16 : i32
    %div3A_56 = arith.divsi %sub3A_36, %jit3A_55 : i32
    %sign3A_57 = arith.constant 0 : i32
    %sign3A_58 = arith.cmpi sgt, %sub3A_36, %sign3A_57 : i32
    %sign3A_59 = arith.extui %sign3A_58 : i1 to i32
    %sign3A_60 = arith.constant 0 : i32
    %sign3A_61 = arith.cmpi slt, %sub3A_36, %sign3A_60 : i32
    %sign3A_62 = arith.extui %sign3A_61 : i1 to i32
    %sign3A_63 = arith.subi %sign3A_59, %sign3A_62 : i32
    %sign3A_64 = arith.constant 0 : i32
    %sign3A_65 = arith.cmpi sgt, %jit3A_55, %sign3A_64 : i32
    %sign3A_66 = arith.extui %sign3A_65 : i1 to i32
    %sign3A_67 = arith.constant 0 : i32
    %sign3A_68 = arith.cmpi slt, %jit3A_55, %sign3A_67 : i32
    %sign3A_69 = arith.extui %sign3A_68 : i1 to i32
    %sign3A_70 = arith.subi %sign3A_66, %sign3A_69 : i32
    %ne3A_71 = arith.cmpi ne, %sign3A_63, %sign3A_70 : i32
    %rem3A_72 = arith.remsi %sub3A_36, %jit3A_55 : i32
    %ne3A_73 = arith.constant 0 : i32
    %ne3A_74 = arith.cmpi ne, %rem3A_72, %ne3A_73 : i32
    %and3A_75 = arith.andi %ne3A_71, %ne3A_74 : i1
    %sub3A_76 = arith.constant 1 : i32
    %sub3A_77 = arith.subi %div3A_56, %sub3A_76 : i32
    %select_n3A_78 = arith.select %and3A_75, %sub3A_77, %div3A_56 : i32
    %add3A_79 = arith.addi %mul3A_54, %select_n3A_78 : i32
    %eq3A_80 = arith.constant 0 : i32
    %eq3A_81 = arith.cmpi eq, %arg1, %eq3A_80 : i32
    %eq3A_82 = arith.constant 1 : i32
    %eq3A_83 = arith.cmpi eq, %arg1, %eq3A_82 : i32
    %eq3A_84 = arith.constant 2 : i32
    %eq3A_85 = arith.cmpi eq, %arg1, %eq3A_84 : i32
    %select_n3A_86 = arith.select %eq3A_85, %sub3A_36, %add3A_79 : i32
    %select_n3A_87 = arith.select %eq3A_83, %add3A_34, %select_n3A_86 : i32
    %select_n3A_88 = arith.select %eq3A_81, %add3A_1, %select_n3A_87 : i32
    %get3A = arith.index_cast %arg0 : i32 to index
    %get3A_89 = arith.index_cast %select_n3A_88 : i32 to index
    %get3A_90 = memref.load %arg3[%get3A, %get3A_89] : memref<2x256xi32, #tpu.memory_space<smem>>
    %c0_i32 = arith.constant 0 : i32
    %c0_i32_91 = arith.constant 0 : i32
    %c0_i32_92 = arith.constant 0 : i32
    return %arg0, %arg1, %get3A_90, %c0_i32, %c0_i32_91 : i32, i32, i32, i32, i32
  }
  func.func @transform_4(%arg0: i32, %arg1: i32, %arg2: i32, %arg3: memref<2x256xi32, #tpu.memory_space<smem>>) -> (i32, i32, i32, i32, i32) {
    %mul3A = arith.constant 8 : i32
    %mul3A_0 = arith.muli %arg2, %mul3A : i32
    %add3A = arith.constant 4 : i32
    %add3A_1 = arith.addi %mul3A_0, %add3A : i32
    %jit3A = arith.constant 16 : i32
    %eq3A = arith.constant 0 : i32
    %eq3A_2 = arith.cmpi eq, %jit3A, %eq3A : i32
    %jit3A_3 = arith.constant 1 : i32
    %select_n3A = arith.select %eq3A_2, %jit3A_3, %jit3A : i32
    %rem3A = arith.remsi %add3A_1, %select_n3A : i32
    %ne3A = arith.constant 0 : i32
    %ne3A_4 = arith.cmpi ne, %rem3A, %ne3A : i32
    %lt3A = arith.constant 0 : i32
    %lt3A_5 = arith.cmpi slt, %rem3A, %lt3A : i32
    %lt3A_6 = arith.constant 0 : i32
    %lt3A_7 = arith.cmpi slt, %select_n3A, %lt3A_6 : i32
    %ne3A_8 = arith.xori %lt3A_5, %lt3A_7 : i1
    %and3A = arith.andi %ne3A_8, %ne3A_4 : i1
    %add3A_9 = arith.addi %rem3A, %select_n3A : i32
    %select_n3A_10 = arith.select %and3A, %add3A_9, %rem3A : i32
    %mul3A_11 = arith.constant 16 : i32
    %mul3A_12 = arith.muli %select_n3A_10, %mul3A_11 : i32
    %jit3A_13 = arith.constant 16 : i32
    %div3A = arith.divsi %add3A_1, %jit3A_13 : i32
    %sign3A = arith.constant 0 : i32
    %sign3A_14 = arith.cmpi sgt, %add3A_1, %sign3A : i32
    %sign3A_15 = arith.extui %sign3A_14 : i1 to i32
    %sign3A_16 = arith.constant 0 : i32
    %sign3A_17 = arith.cmpi slt, %add3A_1, %sign3A_16 : i32
    %sign3A_18 = arith.extui %sign3A_17 : i1 to i32
    %sign3A_19 = arith.subi %sign3A_15, %sign3A_18 : i32
    %sign3A_20 = arith.constant 0 : i32
    %sign3A_21 = arith.cmpi sgt, %jit3A_13, %sign3A_20 : i32
    %sign3A_22 = arith.extui %sign3A_21 : i1 to i32
    %sign3A_23 = arith.constant 0 : i32
    %sign3A_24 = arith.cmpi slt, %jit3A_13, %sign3A_23 : i32
    %sign3A_25 = arith.extui %sign3A_24 : i1 to i32
    %sign3A_26 = arith.subi %sign3A_22, %sign3A_25 : i32
    %ne3A_27 = arith.cmpi ne, %sign3A_19, %sign3A_26 : i32
    %rem3A_28 = arith.remsi %add3A_1, %jit3A_13 : i32
    %ne3A_29 = arith.constant 0 : i32
    %ne3A_30 = arith.cmpi ne, %rem3A_28, %ne3A_29 : i32
    %and3A_31 = arith.andi %ne3A_27, %ne3A_30 : i1
    %sub3A = arith.constant 1 : i32
    %sub3A_32 = arith.subi %div3A, %sub3A : i32
    %select_n3A_33 = arith.select %and3A_31, %sub3A_32, %div3A : i32
    %add3A_34 = arith.addi %mul3A_12, %select_n3A_33 : i32
    %sub3A_35 = arith.constant 255 : i32
    %sub3A_36 = arith.subi %sub3A_35, %add3A_1 : i32
    %jit3A_37 = arith.constant 16 : i32
    %eq3A_38 = arith.constant 0 : i32
    %eq3A_39 = arith.cmpi eq, %jit3A_37, %eq3A_38 : i32
    %jit3A_40 = arith.constant 1 : i32
    %select_n3A_41 = arith.select %eq3A_39, %jit3A_40, %jit3A_37 : i32
    %rem3A_42 = arith.remsi %sub3A_36, %select_n3A_41 : i32
    %ne3A_43 = arith.constant 0 : i32
    %ne3A_44 = arith.cmpi ne, %rem3A_42, %ne3A_43 : i32
    %lt3A_45 = arith.constant 0 : i32
    %lt3A_46 = arith.cmpi slt, %rem3A_42, %lt3A_45 : i32
    %lt3A_47 = arith.constant 0 : i32
    %lt3A_48 = arith.cmpi slt, %select_n3A_41, %lt3A_47 : i32
    %ne3A_49 = arith.xori %lt3A_46, %lt3A_48 : i1
    %and3A_50 = arith.andi %ne3A_49, %ne3A_44 : i1
    %add3A_51 = arith.addi %rem3A_42, %select_n3A_41 : i32
    %select_n3A_52 = arith.select %and3A_50, %add3A_51, %rem3A_42 : i32
    %mul3A_53 = arith.constant 16 : i32
    %mul3A_54 = arith.muli %select_n3A_52, %mul3A_53 : i32
    %jit3A_55 = arith.constant 16 : i32
    %div3A_56 = arith.divsi %sub3A_36, %jit3A_55 : i32
    %sign3A_57 = arith.constant 0 : i32
    %sign3A_58 = arith.cmpi sgt, %sub3A_36, %sign3A_57 : i32
    %sign3A_59 = arith.extui %sign3A_58 : i1 to i32
    %sign3A_60 = arith.constant 0 : i32
    %sign3A_61 = arith.cmpi slt, %sub3A_36, %sign3A_60 : i32
    %sign3A_62 = arith.extui %sign3A_61 : i1 to i32
    %sign3A_63 = arith.subi %sign3A_59, %sign3A_62 : i32
    %sign3A_64 = arith.constant 0 : i32
    %sign3A_65 = arith.cmpi sgt, %jit3A_55, %sign3A_64 : i32
    %sign3A_66 = arith.extui %sign3A_65 : i1 to i32
    %sign3A_67 = arith.constant 0 : i32
    %sign3A_68 = arith.cmpi slt, %jit3A_55, %sign3A_67 : i32
    %sign3A_69 = arith.extui %sign3A_68 : i1 to i32
    %sign3A_70 = arith.subi %sign3A_66, %sign3A_69 : i32
    %ne3A_71 = arith.cmpi ne, %sign3A_63, %sign3A_70 : i32
    %rem3A_72 = arith.remsi %sub3A_36, %jit3A_55 : i32
    %ne3A_73 = arith.constant 0 : i32
    %ne3A_74 = arith.cmpi ne, %rem3A_72, %ne3A_73 : i32
    %and3A_75 = arith.andi %ne3A_71, %ne3A_74 : i1
    %sub3A_76 = arith.constant 1 : i32
    %sub3A_77 = arith.subi %div3A_56, %sub3A_76 : i32
    %select_n3A_78 = arith.select %and3A_75, %sub3A_77, %div3A_56 : i32
    %add3A_79 = arith.addi %mul3A_54, %select_n3A_78 : i32
    %eq3A_80 = arith.constant 0 : i32
    %eq3A_81 = arith.cmpi eq, %arg1, %eq3A_80 : i32
    %eq3A_82 = arith.constant 1 : i32
    %eq3A_83 = arith.cmpi eq, %arg1, %eq3A_82 : i32
    %eq3A_84 = arith.constant 2 : i32
    %eq3A_85 = arith.cmpi eq, %arg1, %eq3A_84 : i32
    %select_n3A_86 = arith.select %eq3A_85, %sub3A_36, %add3A_79 : i32
    %select_n3A_87 = arith.select %eq3A_83, %add3A_34, %select_n3A_86 : i32
    %select_n3A_88 = arith.select %eq3A_81, %add3A_1, %select_n3A_87 : i32
    %get3A = arith.index_cast %arg0 : i32 to index
    %get3A_89 = arith.index_cast %select_n3A_88 : i32 to index
    %get3A_90 = memref.load %arg3[%get3A, %get3A_89] : memref<2x256xi32, #tpu.memory_space<smem>>
    %c0_i32 = arith.constant 0 : i32
    %c0_i32_91 = arith.constant 0 : i32
    %c0_i32_92 = arith.constant 0 : i32
    return %arg0, %arg1, %get3A_90, %c0_i32, %c0_i32_91 : i32, i32, i32, i32, i32
  }
  func.func @transform_5(%arg0: i32, %arg1: i32, %arg2: i32, %arg3: memref<2x256xi32, #tpu.memory_space<smem>>) -> (i32, i32, i32, i32, i32) {
    %mul3A = arith.constant 8 : i32
    %mul3A_0 = arith.muli %arg2, %mul3A : i32
    %add3A = arith.constant 5 : i32
    %add3A_1 = arith.addi %mul3A_0, %add3A : i32
    %jit3A = arith.constant 16 : i32
    %eq3A = arith.constant 0 : i32
    %eq3A_2 = arith.cmpi eq, %jit3A, %eq3A : i32
    %jit3A_3 = arith.constant 1 : i32
    %select_n3A = arith.select %eq3A_2, %jit3A_3, %jit3A : i32
    %rem3A = arith.remsi %add3A_1, %select_n3A : i32
    %ne3A = arith.constant 0 : i32
    %ne3A_4 = arith.cmpi ne, %rem3A, %ne3A : i32
    %lt3A = arith.constant 0 : i32
    %lt3A_5 = arith.cmpi slt, %rem3A, %lt3A : i32
    %lt3A_6 = arith.constant 0 : i32
    %lt3A_7 = arith.cmpi slt, %select_n3A, %lt3A_6 : i32
    %ne3A_8 = arith.xori %lt3A_5, %lt3A_7 : i1
    %and3A = arith.andi %ne3A_8, %ne3A_4 : i1
    %add3A_9 = arith.addi %rem3A, %select_n3A : i32
    %select_n3A_10 = arith.select %and3A, %add3A_9, %rem3A : i32
    %mul3A_11 = arith.constant 16 : i32
    %mul3A_12 = arith.muli %select_n3A_10, %mul3A_11 : i32
    %jit3A_13 = arith.constant 16 : i32
    %div3A = arith.divsi %add3A_1, %jit3A_13 : i32
    %sign3A = arith.constant 0 : i32
    %sign3A_14 = arith.cmpi sgt, %add3A_1, %sign3A : i32
    %sign3A_15 = arith.extui %sign3A_14 : i1 to i32
    %sign3A_16 = arith.constant 0 : i32
    %sign3A_17 = arith.cmpi slt, %add3A_1, %sign3A_16 : i32
    %sign3A_18 = arith.extui %sign3A_17 : i1 to i32
    %sign3A_19 = arith.subi %sign3A_15, %sign3A_18 : i32
    %sign3A_20 = arith.constant 0 : i32
    %sign3A_21 = arith.cmpi sgt, %jit3A_13, %sign3A_20 : i32
    %sign3A_22 = arith.extui %sign3A_21 : i1 to i32
    %sign3A_23 = arith.constant 0 : i32
    %sign3A_24 = arith.cmpi slt, %jit3A_13, %sign3A_23 : i32
    %sign3A_25 = arith.extui %sign3A_24 : i1 to i32
    %sign3A_26 = arith.subi %sign3A_22, %sign3A_25 : i32
    %ne3A_27 = arith.cmpi ne, %sign3A_19, %sign3A_26 : i32
    %rem3A_28 = arith.remsi %add3A_1, %jit3A_13 : i32
    %ne3A_29 = arith.constant 0 : i32
    %ne3A_30 = arith.cmpi ne, %rem3A_28, %ne3A_29 : i32
    %and3A_31 = arith.andi %ne3A_27, %ne3A_30 : i1
    %sub3A = arith.constant 1 : i32
    %sub3A_32 = arith.subi %div3A, %sub3A : i32
    %select_n3A_33 = arith.select %and3A_31, %sub3A_32, %div3A : i32
    %add3A_34 = arith.addi %mul3A_12, %select_n3A_33 : i32
    %sub3A_35 = arith.constant 255 : i32
    %sub3A_36 = arith.subi %sub3A_35, %add3A_1 : i32
    %jit3A_37 = arith.constant 16 : i32
    %eq3A_38 = arith.constant 0 : i32
    %eq3A_39 = arith.cmpi eq, %jit3A_37, %eq3A_38 : i32
    %jit3A_40 = arith.constant 1 : i32
    %select_n3A_41 = arith.select %eq3A_39, %jit3A_40, %jit3A_37 : i32
    %rem3A_42 = arith.remsi %sub3A_36, %select_n3A_41 : i32
    %ne3A_43 = arith.constant 0 : i32
    %ne3A_44 = arith.cmpi ne, %rem3A_42, %ne3A_43 : i32
    %lt3A_45 = arith.constant 0 : i32
    %lt3A_46 = arith.cmpi slt, %rem3A_42, %lt3A_45 : i32
    %lt3A_47 = arith.constant 0 : i32
    %lt3A_48 = arith.cmpi slt, %select_n3A_41, %lt3A_47 : i32
    %ne3A_49 = arith.xori %lt3A_46, %lt3A_48 : i1
    %and3A_50 = arith.andi %ne3A_49, %ne3A_44 : i1
    %add3A_51 = arith.addi %rem3A_42, %select_n3A_41 : i32
    %select_n3A_52 = arith.select %and3A_50, %add3A_51, %rem3A_42 : i32
    %mul3A_53 = arith.constant 16 : i32
    %mul3A_54 = arith.muli %select_n3A_52, %mul3A_53 : i32
    %jit3A_55 = arith.constant 16 : i32
    %div3A_56 = arith.divsi %sub3A_36, %jit3A_55 : i32
    %sign3A_57 = arith.constant 0 : i32
    %sign3A_58 = arith.cmpi sgt, %sub3A_36, %sign3A_57 : i32
    %sign3A_59 = arith.extui %sign3A_58 : i1 to i32
    %sign3A_60 = arith.constant 0 : i32
    %sign3A_61 = arith.cmpi slt, %sub3A_36, %sign3A_60 : i32
    %sign3A_62 = arith.extui %sign3A_61 : i1 to i32
    %sign3A_63 = arith.subi %sign3A_59, %sign3A_62 : i32
    %sign3A_64 = arith.constant 0 : i32
    %sign3A_65 = arith.cmpi sgt, %jit3A_55, %sign3A_64 : i32
    %sign3A_66 = arith.extui %sign3A_65 : i1 to i32
    %sign3A_67 = arith.constant 0 : i32
    %sign3A_68 = arith.cmpi slt, %jit3A_55, %sign3A_67 : i32
    %sign3A_69 = arith.extui %sign3A_68 : i1 to i32
    %sign3A_70 = arith.subi %sign3A_66, %sign3A_69 : i32
    %ne3A_71 = arith.cmpi ne, %sign3A_63, %sign3A_70 : i32
    %rem3A_72 = arith.remsi %sub3A_36, %jit3A_55 : i32
    %ne3A_73 = arith.constant 0 : i32
    %ne3A_74 = arith.cmpi ne, %rem3A_72, %ne3A_73 : i32
    %and3A_75 = arith.andi %ne3A_71, %ne3A_74 : i1
    %sub3A_76 = arith.constant 1 : i32
    %sub3A_77 = arith.subi %div3A_56, %sub3A_76 : i32
    %select_n3A_78 = arith.select %and3A_75, %sub3A_77, %div3A_56 : i32
    %add3A_79 = arith.addi %mul3A_54, %select_n3A_78 : i32
    %eq3A_80 = arith.constant 0 : i32
    %eq3A_81 = arith.cmpi eq, %arg1, %eq3A_80 : i32
    %eq3A_82 = arith.constant 1 : i32
    %eq3A_83 = arith.cmpi eq, %arg1, %eq3A_82 : i32
    %eq3A_84 = arith.constant 2 : i32
    %eq3A_85 = arith.cmpi eq, %arg1, %eq3A_84 : i32
    %select_n3A_86 = arith.select %eq3A_85, %sub3A_36, %add3A_79 : i32
    %select_n3A_87 = arith.select %eq3A_83, %add3A_34, %select_n3A_86 : i32
    %select_n3A_88 = arith.select %eq3A_81, %add3A_1, %select_n3A_87 : i32
    %get3A = arith.index_cast %arg0 : i32 to index
    %get3A_89 = arith.index_cast %select_n3A_88 : i32 to index
    %get3A_90 = memref.load %arg3[%get3A, %get3A_89] : memref<2x256xi32, #tpu.memory_space<smem>>
    %c0_i32 = arith.constant 0 : i32
    %c0_i32_91 = arith.constant 0 : i32
    %c0_i32_92 = arith.constant 0 : i32
    return %arg0, %arg1, %get3A_90, %c0_i32, %c0_i32_91 : i32, i32, i32, i32, i32
  }
  func.func @transform_6(%arg0: i32, %arg1: i32, %arg2: i32, %arg3: memref<2x256xi32, #tpu.memory_space<smem>>) -> (i32, i32, i32, i32, i32) {
    %mul3A = arith.constant 8 : i32
    %mul3A_0 = arith.muli %arg2, %mul3A : i32
    %add3A = arith.constant 6 : i32
    %add3A_1 = arith.addi %mul3A_0, %add3A : i32
    %jit3A = arith.constant 16 : i32
    %eq3A = arith.constant 0 : i32
    %eq3A_2 = arith.cmpi eq, %jit3A, %eq3A : i32
    %jit3A_3 = arith.constant 1 : i32
    %select_n3A = arith.select %eq3A_2, %jit3A_3, %jit3A : i32
    %rem3A = arith.remsi %add3A_1, %select_n3A : i32
    %ne3A = arith.constant 0 : i32
    %ne3A_4 = arith.cmpi ne, %rem3A, %ne3A : i32
    %lt3A = arith.constant 0 : i32
    %lt3A_5 = arith.cmpi slt, %rem3A, %lt3A : i32
    %lt3A_6 = arith.constant 0 : i32
    %lt3A_7 = arith.cmpi slt, %select_n3A, %lt3A_6 : i32
    %ne3A_8 = arith.xori %lt3A_5, %lt3A_7 : i1
    %and3A = arith.andi %ne3A_8, %ne3A_4 : i1
    %add3A_9 = arith.addi %rem3A, %select_n3A : i32
    %select_n3A_10 = arith.select %and3A, %add3A_9, %rem3A : i32
    %mul3A_11 = arith.constant 16 : i32
    %mul3A_12 = arith.muli %select_n3A_10, %mul3A_11 : i32
    %jit3A_13 = arith.constant 16 : i32
    %div3A = arith.divsi %add3A_1, %jit3A_13 : i32
    %sign3A = arith.constant 0 : i32
    %sign3A_14 = arith.cmpi sgt, %add3A_1, %sign3A : i32
    %sign3A_15 = arith.extui %sign3A_14 : i1 to i32
    %sign3A_16 = arith.constant 0 : i32
    %sign3A_17 = arith.cmpi slt, %add3A_1, %sign3A_16 : i32
    %sign3A_18 = arith.extui %sign3A_17 : i1 to i32
    %sign3A_19 = arith.subi %sign3A_15, %sign3A_18 : i32
    %sign3A_20 = arith.constant 0 : i32
    %sign3A_21 = arith.cmpi sgt, %jit3A_13, %sign3A_20 : i32
    %sign3A_22 = arith.extui %sign3A_21 : i1 to i32
    %sign3A_23 = arith.constant 0 : i32
    %sign3A_24 = arith.cmpi slt, %jit3A_13, %sign3A_23 : i32
    %sign3A_25 = arith.extui %sign3A_24 : i1 to i32
    %sign3A_26 = arith.subi %sign3A_22, %sign3A_25 : i32
    %ne3A_27 = arith.cmpi ne, %sign3A_19, %sign3A_26 : i32
    %rem3A_28 = arith.remsi %add3A_1, %jit3A_13 : i32
    %ne3A_29 = arith.constant 0 : i32
    %ne3A_30 = arith.cmpi ne, %rem3A_28, %ne3A_29 : i32
    %and3A_31 = arith.andi %ne3A_27, %ne3A_30 : i1
    %sub3A = arith.constant 1 : i32
    %sub3A_32 = arith.subi %div3A, %sub3A : i32
    %select_n3A_33 = arith.select %and3A_31, %sub3A_32, %div3A : i32
    %add3A_34 = arith.addi %mul3A_12, %select_n3A_33 : i32
    %sub3A_35 = arith.constant 255 : i32
    %sub3A_36 = arith.subi %sub3A_35, %add3A_1 : i32
    %jit3A_37 = arith.constant 16 : i32
    %eq3A_38 = arith.constant 0 : i32
    %eq3A_39 = arith.cmpi eq, %jit3A_37, %eq3A_38 : i32
    %jit3A_40 = arith.constant 1 : i32
    %select_n3A_41 = arith.select %eq3A_39, %jit3A_40, %jit3A_37 : i32
    %rem3A_42 = arith.remsi %sub3A_36, %select_n3A_41 : i32
    %ne3A_43 = arith.constant 0 : i32
    %ne3A_44 = arith.cmpi ne, %rem3A_42, %ne3A_43 : i32
    %lt3A_45 = arith.constant 0 : i32
    %lt3A_46 = arith.cmpi slt, %rem3A_42, %lt3A_45 : i32
    %lt3A_47 = arith.constant 0 : i32
    %lt3A_48 = arith.cmpi slt, %select_n3A_41, %lt3A_47 : i32
    %ne3A_49 = arith.xori %lt3A_46, %lt3A_48 : i1
    %and3A_50 = arith.andi %ne3A_49, %ne3A_44 : i1
    %add3A_51 = arith.addi %rem3A_42, %select_n3A_41 : i32
    %select_n3A_52 = arith.select %and3A_50, %add3A_51, %rem3A_42 : i32
    %mul3A_53 = arith.constant 16 : i32
    %mul3A_54 = arith.muli %select_n3A_52, %mul3A_53 : i32
    %jit3A_55 = arith.constant 16 : i32
    %div3A_56 = arith.divsi %sub3A_36, %jit3A_55 : i32
    %sign3A_57 = arith.constant 0 : i32
    %sign3A_58 = arith.cmpi sgt, %sub3A_36, %sign3A_57 : i32
    %sign3A_59 = arith.extui %sign3A_58 : i1 to i32
    %sign3A_60 = arith.constant 0 : i32
    %sign3A_61 = arith.cmpi slt, %sub3A_36, %sign3A_60 : i32
    %sign3A_62 = arith.extui %sign3A_61 : i1 to i32
    %sign3A_63 = arith.subi %sign3A_59, %sign3A_62 : i32
    %sign3A_64 = arith.constant 0 : i32
    %sign3A_65 = arith.cmpi sgt, %jit3A_55, %sign3A_64 : i32
    %sign3A_66 = arith.extui %sign3A_65 : i1 to i32
    %sign3A_67 = arith.constant 0 : i32
    %sign3A_68 = arith.cmpi slt, %jit3A_55, %sign3A_67 : i32
    %sign3A_69 = arith.extui %sign3A_68 : i1 to i32
    %sign3A_70 = arith.subi %sign3A_66, %sign3A_69 : i32
    %ne3A_71 = arith.cmpi ne, %sign3A_63, %sign3A_70 : i32
    %rem3A_72 = arith.remsi %sub3A_36, %jit3A_55 : i32
    %ne3A_73 = arith.constant 0 : i32
    %ne3A_74 = arith.cmpi ne, %rem3A_72, %ne3A_73 : i32
    %and3A_75 = arith.andi %ne3A_71, %ne3A_74 : i1
    %sub3A_76 = arith.constant 1 : i32
    %sub3A_77 = arith.subi %div3A_56, %sub3A_76 : i32
    %select_n3A_78 = arith.select %and3A_75, %sub3A_77, %div3A_56 : i32
    %add3A_79 = arith.addi %mul3A_54, %select_n3A_78 : i32
    %eq3A_80 = arith.constant 0 : i32
    %eq3A_81 = arith.cmpi eq, %arg1, %eq3A_80 : i32
    %eq3A_82 = arith.constant 1 : i32
    %eq3A_83 = arith.cmpi eq, %arg1, %eq3A_82 : i32
    %eq3A_84 = arith.constant 2 : i32
    %eq3A_85 = arith.cmpi eq, %arg1, %eq3A_84 : i32
    %select_n3A_86 = arith.select %eq3A_85, %sub3A_36, %add3A_79 : i32
    %select_n3A_87 = arith.select %eq3A_83, %add3A_34, %select_n3A_86 : i32
    %select_n3A_88 = arith.select %eq3A_81, %add3A_1, %select_n3A_87 : i32
    %get3A = arith.index_cast %arg0 : i32 to index
    %get3A_89 = arith.index_cast %select_n3A_88 : i32 to index
    %get3A_90 = memref.load %arg3[%get3A, %get3A_89] : memref<2x256xi32, #tpu.memory_space<smem>>
    %c0_i32 = arith.constant 0 : i32
    %c0_i32_91 = arith.constant 0 : i32
    %c0_i32_92 = arith.constant 0 : i32
    return %arg0, %arg1, %get3A_90, %c0_i32, %c0_i32_91 : i32, i32, i32, i32, i32
  }
  func.func @transform_7(%arg0: i32, %arg1: i32, %arg2: i32, %arg3: memref<2x256xi32, #tpu.memory_space<smem>>) -> (i32, i32, i32, i32, i32) {
    %mul3A = arith.constant 8 : i32
    %mul3A_0 = arith.muli %arg2, %mul3A : i32
    %add3A = arith.constant 7 : i32
    %add3A_1 = arith.addi %mul3A_0, %add3A : i32
    %jit3A = arith.constant 16 : i32
    %eq3A = arith.constant 0 : i32
    %eq3A_2 = arith.cmpi eq, %jit3A, %eq3A : i32
    %jit3A_3 = arith.constant 1 : i32
    %select_n3A = arith.select %eq3A_2, %jit3A_3, %jit3A : i32
    %rem3A = arith.remsi %add3A_1, %select_n3A : i32
    %ne3A = arith.constant 0 : i32
    %ne3A_4 = arith.cmpi ne, %rem3A, %ne3A : i32
    %lt3A = arith.constant 0 : i32
    %lt3A_5 = arith.cmpi slt, %rem3A, %lt3A : i32
    %lt3A_6 = arith.constant 0 : i32
    %lt3A_7 = arith.cmpi slt, %select_n3A, %lt3A_6 : i32
    %ne3A_8 = arith.xori %lt3A_5, %lt3A_7 : i1
    %and3A = arith.andi %ne3A_8, %ne3A_4 : i1
    %add3A_9 = arith.addi %rem3A, %select_n3A : i32
    %select_n3A_10 = arith.select %and3A, %add3A_9, %rem3A : i32
    %mul3A_11 = arith.constant 16 : i32
    %mul3A_12 = arith.muli %select_n3A_10, %mul3A_11 : i32
    %jit3A_13 = arith.constant 16 : i32
    %div3A = arith.divsi %add3A_1, %jit3A_13 : i32
    %sign3A = arith.constant 0 : i32
    %sign3A_14 = arith.cmpi sgt, %add3A_1, %sign3A : i32
    %sign3A_15 = arith.extui %sign3A_14 : i1 to i32
    %sign3A_16 = arith.constant 0 : i32
    %sign3A_17 = arith.cmpi slt, %add3A_1, %sign3A_16 : i32
    %sign3A_18 = arith.extui %sign3A_17 : i1 to i32
    %sign3A_19 = arith.subi %sign3A_15, %sign3A_18 : i32
    %sign3A_20 = arith.constant 0 : i32
    %sign3A_21 = arith.cmpi sgt, %jit3A_13, %sign3A_20 : i32
    %sign3A_22 = arith.extui %sign3A_21 : i1 to i32
    %sign3A_23 = arith.constant 0 : i32
    %sign3A_24 = arith.cmpi slt, %jit3A_13, %sign3A_23 : i32
    %sign3A_25 = arith.extui %sign3A_24 : i1 to i32
    %sign3A_26 = arith.subi %sign3A_22, %sign3A_25 : i32
    %ne3A_27 = arith.cmpi ne, %sign3A_19, %sign3A_26 : i32
    %rem3A_28 = arith.remsi %add3A_1, %jit3A_13 : i32
    %ne3A_29 = arith.constant 0 : i32
    %ne3A_30 = arith.cmpi ne, %rem3A_28, %ne3A_29 : i32
    %and3A_31 = arith.andi %ne3A_27, %ne3A_30 : i1
    %sub3A = arith.constant 1 : i32
    %sub3A_32 = arith.subi %div3A, %sub3A : i32
    %select_n3A_33 = arith.select %and3A_31, %sub3A_32, %div3A : i32
    %add3A_34 = arith.addi %mul3A_12, %select_n3A_33 : i32
    %sub3A_35 = arith.constant 255 : i32
    %sub3A_36 = arith.subi %sub3A_35, %add3A_1 : i32
    %jit3A_37 = arith.constant 16 : i32
    %eq3A_38 = arith.constant 0 : i32
    %eq3A_39 = arith.cmpi eq, %jit3A_37, %eq3A_38 : i32
    %jit3A_40 = arith.constant 1 : i32
    %select_n3A_41 = arith.select %eq3A_39, %jit3A_40, %jit3A_37 : i32
    %rem3A_42 = arith.remsi %sub3A_36, %select_n3A_41 : i32
    %ne3A_43 = arith.constant 0 : i32
    %ne3A_44 = arith.cmpi ne, %rem3A_42, %ne3A_43 : i32
    %lt3A_45 = arith.constant 0 : i32
    %lt3A_46 = arith.cmpi slt, %rem3A_42, %lt3A_45 : i32
    %lt3A_47 = arith.constant 0 : i32
    %lt3A_48 = arith.cmpi slt, %select_n3A_41, %lt3A_47 : i32
    %ne3A_49 = arith.xori %lt3A_46, %lt3A_48 : i1
    %and3A_50 = arith.andi %ne3A_49, %ne3A_44 : i1
    %add3A_51 = arith.addi %rem3A_42, %select_n3A_41 : i32
    %select_n3A_52 = arith.select %and3A_50, %add3A_51, %rem3A_42 : i32
    %mul3A_53 = arith.constant 16 : i32
    %mul3A_54 = arith.muli %select_n3A_52, %mul3A_53 : i32
    %jit3A_55 = arith.constant 16 : i32
    %div3A_56 = arith.divsi %sub3A_36, %jit3A_55 : i32
    %sign3A_57 = arith.constant 0 : i32
    %sign3A_58 = arith.cmpi sgt, %sub3A_36, %sign3A_57 : i32
    %sign3A_59 = arith.extui %sign3A_58 : i1 to i32
    %sign3A_60 = arith.constant 0 : i32
    %sign3A_61 = arith.cmpi slt, %sub3A_36, %sign3A_60 : i32
    %sign3A_62 = arith.extui %sign3A_61 : i1 to i32
    %sign3A_63 = arith.subi %sign3A_59, %sign3A_62 : i32
    %sign3A_64 = arith.constant 0 : i32
    %sign3A_65 = arith.cmpi sgt, %jit3A_55, %sign3A_64 : i32
    %sign3A_66 = arith.extui %sign3A_65 : i1 to i32
    %sign3A_67 = arith.constant 0 : i32
    %sign3A_68 = arith.cmpi slt, %jit3A_55, %sign3A_67 : i32
    %sign3A_69 = arith.extui %sign3A_68 : i1 to i32
    %sign3A_70 = arith.subi %sign3A_66, %sign3A_69 : i32
    %ne3A_71 = arith.cmpi ne, %sign3A_63, %sign3A_70 : i32
    %rem3A_72 = arith.remsi %sub3A_36, %jit3A_55 : i32
    %ne3A_73 = arith.constant 0 : i32
    %ne3A_74 = arith.cmpi ne, %rem3A_72, %ne3A_73 : i32
    %and3A_75 = arith.andi %ne3A_71, %ne3A_74 : i1
    %sub3A_76 = arith.constant 1 : i32
    %sub3A_77 = arith.subi %div3A_56, %sub3A_76 : i32
    %select_n3A_78 = arith.select %and3A_75, %sub3A_77, %div3A_56 : i32
    %add3A_79 = arith.addi %mul3A_54, %select_n3A_78 : i32
    %eq3A_80 = arith.constant 0 : i32
    %eq3A_81 = arith.cmpi eq, %arg1, %eq3A_80 : i32
    %eq3A_82 = arith.constant 1 : i32
    %eq3A_83 = arith.cmpi eq, %arg1, %eq3A_82 : i32
    %eq3A_84 = arith.constant 2 : i32
    %eq3A_85 = arith.cmpi eq, %arg1, %eq3A_84 : i32
    %select_n3A_86 = arith.select %eq3A_85, %sub3A_36, %add3A_79 : i32
    %select_n3A_87 = arith.select %eq3A_83, %add3A_34, %select_n3A_86 : i32
    %select_n3A_88 = arith.select %eq3A_81, %add3A_1, %select_n3A_87 : i32
    %get3A = arith.index_cast %arg0 : i32 to index
    %get3A_89 = arith.index_cast %select_n3A_88 : i32 to index
    %get3A_90 = memref.load %arg3[%get3A, %get3A_89] : memref<2x256xi32, #tpu.memory_space<smem>>
    %c0_i32 = arith.constant 0 : i32
    %c0_i32_91 = arith.constant 0 : i32
    %c0_i32_92 = arith.constant 0 : i32
    return %arg0, %arg1, %get3A_90, %c0_i32, %c0_i32_91 : i32, i32, i32, i32, i32
  }
  func.func @transform_8(%arg0: i32, %arg1: i32, %arg2: i32, %arg3: memref<2x256xi32, #tpu.memory_space<smem>>) -> (i32, i32, i32, i32) {
    %c0_i32 = arith.constant 0 : i32
    %c0_i32_0 = arith.constant 0 : i32
    %c0_i32_1 = arith.constant 0 : i32
    %c0_i32_2 = arith.constant 0 : i32
    return %arg1, %c0_i32, %c0_i32_0, %c0_i32_1 : i32, i32, i32, i32
  }
  func.func @transform_9(%arg0: i32, %arg1: i32, %arg2: i32, %arg3: memref<2x256xi32, #tpu.memory_space<smem>>) -> (i32, i32, i32) {
    %c0_i32 = arith.constant 0 : i32
    %c0_i32_0 = arith.constant 0 : i32
    %c0_i32_1 = arith.constant 0 : i32
    return %arg1, %c0_i32, %c0_i32_0 : i32, i32, i32
  }
  func.func @transform_10(%arg0: i32, %arg1: i32, %arg2: i32, %arg3: memref<2x256xi32, #tpu.memory_space<smem>>) -> (i32, i32) {
    %mul3A = arith.constant 4 : i32
    %mul3A_0 = arith.muli %arg0, %mul3A : i32
    %add3A = arith.addi %mul3A_0, %arg1 : i32
    %c0_i32 = arith.constant 0 : i32
    return %arg2, %add3A : i32, i32
  }
  func.func @transform_11(%arg0: i32, %arg1: i32, %arg2: i32, %arg3: memref<2x256xi32, #tpu.memory_space<smem>>) -> (i32, i32) {
    %mul3A = arith.constant 4 : i32
    %mul3A_0 = arith.muli %arg0, %mul3A : i32
    %add3A = arith.addi %mul3A_0, %arg1 : i32
    %c0_i32 = arith.constant 0 : i32
    return %arg2, %add3A : i32, i32
  }
}

module attributes {stable_mosaic.version = 14 : i64} {
  func.func @_scan_chunk_kernel(%arg0: i32, %arg1: memref<64x1024xf32, #tpu.memory_space<vmem>>, %arg2: memref<64x1024xf32, #tpu.memory_space<vmem>>, %arg3: memref<16x1024xf32, #tpu.memory_space<vmem>>, %arg4: memref<1x1024xf32, #tpu.memory_space<vmem>>, %arg5: memref<1x1024xf32, #tpu.memory_space<vmem>>, %arg6: memref<8x1024xf32, #tpu.memory_space<vmem>>, %arg7: memref<64x1024xf32, #tpu.memory_space<vmem>>, %arg8: memref<16x1024xf32, #tpu.memory_space<vmem>>, %arg9: memref<64x16x1024xf32, #tpu.memory_space<vmem>>, %arg10: memref<64x16x1024xf32, #tpu.memory_space<vmem>>, %arg11: memref<64x16x1024xf32, #tpu.memory_space<vmem>>) attributes {dimension_semantics = [#tpu.dimension_semantics<arbitrary>], iteration_bounds = array<i64: 196>, scalar_prefetch = 0 : i64, scratch_operands = 4 : i64, tpu.core_type = #tpu.core_type<tc>, window_params = [{transform_indices = @transform_0, window_bounds = array<i64: 64, 1024>}, {transform_indices = @transform_1, window_bounds = array<i64: 64, 1024>}, {pipeline_mode = #tpu.pipeline_mode<synchronous>, transform_indices = @transform_2, window_bounds = array<i64: 16, 1024>}, {pipeline_mode = #tpu.pipeline_mode<synchronous>, transform_indices = @transform_3, window_bounds = array<i64: 1, 1024>}, {pipeline_mode = #tpu.pipeline_mode<synchronous>, transform_indices = @transform_4, window_bounds = array<i64: 1, 1024>}, {pipeline_mode = #tpu.pipeline_mode<synchronous>, transform_indices = @transform_5, window_bounds = array<i64: 8, 1024>}, {transform_indices = @transform_6, window_bounds = array<i64: 64, 1024>}]} {
    %eq3A = arith.constant 0 : i32
    %eq3A_0 = arith.cmpi eq, %arg0, %eq3A : i32
    %convert_element_type3A = arith.extui %eq3A_0 : i1 to i32
    %cond3A = arith.constant 0 : i32
    %cond3A_1 = arith.cmpi ne, %convert_element_type3A, %cond3A : i32
    scf.if %cond3A_1 {
      %broadcast_in_dim3A_90 = arith.constant 0.000000e+00 : f32
      %broadcast_in_dim3A_91 = vector.broadcast %broadcast_in_dim3A_90 : f32 to vector<16x1024xf32>
      %swap3A_92 = arith.constant 0 : index
      %swap3A_93 = arith.constant 0 : index
      %swap3A_94 = vector.load %arg8[%swap3A_92, %swap3A_93] : memref<16x1024xf32, #tpu.memory_space<vmem>>, vector<16x1024xf32>
      tpu.vector_store %arg8[%swap3A_92, %swap3A_93], %broadcast_in_dim3A_91 {strides = array<i32>} : memref<16x1024xf32, #tpu.memory_space<vmem>>, vector<16x1024xf32>,
    } else {
    }
    %get3A = arith.constant 0 : index
    %get3A_2 = arith.constant 0 : index
    %get3A_3 = vector.load %arg2[%get3A, %get3A_2] : memref<64x1024xf32, #tpu.memory_space<vmem>>, vector<64x1024xf32>
    %get3A_4 = arith.constant 0 : index
    %get3A_5 = arith.constant 0 : index
    %get3A_6 = vector.load %arg4[%get3A_4, %get3A_5] : memref<1x1024xf32, #tpu.memory_space<vmem>>, vector<1x1024xf32>
    %get3A_7 = vector.shape_cast %get3A_6 : vector<1x1024xf32> to vector<1024xf32>
    %broadcast_in_dim3A = vector.shape_cast %get3A_7 : vector<1024xf32> to vector<1x1024xf32>
    %add3A = vector.broadcast %broadcast_in_dim3A : vector<1x1024xf32> to vector<64x1024xf32>
    %add3A_8 = arith.addf %get3A_3, %add3A : vector<64x1024xf32>
    %custom_jvp_call3A = arith.constant 0.000000e+00 : f32
    %max3A = vector.broadcast %custom_jvp_call3A : f32 to vector<64x1024xf32>
    %max3A_9 = arith.maximumf %add3A_8, %max3A : vector<64x1024xf32>
    %sub3A = vector.broadcast %custom_jvp_call3A : f32 to vector<64x1024xf32>
    %sub3A_10 = arith.subf %add3A_8, %sub3A : vector<64x1024xf32>
    %ne3A = arith.cmpf one, %sub3A_10, %sub3A_10 : vector<64x1024xf32>
    %add3A_11 = vector.broadcast %custom_jvp_call3A : f32 to vector<64x1024xf32>
    %add3A_12 = arith.addf %add3A_8, %add3A_11 : vector<64x1024xf32>
    %abs3A = math.absf %sub3A_10 : vector<64x1024xf32>
    %neg3A = arith.constant 0.000000e+00 : f32
    %neg3A_13 = vector.broadcast %neg3A : f32 to vector<64x1024xf32>
    %neg3A_14 = arith.subf %neg3A_13, %abs3A : vector<64x1024xf32>
    %exp3A = math.exp %neg3A_14 : vector<64x1024xf32>
    %log1p3A = math.log1p %exp3A : vector<64x1024xf32>
    %add3A_15 = arith.addf %max3A_9, %log1p3A : vector<64x1024xf32>
    %select_n3A = arith.select %ne3A, %add3A_12, %add3A_15 : vector<64x1024xi1>, vector<64x1024xf32>
    %get3A_16 = arith.constant 0 : index
    %get3A_17 = arith.constant 0 : index
    %get3A_18 = vector.load %arg1[%get3A_16, %get3A_17] : memref<64x1024xf32, #tpu.memory_space<vmem>>, vector<64x1024xf32>
    %mul3A = arith.mulf %select_n3A, %get3A_18 : vector<64x1024xf32>
    %broadcast_in_dim3A_19 = vector.shape_cast %select_n3A : vector<64x1024xf32> to vector<64x1x1024xf32>
    %get3A_20 = arith.constant 0 : index
    %get3A_21 = arith.constant 0 : index
    %get3A_22 = vector.load %arg3[%get3A_20, %get3A_21] : memref<16x1024xf32, #tpu.memory_space<vmem>>, vector<16x1024xf32>
    %broadcast_in_dim3A_23 = vector.shape_cast %get3A_22 : vector<16x1024xf32> to vector<1x16x1024xf32>
    %mul3A_24 = vector.broadcast %broadcast_in_dim3A_19 : vector<64x1x1024xf32> to vector<64x16x1024xf32>
    %mul3A_25 = vector.broadcast %broadcast_in_dim3A_23 : vector<1x16x1024xf32> to vector<64x16x1024xf32>
    %mul3A_26 = arith.mulf %mul3A_24, %mul3A_25 : vector<64x16x1024xf32>
    %exp3A_27 = math.exp %mul3A_26 : vector<64x16x1024xf32>
    %swap3A = arith.constant 0 : index
    %swap3A_28 = arith.constant 0 : index
    %swap3A_29 = arith.constant 0 : index
    %swap3A_30 = vector.load %arg10[%swap3A, %swap3A_28, %swap3A_29] : memref<64x16x1024xf32, #tpu.memory_space<vmem>>, vector<64x16x1024xf32>
    tpu.vector_store %arg10[%swap3A, %swap3A_28, %swap3A_29], %exp3A_27 {strides = array<i32>} : memref<64x16x1024xf32, #tpu.memory_space<vmem>>, vector<64x16x1024xf32>,
    %slice3A = vector.extract_strided_slice %get3A_3 {offsets = [0, 96], sizes = [64, 32], strides = [1, 1]} : vector<64x1024xf32> to vector<64x32xf32>
    %slice3A_31 = vector.extract_strided_slice %get3A_3 {offsets = [0, 224], sizes = [64, 32], strides = [1, 1]} : vector<64x1024xf32> to vector<64x32xf32>
    %slice3A_32 = vector.extract_strided_slice %get3A_3 {offsets = [0, 352], sizes = [64, 32], strides = [1, 1]} : vector<64x1024xf32> to vector<64x32xf32>
    %slice3A_33 = vector.extract_strided_slice %get3A_3 {offsets = [0, 480], sizes = [64, 32], strides = [1, 1]} : vector<64x1024xf32> to vector<64x32xf32>
    %slice3A_34 = vector.extract_strided_slice %get3A_3 {offsets = [0, 608], sizes = [64, 32], strides = [1, 1]} : vector<64x1024xf32> to vector<64x32xf32>
    %slice3A_35 = vector.extract_strided_slice %get3A_3 {offsets = [0, 736], sizes = [64, 32], strides = [1, 1]} : vector<64x1024xf32> to vector<64x32xf32>
    %slice3A_36 = vector.extract_strided_slice %get3A_3 {offsets = [0, 864], sizes = [64, 32], strides = [1, 1]} : vector<64x1024xf32> to vector<64x32xf32>
    %slice3A_37 = vector.extract_strided_slice %get3A_3 {offsets = [0, 992], sizes = [64, 32], strides = [1, 1]} : vector<64x1024xf32> to vector<64x32xf32>
    %stack3A = vector.shape_cast %slice3A : vector<64x32xf32> to vector<64x32x1xf32>
    %stack3A_38 = vector.shape_cast %slice3A_31 : vector<64x32xf32> to vector<64x32x1xf32>
    %stack3A_39 = vector.shape_cast %slice3A_32 : vector<64x32xf32> to vector<64x32x1xf32>
    %stack3A_40 = vector.shape_cast %slice3A_33 : vector<64x32xf32> to vector<64x32x1xf32>
    %stack3A_41 = vector.shape_cast %slice3A_34 : vector<64x32xf32> to vector<64x32x1xf32>
    %stack3A_42 = vector.shape_cast %slice3A_35 : vector<64x32xf32> to vector<64x32x1xf32>
    %stack3A_43 = vector.shape_cast %slice3A_36 : vector<64x32xf32> to vector<64x32x1xf32>
    %stack3A_44 = vector.shape_cast %slice3A_37 : vector<64x32xf32> to vector<64x32x1xf32>
    %stack3A_45 = tpu.concatenate %stack3A, %stack3A_38, %stack3A_39, %stack3A_40, %stack3A_41, %stack3A_42, %stack3A_43, %stack3A_44 in 2 : vector<64x32x1xf32>, vector<64x32x1xf32>, vector<64x32x1xf32>, vector<64x32x1xf32>, vector<64x32x1xf32>, vector<64x32x1xf32>, vector<64x32x1xf32>, vector<64x32x1xf32> -> vector<64x32x8xf32>
    %get3A_46 = arith.constant 0 : index
    %get3A_47 = arith.constant 0 : index
    %get3A_48 = vector.load %arg6[%get3A_46, %get3A_47] : memref<8x1024xf32, #tpu.memory_space<vmem>>, vector<8x1024xf32>
    %dot_general3A = arith.constant dense<0.000000e+00> : vector<64x32x1024xf32>
    %dot_general3A_49 = tpu.matmul %stack3A_45, %get3A_48, %dot_general3A {dimension_numbers = #tpu.dot_dimension_numbers<[2], [0], [0, 1], [1], [0, 0, 0, 1, 1, 1], [], []>, transpose_lhs_hint = false} : vector<64x32x8xf32>, vector<8x1024xf32>, vector<64x32x1024xf32> -> vector<64x32x1024xf32>
    %broadcast_in_dim3A_50 = vector.shape_cast %mul3A : vector<64x1024xf32> to vector<64x1x1024xf32>
    %slice3A_51 = vector.extract_strided_slice %dot_general3A_49 {offsets = [0, 0, 0], sizes = [64, 16, 1024], strides = [1, 1, 1]} : vector<64x32x1024xf32> to vector<64x16x1024xf32>
    %mul3A_52 = vector.broadcast %broadcast_in_dim3A_50 : vector<64x1x1024xf32> to vector<64x16x1024xf32>
    %mul3A_53 = arith.mulf %mul3A_52, %slice3A_51 : vector<64x16x1024xf32>
    %swap3A_54 = arith.constant 0 : index
    %swap3A_55 = arith.constant 0 : index
    %swap3A_56 = arith.constant 0 : index
    %swap3A_57 = vector.load %arg11[%swap3A_54, %swap3A_55, %swap3A_56] : memref<64x16x1024xf32, #tpu.memory_space<vmem>>, vector<64x16x1024xf32>
    tpu.vector_store %arg11[%swap3A_54, %swap3A_55, %swap3A_56], %mul3A_53 {strides = array<i32>} : memref<64x16x1024xf32, #tpu.memory_space<vmem>>, vector<64x16x1024xf32>,
    %get3A_58 = arith.constant 0 : index
    %get3A_59 = arith.constant 0 : index
    %get3A_60 = vector.load %arg8[%get3A_58, %get3A_59] : memref<16x1024xf32, #tpu.memory_space<vmem>>, vector<16x1024xf32>
    %scan3A = arith.constant 0 : i32
    %scan3A_61 = arith.constant 64 : i32
    %scan3A_62 = arith.addi %scan3A, %scan3A_61 : i32
    %scan3A_63 = arith.constant 1 : i32
    %scan3A_64 = scf.for %scan3A_90 = %scan3A to %scan3A_62 step %scan3A_63 iter_args(%scan3A_91 = %get3A_60) -> (vector<16x1024xf32>)  : i32 {
      %get3A_92 = arith.index_cast %scan3A_90 : i32 to index
      %get3A_93 = arith.constant 0 : index
      %get3A_94 = arith.constant 0 : index
      %get3A_95 = vector.load %arg10[%get3A_92, %get3A_93, %get3A_94] : memref<64x16x1024xf32, #tpu.memory_space<vmem>>, vector<1x16x1024xf32>
      %get3A_96 = vector.shape_cast %get3A_95 : vector<1x16x1024xf32> to vector<16x1024xf32>
      %mul3A_97 = arith.mulf %get3A_96, %scan3A_91 : vector<16x1024xf32>
      %get3A_98 = arith.index_cast %scan3A_90 : i32 to index
      %get3A_99 = arith.constant 0 : index
      %get3A_100 = arith.constant 0 : index
      %get3A_101 = vector.load %arg11[%get3A_98, %get3A_99, %get3A_100] : memref<64x16x1024xf32, #tpu.memory_space<vmem>>, vector<1x16x1024xf32>
      %get3A_102 = vector.shape_cast %get3A_101 : vector<1x16x1024xf32> to vector<16x1024xf32>
      %add3A_103 = arith.addf %mul3A_97, %get3A_102 : vector<16x1024xf32>
      %swap3A_104 = arith.index_cast %scan3A_90 : i32 to index
      %swap3A_105 = arith.constant 0 : index
      %swap3A_106 = arith.constant 0 : index
      %swap3A_107 = vector.load %arg9[%swap3A_104, %swap3A_105, %swap3A_106] : memref<64x16x1024xf32, #tpu.memory_space<vmem>>, vector<1x16x1024xf32>
      %swap3A_108 = vector.shape_cast %swap3A_107 : vector<1x16x1024xf32> to vector<16x1024xf32>
      %swap3A_109 = vector.shape_cast %add3A_103 : vector<16x1024xf32> to vector<1x16x1024xf32>
      tpu.vector_store %arg9[%swap3A_104, %swap3A_105, %swap3A_106], %swap3A_109 {strides = array<i32>} : memref<64x16x1024xf32, #tpu.memory_space<vmem>>, vector<1x16x1024xf32>,
      scf.yield %add3A_103 : vector<16x1024xf32>
    }
    %scan3A_65 = arith.constant 64 : i32
    %swap3A_66 = arith.constant 0 : index
    %swap3A_67 = arith.constant 0 : index
    %swap3A_68 = vector.load %arg8[%swap3A_66, %swap3A_67] : memref<16x1024xf32, #tpu.memory_space<vmem>>, vector<16x1024xf32>
    tpu.vector_store %arg8[%swap3A_66, %swap3A_67], %scan3A_64 {strides = array<i32>} : memref<16x1024xf32, #tpu.memory_space<vmem>>, vector<16x1024xf32>,
    %get3A_69 = arith.constant 0 : index
    %get3A_70 = arith.constant 0 : index
    %get3A_71 = arith.constant 0 : index
    %get3A_72 = vector.load %arg9[%get3A_69, %get3A_70, %get3A_71] : memref<64x16x1024xf32, #tpu.memory_space<vmem>>, vector<64x16x1024xf32>
    %slice3A_73 = vector.extract_strided_slice %dot_general3A_49 {offsets = [0, 16, 0], sizes = [64, 16, 1024], strides = [1, 1, 1]} : vector<64x32x1024xf32> to vector<64x16x1024xf32>
    %mul3A_74 = arith.mulf %get3A_72, %slice3A_73 : vector<64x16x1024xf32>
    %reduce_sum3A = arith.constant dense<0.000000e+00> : vector<64x1024xf32>
    %reduce_sum3A_75 = vector.multi_reduction <add>, %mul3A_74, %reduce_sum3A [1] : vector<64x16x1024xf32> to vector<64x1024xf32>
    %get3A_76 = arith.constant 0 : index
    %get3A_77 = arith.constant 0 : index
    %get3A_78 = vector.load %arg1[%get3A_76, %get3A_77] : memref<64x1024xf32, #tpu.memory_space<vmem>>, vector<64x1024xf32>
    %get3A_79 = arith.constant 0 : index
    %get3A_80 = arith.constant 0 : index
    %get3A_81 = vector.load %arg5[%get3A_79, %get3A_80] : memref<1x1024xf32, #tpu.memory_space<vmem>>, vector<1x1024xf32>
    %get3A_82 = vector.shape_cast %get3A_81 : vector<1x1024xf32> to vector<1024xf32>
    %broadcast_in_dim3A_83 = vector.shape_cast %get3A_82 : vector<1024xf32> to vector<1x1024xf32>
    %mul3A_84 = vector.broadcast %broadcast_in_dim3A_83 : vector<1x1024xf32> to vector<64x1024xf32>
    %mul3A_85 = arith.mulf %get3A_78, %mul3A_84 : vector<64x1024xf32>
    %add3A_86 = arith.addf %reduce_sum3A_75, %mul3A_85 : vector<64x1024xf32>
    %swap3A_87 = arith.constant 0 : index
    %swap3A_88 = arith.constant 0 : index
    %swap3A_89 = vector.load %arg7[%swap3A_87, %swap3A_88] : memref<64x1024xf32, #tpu.memory_space<vmem>>, vector<64x1024xf32>
    tpu.vector_store %arg7[%swap3A_87, %swap3A_88], %add3A_86 {strides = array<i32>} : memref<64x1024xf32, #tpu.memory_space<vmem>>, vector<64x1024xf32>,
    return
  }
  func.func @transform_0(%arg0: i32) -> (i32, i32) {
    %c0_i32 = arith.constant 0 : i32
    %c0_i32_0 = arith.constant 0 : i32
    return %arg0, %c0_i32 : i32, i32
  }
  func.func @transform_1(%arg0: i32) -> (i32, i32) {
    %c0_i32 = arith.constant 0 : i32
    %c0_i32_0 = arith.constant 0 : i32
    return %arg0, %c0_i32 : i32, i32
  }
  func.func @transform_2(%arg0: i32) -> (i32, i32) {
    %c0_i32 = arith.constant 0 : i32
    %c0_i32_0 = arith.constant 0 : i32
    %c0_i32_1 = arith.constant 0 : i32
    return %c0_i32, %c0_i32_0 : i32, i32
  }
  func.func @transform_3(%arg0: i32) -> (i32, i32) {
    %c0_i32 = arith.constant 0 : i32
    %c0_i32_0 = arith.constant 0 : i32
    %c0_i32_1 = arith.constant 0 : i32
    return %c0_i32, %c0_i32_0 : i32, i32
  }
  func.func @transform_4(%arg0: i32) -> (i32, i32) {
    %c0_i32 = arith.constant 0 : i32
    %c0_i32_0 = arith.constant 0 : i32
    %c0_i32_1 = arith.constant 0 : i32
    return %c0_i32, %c0_i32_0 : i32, i32
  }
  func.func @transform_5(%arg0: i32) -> (i32, i32) {
    %c0_i32 = arith.constant 0 : i32
    %c0_i32_0 = arith.constant 0 : i32
    %c0_i32_1 = arith.constant 0 : i32
    return %c0_i32, %c0_i32_0 : i32, i32
  }
  func.func @transform_6(%arg0: i32) -> (i32, i32) {
    %c0_i32 = arith.constant 0 : i32
    %c0_i32_0 = arith.constant 0 : i32
    return %arg0, %c0_i32 : i32, i32
  }
}

</mosaic_0001>

<sc_bundles>
// kernel: sparse-core-data-format-call.1.cloned.1.call-start
scs
called_computation.1_lowered:
.L_overlay_start_0:
0x0: {  	s1 =	sld [smem:$0x3FD9]  }
0x1: {  	s2 =	sld [smem:$0x3FFE];
	_ =	sdelay $0x1  }
0x2: {  	s3 =	srdreg.scid  }
0x3: {  	s0 =	sand.u32 $0x1, s3  }
0x4: {  	s17 =	sshll.u32 s0, $0xA;
	s1 =	sadd.s32 s2, s1  }
0x5: {  	s1 =	sadd.s32 s1, s17  }
0x6: {  	[smem:$0x3FBE] =	sst s1  }
0x7: {  	_ = 	snop  }
0x8: {  	(tm) =	ssettm $0x1  }
0x9: {  	s18 =	sld [smem:$0x3FFB];
	_ =	sdelay $0x3  }
0xa: {  	_ =	strace s18  }
0xb: {  	s1 =	sld [smem:$0x3FFC];
	_ =	sdelay $0x3  }
0xc: {  	_ =	strace s1  }
0xd: {  	s1 =	sld [smem:$0x3FFD];
	_ =	sdelay $0x3  }
0xe: {  	_ =	strace s1  }
0xf: {  	_ =	strace $0x8FFFFFFF  }
0x10: {  	s19 =	sld [smem:$0x3FDB];
	_ =	sdelay $0x1  }
0x11: {  	s20 =	simm.s32 $_scs_section_size  }
0x12: {  	s4 =	simm.s32 $_size__tile_overlayer_lowered;
	s5 =	simm.s32 $_tile_overlayer_lowered  }
0x13: {  	s23 =	simm.s32 $0x1BFF;
	s22 =	sshll.u32 s5, $0x1;
	s1 =	sadd.s32 s20, s19  }
0x14: {  	s6 =	simm.s32 $0x0;
	s21 =	sshll.u32 s4, $0x1;
	s4 =	sadd.s32 s22, s1  }
0x15: {  	[timem:s6], [sflag:s23] =	dma.local [hbm:s4], s21  }
0x16: {  	_ =	swait.ge [sflag:s23], s21  }
0x17: {  	s2 =	ssub.s32 $0x0, s21;
	[sflag:s23] =	ssyncset.done $0x0  }
0x18: {  	[sflag:s23] =	ssyncadd.s32 s2;
	_ =	sdelay $0x1  }
0x19: {  	s24 =	simm.s32 $0x1B8B  }
0x1a: {  	_ =	swait.ge [sflag:s24], $0x1  }
0x1b: {  	[sflag:s24] =	ssyncset.done $0x0  }
0x1c: {  	s26 =	simm.s32 $0x1B8E;
	s25 =	sld [smem:$0x3FFE];
	[sflag:s24] =	ssyncadd.s32 $0xFFFFFFFF  }
0x1d: {  	s27 =	simm.s32 $execute0_lowered;
	[smem:$0x3FD2] =	sst s26  }
0x1e: {  	s4 =	sshll.u32 s27, $0x1;
	_ =	strace $0x80000058;
	[dreg:$0x1] =	wrdreg $0xFFFFFFFF  }
0x1f: {  	s28 =	simm.s32 $_size_execute0_lowered;
	s1 =	sadd.s32 s1, s4;
	[dreg:$0x0] =	wrdreg $0x0  }
0x20: {  	s4 =	sshll.u32 s28, $0x1;
	[dreg:$0x2] =	wrdreg s1  }
0x21: {  	[dreg:$0x3] =	wrdreg s4  }
0x22: {  	[dreg:$0x4] =	wrdreg $0xC0  }
0x23: {  	_ =	task [dreg:s6], $0x5FFFF  }
0x24: {  	[dreg:$0x1] =	wrdreg $0xFFFFFFFF  }
0x25: {  	[dreg:$0x0] =	wrdreg $0x60  }
0x26: {  	[dreg:$0x2] =	wrdreg s25  }
0x27: {  	[dreg:$0x3] =	wrdreg $0x9  }
0x28: {  	_ =	task.clear_ibuf [dreg:s6], $0x4FFFF;
	_ =	strace $0x90000058  }
0x29: {  	s29 =	simm.s32 $0x9;
	_ =	strace $0x8000005A  }
0x2a: {  	_ =	swait.ge [sflag:s29], $0x1  }
0x2b: {  	[sflag:s29] =	ssyncadd.s32 $0xFFFFFFFF  }
0x2c: {  	_ =	strace $0x9000005A  }
0x2d: {  	_ =	sfence  }
0x2e: {  	s30 =	sld [smem:$0x0];
	_ =	sdelay $0x2  }
0x2f: {  	s31 =	sshll.u32 s3, $0xD;
	s3 =	sshrl.u32 s3, $0x2  }
0x30: {  	s2 =	sand.u32 $0x4000, s31;
	s1 =	sadd.s32 s3, s30  }
0x31: {  	s0 =	sor.u32 s2, s0;
	s1 =	sshll.u32 s1, $0x11  }
0x32: {  	s0 =	sor.u32 s1, s0  }
0x33: {  	s0 =	sadd.s32 $0x8F2B, s0  }
0x34: {  	[sflag:s0] =	ssyncadd.remote.s32 $0x1  }
0x35: {  	_ =	sfence.sel $0xFFFF  }
0x36: {  	[dreg:$0x0] =	wrdreg $0xFFFFFFFF;
	(pc) =	sbr.abs _section_cstart, $3  }
0x37: {  	[dreg:$0x1] =	wrdreg $0xFFFFFFFF  }
0x38: {  	_ =	task.clear_ibuf [dreg:s6], $0x2FFFF;
	_ =	strace $0x9FFFFFFF  }
0x39: {  	(tm) =	ssettm $0x7FFFFFFF  }
tec
execute0_lowered:
.L_overlay_start_1:
0x0: {  	(tag) =	ssettag $0x1  }
0x1: {  	s0 =	srdreg.scid;
	s4 =	rddreg [dreg:$0x0];
	s5 =	simm.s32 $0x2  }
0x2: {  	s14 =	simm.s32 $0x0;
	p0 =	por $0x0, $0x0;
	s7 =	simm.s32 $0x1500  }
0x3: {  	s13 =	simm.s32 $0x0;
	s15 =	simm.s32 $0x0;
	s16 =	simm.s32 $0x0  }
0x4: {  	s17 =	simm.s32 $0x0;
	s9 =	simm.s32 $0x0;
	s1 =	sshll.u32 s0, $0x4  }
0x5: {  	s10 =	simm.s32 $0x0;
	s0 =	stileid.u32;
	s1 =	sand.u32 $0x10, s1  }
.Ltmp0:
0x6: {  	s11 =	simm.s32 $0x0;
	s2 =	sor.u32 s0, s1;
	(pc) =	sbr.rel .LBB1_1-.Ltmp0, $4  }
0x7: {  	s12 =	simm.s32 $0x0;
	s1 =	rddreg [dreg:$0x1];
	s3 =	sshll.u32 s2, $0x4  }
0x8: {  	_ =	strace $0x80000059;
	s6 =	sadd.s32 s3, s4;
	s3 =	simm.s32 $0x1  }
0x9: {  	s8 =	simm.s32 $0x0;
	s4 =	sadd.s32 $0x1E00, s4;
	[sflag:s3] =	ssyncpa.u1 $0x0  }
0xa: {  	[sflag:s5] =	ssyncpa.u1 $0x0;
	s5 =	sadd.s32 $0x499E00, s6;
	s6 =	sadd.s32 $0xDC9E00, s6  }
.LBB1_7:
0xb: {  	s18 =	sadd.s32 $0x1, s9  }
0xc: {  	s13 =	simm.s32 $0x1;
	p2 =	sgt.s32 s18, $0x6  }
0xd: {  	s13 =	simm.s32 @!p2 $0x0  }
0xe: {  	s19 =	sadd.s32 s13, s10  }
0xf: {  	s20 =	smov.u32 s11;
	s13 =	sadd.s32 $0x80, s11;
	p3 =	sgt.s32 s19, $0x6  }
0x10: {  	s20 =	smov.u32 @p3 s13  }
0x11: {  	s21 =	smov.u32 s12;
	s13 =	sadd.s32 $0x2, s12;
	p4 =	sgt.s32 s20, $0x17F  }
0x12: {  	p1 =	slt.u32 s8, $0x2;
	s8 =	sadd.s32 $0x1, s8;
	s21 =	smov.u32 @p4 s13  }
0x13: {  	s15 =	smov.u32 s10;
	s18 =	simm.s32 @p2 $0x0;
	p2 =	sgt.s32 s21, $0x1  }
0x14: {  	s14 =	simm.s32 @!p1 $0x2;
	s21 =	simm.s32 @p2 $0x0;
	p2 =	sne.s32 s8, $0x95  }
.Ltmp1:
0x15: {  	s16 =	smov.u32 s11;
	_ =	swait.ge @!p1 [sflag:s14], $0x2000;
	(pc) =	sbr.rel @!p2 .LBB1_8-.Ltmp1, $4  }
0x16: {  	s17 =	smov.u32 s12;
	p0 =	por !p0, !p0;
	[sflag:s14] =	ssyncset.done @!p1 $0x0  }
0x17: {  	[sflag:s14] =	ssyncadd.s32 @!p1 $0xFFFFE000;
	s14 =	smov.u32 s2;
	s19 =	simm.s32 @p3 $0x0  }
0x18: {  	s10 =	smov.u32 s19;
	s20 =	simm.s32 @p4 $0x0;
	s13 =	smov.u32 s9  }
0x19: {  	s9 =	smov.u32 s18;
	s11 =	smov.u32 s20;
	s12 =	smov.u32 s21  }
.LBB1_1:
0x1a: {  	p1 =	sgt.u32 s8, $0x92  }
0x1b: {  	s18 =	smul.u32 @!p1 $0x930000, s12  }
0x1c: {  	s19 =	smul.u32 @!p1 $0x6200, s11  }
0x1d: {  	s20 =	sxor.u32 @!p1 $0xFFFFFFFF, s8;
	s21 =	smul.u32 @!p1 $0xE00, s10  }
0x1e: {  	s23 =	sshll.u32 @!p1 s9, $0x9;
	s24 =	simm.s32 @!p1 $0x20;
	s22 =	sadd.s32 @!p1 s18, s19  }
0x1f: {  	s25 =	simm.s32 @!p1 $0x31000;
	s18 =	sadd.s32 @!p1 s18, s6;
	s22 =	sadd.s32 @!p1 s5, s22  }
0x20: {  	s20 =	sshll.u32 @!p1 s20, $0xD;
	s18 =	sadd.s32 @!p1 s19, s18;
	s22 =	sadd.s32 @!p1 s21, s22  }
0x21: {  	s20 =	sand.u32 @!p1 $0x2000, s20;
	s18 =	sadd.s32 @!p1 s21, s18;
	s22 =	sadd.s32 @!p1 s23, s22  }
0x22: {  	[tilespmem:s20], [sflag:$0x1] =	stream.strided.gather @!p1 [hbm4b:s22+s24], $0x1000, s25, s24, $0x38;
	[tilespmem:$0x8080] =	vst v63  }
0x23: {  	s19 =	sor.u32 @!p1 $0x1000, s20;
	s18 =	sadd.s32 @!p1 s23, s18  }
0x24: {  	[tilespmem:s19], [sflag:$0x1] =	stream.strided.gather @!p1 [hbm4b:s18+s24], $0x1000, s25, s24, $0x38;
	[tilespmem:$0x8080] =	vst v63  }
0x25: {  	p1 =	seq.s32 s8, $0x0  }
0x26: {  	p2 =	seq.s32 @!p1 s8, $0x94  }
0x27: {  	p1 =	por p1, p2  }
.Ltmp2:
0x28: {  	_ = 	snop;
	(pc) =	sbr.rel @p1 .LBB1_7-.Ltmp2, $1  }
0x29: {  	_ =	sdelay $0x3  }
0x2a: {  	s18 =	simm.s32 $0x1;
	s20 =	sand.u32 $0x1, s8  }
0x2b: {  	_ =	swait.ge [sflag:s3], $0x2000;
	s18 =	simm.s32 @!p0 $0x0;
	s20 =	smul.u32 $0x8100, s20  }
0x2c: {  	p2 =	por $0x1, $0x1;
	[sflag:s3] =	ssyncset.done $0x0;
	s19 =	smul.u32 $0x8100, s18  }
0x2d: {  	s21 =	sshll.u32 s18, $0xF;
	[sflag:s3] =	ssyncadd.s32 $0xFFFFE000;
	s30 =	sshrl.u32 s20, $0x2  }
0x2e: {  	s31 =	sshrl.u32 s21, $0x2;
	s21 =	simm.s32 $0x0;
	s19 =	sshrl.u32 s19, $0x2  }
0x2f: {  	s18 =	sor.u32 $0x4000, s30;
	s20 =	sadd.s32 $0x10, s31;
	s19 =	sor.u32 $0x4000, s19  }
.LBB1_3:
0x30: {  	s22 =	sshll.u32 s21, $0xC  }
0x31: {  	s22 =	sand.u32 $0x3FFFF000, s22  }
0x32: {  	s23 =	sadd.s32 s22, s20  }
0x33: {  	s31 =	sand.u32 $0x1, s21;
	v1 =	vld [tilespmem:s23+$0x0]  }
0x34: {  	s21 =	simm.s32 $0x81;
	p1 =	seq.s32 s31, $0x1;
	v0 =	vld [tilespmem:s23+$0xFFFFFFF0]  }
0x35: {  	s21 =	simm.s32 @!p1 $0x0  }
0x36: {  	s21 =	sadd.s32 s21, s19  }
0x37: {  	s24 =	sadd.s32 $0x0, s21  }
0x38: {  	p1 =	por p2, p2;
	s22 =	simm.s32 $0x4;
	s23 =	sadd.s32 $0x20, s23;
	[tilespmem:s24+$0x1020 ss:$0x102] =	vst.msk $0xffff, v1  }
.LBB1_4:
0x39: {  	v1 =	vld [tilespmem:s23+$0x0];
	p2 =	sne.s32 s22, $0x1FC;
	[tilespmem:s24+$0x0 ss:$0x102] =	vst.msk $0xffff, v0;
	s24 =	smov.u32 s22;
	s22 =	sadd.s32 $0x4, s22  }
.Ltmp3:
0x3a: {  	v0 =	vld [tilespmem:s23+$0xFFFFFFF0];
	(pc) =	sbr.rel @p2 .LBB1_4-.Ltmp3, $4  }
0x3b: {  	_ = 	snop  }
0x3c: {  	s24 =	sshra.s32 s24, $0x2  }
0x3d: {  	s24 =	sadd.s32 s24, s21  }
0x3e: {  	s23 =	sadd.s32 $0x20, s23;
	[tilespmem:s24+$0x1020 ss:$0x102] =	vst.msk $0xffff, v1  }
.Ltmp4:
0x3f: {  	(pc) =	sbr.rel @p1 .LBB1_3-.Ltmp4, $2  }
0x40: {  	_ =	sdelay $0x2  }
0x41: {  	[tilespmem:s24+$0x0 ss:$0x102] =	vst.msk $0xffff, v0;
	s21 =	simm.s32 $0x1;
	p2 =	por $0x0, $0x0  }
0x42: {  	s19 =	sshrl.u32 s17, $0x1  }
0x43: {  	s20 =	sshll.u32 s16, $0x1;
	s19 =	smul.u32 $0x300, s19  }
0x44: {  	s27 =	sshll.u32 s17, $0x7;
	s20 =	sand.u32 $0xFFFFFF00, s20  }
0x45: {  	s17 =	sand.u32 $0x80, s27;
	s19 =	sadd.s32 s19, s20  }
0x46: {  	s28 =	sand.u32 $0x7F, s16;
	s17 =	sor.u32 s17, s19  }
0x47: {  	s16 =	sor.u32 s28, s17;
	s17 =	smulhi.u32 $0xAAAAAAAB, s17  }
0x48: {  	s29 =	smulhi.u32 $0xAAAAAAAB, s16  }
0x49: {  	s15 =	smul.u32 $0x5400, s15  }
0x4a: {  	s13 =	smul.u32 $0x60, s13;
	s17 =	sshrl.u32 s17, $0x8;
	s19 =	sshrl.u32 s29, $0x8  }
0x4b: {  	s15 =	sadd.s32 s4, s15;
	s17 =	sand.u32 $0x1, s17;
	s19 =	smul.u32 $0x180, s19  }
0x4c: {  	s14 =	smul.u32 $0x24C00, s14;
	s13 =	sadd.s32 s13, s15;
	p1 =	seq.s32 s17, $0x1  }
.Ltmp5:
0x4d: {  	s17 =	simm.s32 $0x30;
	s16 =	ssub.s32 s16, s19;
	(pc) =	sbr.rel .LBB1_7-.Ltmp5, $4  }
0x4e: {  	s13 =	sadd.s32 s14, s13;
	s17 =	simm.s32 @!p1 $0x0;
	s30 =	sand.u32 $0x7, s16  }
0x4f: {  	s13 =	sadd.s32 s17, s13;
	s31 =	sshrl.u32 s16, $0x3;
	s14 =	sshll.u32 s30, $0x12  }
0x50: {  	s13 =	sadd.s32 s31, s13;
	s14 =	sor.u32 $0x100, s14  }
0x51: {  	[hbm4b:s13+s14] =	stream.strided.scatter [tilespmem:s18], [sflag:$0x2], $0x2000, s7, s14, $0x20;
	[tilespmem:$0x8080] =	vst v63  }
.LBB1_8:
0x52: {  	_ =	sfence.sel $0x180000  }
0x53: {  	s2 =	simm.s32 $0x1;
	[bflag:$0x0] =	sbarrier.arrive $0xFFFF  }
0x54: {  	s31 =	simm.s32 $0x2;
	[sflag:s2] =	ssyncpa.u1 $0x1  }
0x55: {  	[sflag:s31] =	ssyncpa.u1 $0x1  }
0x56: {  	p0 =	sne.s32 s0, $0x0;
	_ =	strace $0x90000059  }
0x57: {  	s0 =	sadd.s32 @!p0 $0x100000, s1;
	[bflag:$0x2] =	sbarrier.arrive $0xFFFF  }
0x58: {  	[sflag:s0] =	ssyncadd.tile.s32 @!p0 $0x1;
	_ =	shalt  }
.Lfunc_end1:
_tile_overlayer_lowered:
.L_overlay_start_2:
0x59: {  	(tag) =	ssettag $0x2  }
0x5a: {  	s0 =	rddreg [dreg:$0x0];
	s2 =	stileid.u32  }
0x5b: {  	s1 =	rddreg [dreg:$0x1];
	p0 =	sne.s32 s2, $0x0  }
0x5c: {  	s3 =	rddreg [dreg:$0x2];
	[bflag:$0x3] =	sbarrier.arrive $0xFFFF;
	s2 =	simm.s32 @!p0 $0x1C01  }
0x5d: {  	[timem:s3], [sflag:s2] =	dma.local @!p0 [hbm:s0], s1  }
0x5e: {  	s0 =	simm.s32 @!p0 $0x1  }
0x5f: {  	_ =	swait.ge @!p0 [sflag:s0], s1  }
0x60: {  	s1 =	ssub.s32 @!p0 $0x0, s1;
	[sflag:s0] =	ssyncset.done @!p0 $0x0  }
0x61: {  	[sflag:s0] =	ssyncadd.s32 @!p0 s1  }
0x62: {  	[bflag:$0x3] =	sbarrier.arrive $0xFFFF  }
0x63: {  	_ =	shalt  }

// kernel: sparse-core-data-format-call.2.cloned.1.call-start
scs
called_computation.2_lowered:
.L_overlay_start_0:
0x0: {  	s2 =	sld [smem:$0x3FD9]  }
0x1: {  	s3 =	sld [smem:$0x3FFE];
	_ =	sdelay $0x1  }
0x2: {  	s1 =	srdreg.scid  }
0x3: {  	s0 =	sand.u32 $0x1, s1  }
0x4: {  	s18 =	sshll.u32 s0, $0xA;
	s2 =	sadd.s32 s3, s2  }
0x5: {  	s2 =	sadd.s32 s2, s18  }
0x6: {  	[smem:$0x3FBE] =	sst s2  }
0x7: {  	_ = 	snop  }
0x8: {  	s2 =	sld [smem:$0x3FD0];
	(tm) =	ssettm $0x1  }
0x9: {  	s19 =	sld [smem:$0x3FFB];
	_ =	sdelay $0x3  }
0xa: {  	_ =	strace s19  }
0xb: {  	s3 =	sld [smem:$0x3FFC];
	_ =	sdelay $0x3  }
0xc: {  	_ =	strace s3  }
0xd: {  	s3 =	sld [smem:$0x3FFD];
	_ =	sdelay $0x3  }
0xe: {  	_ =	strace s3  }
0xf: {  	_ =	strace $0x8FFFFFFF  }
0x10: {  	s20 =	sld [smem:$0x3FDB];
	_ =	sdelay $0x1  }
0x11: {  	s4 =	simm.s32 $_scs_section_size  }
0x12: {  	s5 =	simm.s32 $_size__tile_overlayer_lowered;
	s6 =	simm.s32 $_tile_overlayer_lowered  }
0x13: {  	s23 =	simm.s32 $0x1BFF;
	s22 =	sshll.u32 s6, $0x1;
	s3 =	sadd.s32 s4, s20  }
0x14: {  	s7 =	simm.s32 $0x0;
	s21 =	sshll.u32 s5, $0x1;
	s5 =	sadd.s32 s22, s3  }
0x15: {  	[timem:s7], [sflag:s23] =	dma.local [hbm:s5], s21  }
0x16: {  	_ =	swait.ge [sflag:s23], s21  }
0x17: {  	s4 =	ssub.s32 $0x0, s21;
	[sflag:s23] =	ssyncset.done $0x0  }
0x18: {  	[sflag:s23] =	ssyncadd.s32 s4;
	_ =	sdelay $0x1  }
0x19: {  	s24 =	simm.s32 $0x1B8B  }
0x1a: {  	_ =	swait.ge [sflag:s24], $0x1  }
0x1b: {  	[sflag:s24] =	ssyncset.done $0x0  }
0x1c: {  	s26 =	simm.s32 $0x1B8E;
	s25 =	sld [smem:$0x3FFE];
	[sflag:s24] =	ssyncadd.s32 $0xFFFFFFFF  }
0x1d: {  	s27 =	simm.s32 $execute0_lowered;
	[smem:$0x3FD2] =	sst s26  }
0x1e: {  	s5 =	sshll.u32 s27, $0x1;
	_ =	strace $0x80000055;
	[dreg:$0x1] =	wrdreg $0xFFFFFFFF  }
0x1f: {  	s28 =	simm.s32 $_size_execute0_lowered;
	s3 =	sadd.s32 s3, s5;
	[dreg:$0x0] =	wrdreg $0x0  }
0x20: {  	s5 =	sshll.u32 s28, $0x1;
	[dreg:$0x2] =	wrdreg s3  }
0x21: {  	[dreg:$0x3] =	wrdreg s5  }
0x22: {  	[dreg:$0x4] =	wrdreg $0xC0  }
0x23: {  	_ =	task [dreg:s7], $0x5FFFF  }
0x24: {  	[dreg:$0x1] =	wrdreg $0xFFFFFFFF  }
0x25: {  	[dreg:$0x0] =	wrdreg $0x60  }
0x26: {  	[dreg:$0x2] =	wrdreg s2  }
0x27: {  	[dreg:$0x3] =	wrdreg s25  }
0x28: {  	[dreg:$0x4] =	wrdreg $0x9  }
0x29: {  	_ =	task.clear_ibuf [dreg:s7], $0x5FFFF;
	_ =	strace $0x90000055  }
0x2a: {  	s29 =	simm.s32 $0x9;
	_ =	strace $0x80000057  }
0x2b: {  	_ =	swait.ge [sflag:s29], $0x1  }
0x2c: {  	[sflag:s29] =	ssyncadd.s32 $0xFFFFFFFF  }
0x2d: {  	_ =	strace $0x90000057  }
0x2e: {  	_ =	sfence  }
0x2f: {  	s30 =	sld [smem:$0x0];
	_ =	sdelay $0x2  }
0x30: {  	s31 =	sshll.u32 s1, $0xD;
	s1 =	sshrl.u32 s1, $0x2  }
0x31: {  	s3 =	sand.u32 $0x4000, s31;
	s1 =	sadd.s32 s1, s30  }
0x32: {  	s0 =	sor.u32 s3, s0;
	s1 =	sshll.u32 s1, $0x11  }
0x33: {  	s0 =	sor.u32 s1, s0  }
0x34: {  	s0 =	sadd.s32 $0x8F2B, s0  }
0x35: {  	[sflag:s0] =	ssyncadd.remote.s32 $0x1  }
0x36: {  	_ =	sfence.sel $0xFFFF  }
0x37: {  	[dreg:$0x0] =	wrdreg $0xFFFFFFFF;
	(pc) =	sbr.abs _section_cstart, $3  }
0x38: {  	[dreg:$0x1] =	wrdreg $0xFFFFFFFF  }
0x39: {  	_ =	task.clear_ibuf [dreg:s7], $0x2FFFF;
	_ =	strace $0x9FFFFFFF  }
0x3a: {  	(tm) =	ssettm $0x7FFFFFFF  }
0x3b: {  	_ =	shalt  }
tec
execute0_lowered:
.L_overlay_start_1:
0x0: {  	(tag) =	ssettag $0x1  }
0x1: {  	s1 =	rddreg [dreg:$0x0];
	s0 =	stileid.u32  }
0x2: {  	s8 =	rddreg [dreg:$0x1];
	s4 =	srdreg.scid  }
0x3: {  	s9 =	simm.s32 $0x4A;
	s31 =	simm.s32 $0x2;
	s16 =	simm.s32 $0x0  }
0x4: {  	s10 =	simm.s32 $0x2000;
	s15 =	simm.s32 $0x0;
	s17 =	simm.s32 $0x0  }
0x5: {  	s14 =	simm.s32 $0x0;
	s2 =	sand.u32 $0x1, s0;
	s3 =	sshll.u32 s0, $0x6  }
0x6: {  	s4 =	sshll.u32 s4, $0x7;
	s8 =	sadd.s32 $0x1E00, s8;
	s5 =	ssub.s32 $0x2, s2  }
0x7: {  	s3 =	sand.u32 $0x380, s3;
	s4 =	sand.u32 $0x80, s4;
	s6 =	sshrl.u32 s5, $0x1  }
0x8: {  	s5 =	sand.u32 $0x1, s5;
	s30 =	ssub.s32 $0x400, s3;
	p0 =	seq.s32 s4, $0x0  }
0x9: {  	s5 =	sadd.s32 s5, s6;
	s7 =	sand.u32 $0x380, s30;
	s9 =	simm.s32 @!p0 $0x49  }
0xa: {  	p0 =	sne.s32 s7, $0x0;
	s7 =	simm.s32 $0x1;
	s9 =	smul.u32 s5, s9  }
.Ltmp0:
0xb: {  	s6 =	sshrl.u32 s30, $0xA;
	s7 =	simm.s32 @!p0 $0x0;
	(pc) =	sbr.rel .LBB1_1-.Ltmp0, $4  }
0xc: {  	s13 =	smov.u32 s2;
	s5 =	rddreg [dreg:$0x2];
	s7 =	sadd.s32 s7, s6  }
0xd: {  	_ =	strace $0x80000056;
	s6 =	simm.s32 $0x1;
	s7 =	smul.u32 s7, s9  }
0xe: {  	s11 =	smov.u32 s4;
	s12 =	smov.u32 s3;
	[sflag:s6] =	ssyncpa.u1 $0x0  }
0xf: {  	p0 =	por $0x0, $0x0;
	[sflag:s31] =	ssyncpa.u1 $0x0;
	s9 =	sadd.s32 $0x1, s7  }
.LBB1_4:
0x10: {  	s23 =	sshll.u32 s16, $0xA;
	s24 =	sshll.u32 s15, $0x3;
	v5 =	vld [tilespmem:s21+$0xFFFFFFD0];
	[tilespmem:s20+$0x2040 ss:$0x81] =	vst.msk $0xffff, v4  }
0x11: {  	v58 =	vld [tilespmem:s21+$0xFFFFFFE0];
	[tilespmem:s20+$0x2850 ss:$0x81] =	vst.msk $0xffff, v2;
	s23 =	sand.u32 $0xFFFFE000, s23;
	s24 =	sand.u32 $0xFFFFFC00, s24  }
0x12: {  	s22 =	sshra.s32 s22, $0x2;
	v59 =	vld [tilespmem:s21+$0xFFFFFFF0];
	[tilespmem:s20+$0x3060 ss:$0x81] =	vst.msk $0xffff, v3;
	s23 =	sadd.s32 s24, s23  }
0x13: {  	v60 =	vld [tilespmem:s21+$0x0];
	[tilespmem:s20+$0x0 ss:$0x81] =	vst.msk $0xffff, v0;
	s19 =	sadd.s32 s22, s19;
	s23 =	sshrl.u32 s23, $0xA  }
0x14: {  	v61 =	vld [tilespmem:s21+$0x10];
	[tilespmem:s19+$0x3870 ss:$0x81] =	vst.msk $0xffff, v1;
	s28 =	smulhi.u32 $0x6F74AF, s23  }
0x15: {  	v62 =	vld [tilespmem:s21+$0x20];
	[tilespmem:s19+$0x810 ss:$0x81] =	vst.msk $0xffff, v5  }
0x16: {  	v63 =	vld [tilespmem:s21+$0xFFFFFFC0];
	s29 =	sshll.u32 s16, $0x7;
	s17 =	smul.u32 $0x24C000, s17;
	[tilespmem:s19+$0x1020 ss:$0x81] =	vst.msk $0xffff, v58;
	s20 =	sshrl.u32 s28, $0x5  }
0x17: {  	s30 =	sand.u32 $0x78, s15;
	s16 =	sand.u32 $0x380, s29;
	[tilespmem:s19+$0x1830 ss:$0x81] =	vst.msk $0xffff, v59;
	s20 =	smul.u32 $0x4980, s20  }
0x18: {  	s31 =	sand.u32 $0x7, s15;
	s16 =	sor.u32 s30, s16;
	[tilespmem:s19+$0x2040 ss:$0x81] =	vst.msk $0xffff, v60  }
0x19: {  	s17 =	sadd.s32 s8, s17;
	s16 =	sshrl.u32 s16, $0x3;
	[tilespmem:s19+$0x2850 ss:$0x81] =	vst.msk $0xffff, v61;
	s20 =	ssub.s32 s23, s20  }
0x1a: {  	s15 =	sshll.u32 s31, $0x12;
	s16 =	sadd.s32 s16, s17;
	[tilespmem:s19+$0x3060 ss:$0x81] =	vst.msk $0xffff, v62;
	s20 =	sshll.u32 s20, $0x7  }
0x1b: {  	s15 =	sor.u32 $0x400, s15;
	[tilespmem:s19+$0x0 ss:$0x81] =	vst.msk $0xffff, v63;
	s16 =	sadd.s32 s20, s16  }
0x1c: {  	[hbm4b:s16+s15] =	stream.strided.scatter [tilespmem:s18], [sflag:$0x2], $0x4000, s10, s15, $0x20;
	[tilespmem:$0x10100] =	vst v63  }
.LBB1_5:
0x1d: {  	s18 =	sadd.s32 $0x100, s11  }
0x1e: {  	s15 =	sadd.s32 $0x400, s12;
	s19 =	smov.u32 s12;
	p2 =	sgt.s32 s18, $0x497F  }
0x1f: {  	s19 =	smov.u32 @p2 s15  }
0x20: {  	s21 =	smov.u32 s13;
	s15 =	sadd.s32 $0x2, s13;
	p3 =	sgt.s32 s19, $0x3FF  }
0x21: {  	s21 =	smov.u32 @p3 s15  }
0x22: {  	s18 =	smov.u32 @p2 s4;
	p2 =	sgt.s32 s21, $0x1  }
0x23: {  	p1 =	slt.u32 s14, $0x2;
	s21 =	smov.u32 @p2 s2;
	p2 =	sne.s32 s14, s9  }
.Ltmp1:
0x24: {  	s20 =	simm.s32 @!p1 $0x2;
	(pc) =	sbr.rel @!p2 .LBB1_6-.Ltmp1, $4  }
0x25: {  	s16 =	smov.u32 s11;
	s17 =	smov.u32 s13;
	_ =	swait.ge @!p1 [sflag:s20], $0x4000  }
0x26: {  	p0 =	por !p0, !p0;
	[sflag:s20] =	ssyncset.done @!p1 $0x0;
	s11 =	smov.u32 s18  }
0x27: {  	s19 =	smov.u32 @p3 s3;
	s15 =	smov.u32 s12;
	[sflag:s20] =	ssyncadd.s32 @!p1 $0xFFFFC000  }
0x28: {  	s12 =	smov.u32 s19;
	s14 =	sadd.s32 $0x1, s14;
	s13 =	smov.u32 s21  }
.LBB1_1:
0x29: {  	p1 =	sge.u32 s14, s7  }
0x2a: {  	s18 =	sshrl.u32 @!p1 s12, $0x3  }
0x2b: {  	s19 =	sshll.u32 @!p1 s11, $0x3;
	s18 =	smul.u32 @!p1 $0x24C00, s18  }
0x2c: {  	s20 =	sshll.u32 @!p1 s12, $0x7;
	s19 =	sand.u32 @!p1 $0xFFFFFC00, s19  }
0x2d: {  	s18 =	sadd.s32 @!p1 s18, s19;
	s19 =	sand.u32 @!p1 $0x380, s20  }
0x2e: {  	s20 =	sand.u32 @!p1 $0x7F, s11;
	s18 =	sor.u32 @!p1 s19, s18  }
0x2f: {  	s19 =	sor.u32 @!p1 s20, s18  }
0x30: {  	s20 =	smulhi.u32 @!p1 $0xDEE95C4D, s19  }
0x31: {  	s18 =	smulhi.u32 @!p1 $0xDEE95C4D, s18  }
0x32: {  	s20 =	sshrl.u32 @!p1 s20, $0xE  }
0x33: {  	s31 =	sadd.s32 $0xFFFFFFFF, s14;
	s18 =	sshrl.u32 @!p1 s18, $0xE;
	s20 =	smul.u32 @!p1 $0x4980, s20  }
0x34: {  	s21 =	sxor.u32 @!p1 $0xFFFFFFFF, s14;
	s22 =	smul.u32 @!p1 $0x24C000, s13;
	s18 =	sand.u32 @!p1 $0x3FF, s18  }
0x35: {  	s21 =	sshll.u32 @!p1 s21, $0xE;
	s18 =	smul.u32 @!p1 $0x930, s18;
	s19 =	ssub.s32 @!p1 s19, s20  }
0x36: {  	s20 =	sand.u32 @!p1 $0x4000, s21;
	s21 =	sadd.s32 @!p1 s1, s22;
	s22 =	sand.u32 @!p1 $0x7, s19  }
0x37: {  	s19 =	sshrl.u32 @!p1 s19, $0x3;
	s18 =	sadd.s32 @!p1 s18, s21;
	s21 =	sshll.u32 @!p1 s22, $0x12  }
0x38: {  	s18 =	sadd.s32 @!p1 s19, s18;
	s19 =	sor.u32 @!p1 $0x400, s21;
	s21 =	simm.s32 @!p1 $0x24C00  }
0x39: {  	[tilespmem:s20], [sflag:$0x1] =	stream.strided.gather @!p1 [hbm4b:s18+s19], $0x4000, s21, s19, $0x38;
	[tilespmem:$0x10100] =	vst v63  }
0x3a: {  	p1 =	sge.u32 s31, s7  }
.Ltmp2:
0x3b: {  	_ = 	snop;
	(pc) =	sbr.rel @p1 .LBB1_5-.Ltmp2, $1  }
0x3c: {  	_ =	sdelay $0x3  }
0x3d: {  	s18 =	simm.s32 $0x1  }
0x3e: {  	_ =	swait.ge [sflag:s6], $0x4000;
	s18 =	simm.s32 @!p0 $0x0  }
0x3f: {  	[sflag:s6] =	ssyncset.done $0x0;
	s19 =	sshll.u32 s18, $0xE  }
0x40: {  	[sflag:s6] =	ssyncadd.s32 $0xFFFFC000;
	s21 =	sor.u32 $0x40, s19  }
0x41: {  	s18 =	smul.u32 $0x10200, s18;
	v0 =	vld [tilespmem:s21+$0x30]  }
0x42: {  	v1 =	vld [tilespmem:s21+$0xFFFFFFD0]  }
0x43: {  	s18 =	sshrl.u32 s18, $0x2;
	v5 =	vld [tilespmem:s21+$0xFFFFFFE0]  }
0x44: {  	v6 =	vld [tilespmem:s21+$0xFFFFFFF0];
	s19 =	sor.u32 $0x8000, s18  }
0x45: {  	s31 =	sand.u32 $0x1, s14;
	v4 =	vld [tilespmem:s21+$0x0];
	s20 =	sadd.s32 $0x0, s19  }
0x46: {  	v2 =	vld [tilespmem:s21+$0x10];
	s18 =	smul.u32 $0x10200, s31;
	[tilespmem:s20+$0x3870 ss:$0x81] =	vst.msk $0xffff, v0  }
0x47: {  	v3 =	vld [tilespmem:s21+$0x20];
	[tilespmem:s20+$0x810 ss:$0x81] =	vst.msk $0xffff, v1  }
0x48: {  	s18 =	sshrl.u32 s18, $0x2;
	v0 =	vld [tilespmem:s21+$0xFFFFFFC0];
	[tilespmem:s20+$0x1020 ss:$0x81] =	vst.msk $0xffff, v5;
	s21 =	sadd.s32 $0x80, s21  }
0x49: {  	s22 =	simm.s32 $0x4;
	s23 =	simm.s32 $0x8;
	s18 =	sor.u32 $0x8000, s18;
	[tilespmem:s20+$0x1830 ss:$0x81] =	vst.msk $0xffff, v6;
	v1 =	vld [tilespmem:s21+$0x30]  }
.LBB1_3:
0x4a: {  	p1 =	sne.s32 s23, $0x1FC;
	v5 =	vld [tilespmem:s21+$0xFFFFFFD0];
	[tilespmem:s20+$0x2040 ss:$0x81] =	vst.msk $0xffff, v4  }
0x4b: {  	v6 =	vld [tilespmem:s21+$0xFFFFFFE0];
	[tilespmem:s20+$0x2850 ss:$0x81] =	vst.msk $0xffff, v2  }
0x4c: {  	s24 =	sshra.s32 s22, $0x2;
	s22 =	smov.u32 s23;
	v7 =	vld [tilespmem:s21+$0xFFFFFFF0];
	[tilespmem:s20+$0x3060 ss:$0x81] =	vst.msk $0xffff, v3  }
.Ltmp3:
0x4d: {  	v4 =	vld [tilespmem:s21+$0x0];
	[tilespmem:s20+$0x0 ss:$0x81] =	vst.msk $0xffff, v0;
	s20 =	sadd.s32 s24, s19;
	(pc) =	sbr.rel @p1 .LBB1_3-.Ltmp3, $4  }
0x4e: {  	v2 =	vld [tilespmem:s21+$0x10];
	[tilespmem:s20+$0x3870 ss:$0x81] =	vst.msk $0xffff, v1  }
0x4f: {  	[tilespmem:s20+$0x810 ss:$0x81] =	vst.msk $0xffff, v5;
	v3 =	vld [tilespmem:s21+$0x20]  }
0x50: {  	v0 =	vld [tilespmem:s21+$0xFFFFFFC0];
	[tilespmem:s20+$0x1020 ss:$0x81] =	vst.msk $0xffff, v6;
	s21 =	sadd.s32 $0x80, s21  }
0x51: {  	s23 =	sadd.s32 $0x4, s23;
	v1 =	vld [tilespmem:s21+$0x30];
	[tilespmem:s20+$0x1830 ss:$0x81] =	vst.msk $0xffff, v7  }
.Ltmp4:
0x52: {  	_ = 	snop;
	(pc) =	sbr.rel .LBB1_4-.Ltmp4, $1  }
0x53: {  	_ =	sdelay $0x3  }
.LBB1_6:
0x54: {  	_ =	sfence.sel $0x180000  }
0x55: {  	s1 =	simm.s32 $0x1;
	[bflag:$0x0] =	sbarrier.arrive $0xFFFF  }
0x56: {  	s31 =	simm.s32 $0x2;
	[sflag:s1] =	ssyncpa.u1 $0x1  }
0x57: {  	[sflag:s31] =	ssyncpa.u1 $0x1  }
0x58: {  	p0 =	sne.s32 s0, $0x0;
	_ =	strace $0x90000056  }
0x59: {  	s0 =	sadd.s32 @!p0 $0x100000, s5;
	[bflag:$0x2] =	sbarrier.arrive $0xFFFF  }
0x5a: {  	[sflag:s0] =	ssyncadd.tile.s32 @!p0 $0x1;
	_ =	shalt  }
.Lfunc_end1:
_tile_overlayer_lowered:
.L_overlay_start_2:
0x5b: {  	(tag) =	ssettag $0x2  }
0x5c: {  	s0 =	rddreg [dreg:$0x0];
	s2 =	stileid.u32  }
0x5d: {  	s1 =	rddreg [dreg:$0x1];
	p0 =	sne.s32 s2, $0x0  }
0x5e: {  	s3 =	rddreg [dreg:$0x2];
	[bflag:$0x3] =	sbarrier.arrive $0xFFFF;
	s2 =	simm.s32 @!p0 $0x1C01  }
0x5f: {  	[timem:s3], [sflag:s2] =	dma.local @!p0 [hbm:s0], s1  }
0x60: {  	s0 =	simm.s32 @!p0 $0x1  }
0x61: {  	_ =	swait.ge @!p0 [sflag:s0], s1  }
0x62: {  	s1 =	ssub.s32 @!p0 $0x0, s1;
	[sflag:s0] =	ssyncset.done @!p0 $0x0  }
0x63: {  	[sflag:s0] =	ssyncadd.s32 @!p0 s1  }
0x64: {  	[bflag:$0x3] =	sbarrier.arrive $0xFFFF  }
0x65: {  	_ =	shalt  }

// kernel: sparse-core-data-format-call.3.cloned.1.call-start
scs
called_computation.3_lowered:
.L_overlay_start_0:
0x0: {  	s2 =	sld [smem:$0x3FD9]  }
0x1: {  	s3 =	sld [smem:$0x3FFE];
	_ =	sdelay $0x1  }
0x2: {  	s1 =	srdreg.scid  }
0x3: {  	s0 =	sand.u32 $0x1, s1  }
0x4: {  	s18 =	sshll.u32 s0, $0xA;
	s2 =	sadd.s32 s3, s2  }
0x5: {  	s2 =	sadd.s32 s2, s18  }
0x6: {  	[smem:$0x3FBE] =	sst s2  }
0x7: {  	_ = 	snop  }
0x8: {  	(tm) =	ssettm $0x1  }
0x9: {  	s19 =	sld [smem:$0x3FFB];
	_ =	sdelay $0x3  }
0xa: {  	_ =	strace s19  }
0xb: {  	s2 =	sld [smem:$0x3FFC];
	_ =	sdelay $0x3  }
0xc: {  	_ =	strace s2  }
0xd: {  	s2 =	sld [smem:$0x3FFD];
	_ =	sdelay $0x3  }
0xe: {  	_ =	strace s2  }
0xf: {  	_ =	strace $0x8FFFFFFF  }
0x10: {  	s20 =	sld [smem:$0x3FDB];
	_ =	sdelay $0x1  }
0x11: {  	s21 =	simm.s32 $_scs_section_size  }
0x12: {  	s4 =	simm.s32 $_size__tile_overlayer_lowered;
	s5 =	simm.s32 $_tile_overlayer_lowered  }
0x13: {  	s6 =	simm.s32 $0x1BFF;
	s22 =	sshll.u32 s5, $0x1;
	s3 =	sadd.s32 s21, s20  }
0x14: {  	s23 =	simm.s32 $0x0;
	s4 =	sshll.u32 s4, $0x1;
	s5 =	sadd.s32 s22, s3  }
0x15: {  	[timem:s23], [sflag:s6] =	dma.local [hbm:s5], s4  }
0x16: {  	_ =	swait.ge [sflag:s6], s4  }
0x17: {  	s4 =	ssub.s32 $0x0, s4;
	[sflag:s6] =	ssyncset.done $0x0  }
0x18: {  	[sflag:s6] =	ssyncadd.s32 s4;
	_ =	sdelay $0x1  }
0x19: {  	s24 =	simm.s32 $0x1B8B  }
0x1a: {  	_ =	swait.ge [sflag:s24], $0x1  }
0x1b: {  	[sflag:s24] =	ssyncset.done $0x0  }
0x1c: {  	[sflag:s24] =	ssyncadd.s32 $0xFFFFFFFF  }
0x1d: {  	s4 =	sld [smem:$0x0]  }
0x1e: {  	s5 =	sand.u32 $0xFFFFFFFE, s1  }
0x1f: {  	p0 =	sne.s32 s1, s5  }
0x20: {  	s5 =	sshll.u32 @p0 s5, $0xE  }
0x21: {  	s5 =	sadd.s32 @p0 $0x11B8D, s5;
	s6 =	sshll.u32 @p0 s4, $0x11  }
0x22: {  	s5 =	sor.u32 @p0 s6, s5  }
0x23: {  	[sflag:s5] =	ssyncadd.remote.s32 @p0 $0x1;
	_ =	sdelay $0x1  }
0x24: {  	s5 =	simm.s32 @p0 $0x1B8D  }
0x25: {  	_ =	swait.eq @p0 [sflag:s5], $0x1  }
0x26: {  	[sflag:s5] =	ssyncadd.s32 @p0 $0xFFFFFFFF  }
0x27: {  	s6 =	sshll.u32 @!p0 s1, $0xE  }
0x28: {  	s6 =	sor.u32 @!p0 $0x4000, s6;
	s5 =	simm.s32 @!p0 $0x1B8D  }
0x29: {  	s4 =	sshll.u32 @!p0 s4, $0x11;
	s6 =	sadd.s32 @!p0 $0x11B8D, s6;
	_ =	swait.eq @!p0 [sflag:s5], $0x1  }
0x2a: {  	s4 =	sor.u32 @!p0 s4, s6;
	[sflag:s5] =	ssyncadd.s32 @!p0 $0xFFFFFFFF  }
0x2b: {  	s26 =	simm.s32 $0x1B8E;
	s25 =	sld [smem:$0x3FFE];
	[sflag:s4] =	ssyncadd.remote.s32 @!p0 $0x1  }
0x2c: {  	s27 =	simm.s32 $execute0_lowered;
	[smem:$0x3FD2] =	sst s26  }
0x2d: {  	s5 =	sshll.u32 s27, $0x1;
	_ =	strace $0x80000052;
	[dreg:$0x1] =	wrdreg $0xFFFFFFFF  }
0x2e: {  	s28 =	simm.s32 $_size_execute0_lowered;
	s3 =	sadd.s32 s3, s5;
	[dreg:$0x0] =	wrdreg $0x0  }
0x2f: {  	s5 =	sshll.u32 s28, $0x1;
	[dreg:$0x2] =	wrdreg s3  }
0x30: {  	[dreg:$0x3] =	wrdreg s5  }
0x31: {  	[dreg:$0x4] =	wrdreg $0xC0  }
0x32: {  	_ =	task [dreg:s23], $0x5FFFF  }
0x33: {  	[dreg:$0x1] =	wrdreg $0xFFFFFFFF  }
0x34: {  	[dreg:$0x0] =	wrdreg $0x60  }
0x35: {  	[dreg:$0x2] =	wrdreg s25  }
0x36: {  	[dreg:$0x3] =	wrdreg $0x9  }
0x37: {  	_ =	task.clear_ibuf [dreg:s23], $0x4FFFF;
	_ =	strace $0x90000052  }
0x38: {  	s29 =	simm.s32 $0x9;
	_ =	strace $0x80000054  }
0x39: {  	_ =	swait.ge [sflag:s29], $0x1  }
0x3a: {  	[sflag:s29] =	ssyncadd.s32 $0xFFFFFFFF  }
0x3b: {  	_ =	strace $0x90000054  }
0x3c: {  	_ =	sfence  }
0x3d: {  	s30 =	sld [smem:$0x0];
	_ =	sdelay $0x2  }
0x3e: {  	s31 =	sshll.u32 s1, $0xD;
	s1 =	sshrl.u32 s1, $0x2  }
0x3f: {  	s4 =	sand.u32 $0x4000, s31;
	s1 =	sadd.s32 s1, s30  }
0x40: {  	s0 =	sor.u32 s4, s0;
	s1 =	sshll.u32 s1, $0x11  }
0x41: {  	s0 =	sor.u32 s1, s0  }
0x42: {  	s0 =	sadd.s32 $0x8F2B, s0  }
0x43: {  	[sflag:s0] =	ssyncadd.remote.s32 $0x1  }
0x44: {  	_ =	sfence.sel $0xFFFF  }
0x45: {  	[dreg:$0x0] =	wrdreg $0xFFFFFFFF;
	(pc) =	sbr.abs _section_cstart, $3  }
0x46: {  	[dreg:$0x1] =	wrdreg $0xFFFFFFFF  }
0x47: {  	_ =	task.clear_ibuf [dreg:s23], $0x2FFFF;
	_ =	strace $0x9FFFFFFF  }
0x48: {  	(tm) =	ssettm $0x7FFFFFFF  }
0x49: {  	_ =	shalt  }
tec
execute0_lowered:
.L_overlay_start_1:
0x0: {  	(tag) =	ssettag $0x1  }
0x1: {  	s5 =	rddreg [dreg:$0x0]  }
0x2: {  	s1 =	stileid.u32;
	s0 =	rddreg [dreg:$0x1]  }
0x3: {  	_ =	strace $0x80000053;
	s6 =	srdreg.scid;
	s31 =	simm.s32 $0x2  }
0x4: {  	s15 =	simm.s32 $0x0;
	s13 =	simm.s32 $0x0;
	s14 =	simm.s32 $0x0  }
0x5: {  	s3 =	sshll.u32 s1, $0x7;
	s2 =	sshrl.u32 s1, $0x3;
	s24 =	sshll.u32 s6, $0x7  }
0x6: {  	s29 =	sshll.u32 s6, $0x5;
	s6 =	simm.s32 $0x1;
	s3 =	sand.u32 $0x380, s3  }
0x7: {  	s4 =	sshll.u32 s2, $0x4;
	s10 =	ssub.s32 $0x2, s2;
	s7 =	ssub.s32 $0x4980, s3  }
0x8: {  	s8 =	sadd.s32 s4, s5;
	s4 =	sand.u32 $0x80, s24;
	s9 =	sand.u32 $0x380, s7  }
0x9: {  	s11 =	sshrl.u32 s10, $0x1;
	p0 =	sne.s32 s9, $0x0;
	s9 =	simm.s32 $0x1  }
0xa: {  	s10 =	sand.u32 $0x1, s10;
	s7 =	sshrl.u32 s7, $0xA;
	s9 =	simm.s32 @!p0 $0x0  }
0xb: {  	s12 =	ssub.s32 $0x100, s4;
	s25 =	sadd.s32 s10, s11;
	s7 =	sadd.s32 s9, s7  }
0xc: {  	s30 =	sand.u32 $0x20, s29;
	s26 =	sshrl.u32 s12, $0x7;
	s7 =	smul.u32 s25, s7  }
.Ltmp0:
0xd: {  	s27 =	sshrl.u32 s12, $0x8;
	s10 =	sand.u32 $0x1, s26;
	(pc) =	sbr.rel .LBB1_1-.Ltmp0, $4  }
0xe: {  	[sflag:s6] =	ssyncpa.u1 $0x0;
	s5 =	sadd.s32 $0x2800, s5;
	s28 =	sadd.s32 s27, s10  }
0xf: {  	[sflag:s31] =	ssyncpa.u1 $0x0;
	s8 =	sadd.s32 s30, s8;
	s7 =	smul.u32 s28, s7  }
0x10: {  	s11 =	smov.u32 s3;
	s8 =	sadd.s32 $0x128800, s8;
	s12 =	simm.s32 $0x0  }
0x11: {  	p0 =	por $0x0, $0x0;
	s10 =	simm.s32 $0x24C00;
	s9 =	sadd.s32 $0x1, s7  }
.LBB1_4:
0x12: {  	s15 =	sshrl.u32 s15, $0x3  }
0x13: {  	s21 =	sshll.u32 s14, $0x3;
	s15 =	smul.u32 $0x24C00, s15  }
0x14: {  	v5 =	vld [tilespmem:s19+$0xFFFFFFD0];
	[tilespmem:s18+$0x2040 ss:$0x81] =	vst.msk $0xffff, v4;
	s21 =	sand.u32 $0xFFFFFC00, s21  }
0x15: {  	v58 =	vld [tilespmem:s19+$0xFFFFFFE0];
	[tilespmem:s18+$0x2850 ss:$0x81] =	vst.msk $0xffff, v3;
	s28 =	sand.u32 $0x7F, s14;
	s15 =	sadd.s32 s21, s15  }
0x16: {  	s20 =	sshra.s32 s20, $0x2;
	v59 =	vld [tilespmem:s19+$0xFFFFFFF0];
	[tilespmem:s18+$0x3060 ss:$0x81] =	vst.msk $0xffff, v2;
	s14 =	sor.u32 s28, s15  }
0x17: {  	v60 =	vld [tilespmem:s19+$0x0];
	[tilespmem:s18+$0x0 ss:$0x81] =	vst.msk $0xffff, v0;
	s17 =	sadd.s32 s20, s17;
	s29 =	smulhi.u32 $0xDEE95C4D, s14  }
0x18: {  	v61 =	vld [tilespmem:s19+$0x10];
	[tilespmem:s17+$0x3870 ss:$0x81] =	vst.msk $0xffff, v1;
	s15 =	smulhi.u32 $0xDEE95C4D, s15  }
0x19: {  	v62 =	vld [tilespmem:s19+$0x20];
	[tilespmem:s17+$0x810 ss:$0x81] =	vst.msk $0xffff, v5;
	s18 =	sshrl.u32 s29, $0xE  }
0x1a: {  	v63 =	vld [tilespmem:s19+$0xFFFFFFC0];
	[tilespmem:s17+$0x1020 ss:$0x81] =	vst.msk $0xffff, v58;
	s15 =	sshrl.u32 s15, $0xE;
	s18 =	smul.u32 $0x4980, s18  }
0x1b: {  	s13 =	smul.u32 $0x93000, s13;
	[tilespmem:s17+$0x1830 ss:$0x81] =	vst.msk $0xffff, v59;
	s15 =	sand.u32 $0xFF, s15  }
0x1c: {  	[tilespmem:s17+$0x2040 ss:$0x81] =	vst.msk $0xffff, v60;
	s15 =	smul.u32 $0x930, s15;
	s14 =	ssub.s32 s14, s18  }
0x1d: {  	s13 =	sadd.s32 s5, s13;
	[tilespmem:s17+$0x2850 ss:$0x81] =	vst.msk $0xffff, v61;
	s18 =	sand.u32 $0x7, s14  }
0x1e: {  	[tilespmem:s17+$0x3060 ss:$0x81] =	vst.msk $0xffff, v62;
	s13 =	sadd.s32 s15, s13;
	s14 =	sshrl.u32 s14, $0x3;
	s30 =	sshll.u32 s18, $0x12  }
0x1f: {  	[tilespmem:s17+$0x0 ss:$0x81] =	vst.msk $0xffff, v63;
	s13 =	sadd.s32 s14, s13;
	s31 =	sor.u32 $0x400, s30  }
0x20: {  	[hbm4b:s13+s31] =	stream.strided.scatter [tilespmem:s16], [sflag:$0x2], $0x4000, s10, s31, $0x20;
	[tilespmem:$0x10100] =	vst v63  }
.LBB1_5:
0x21: {  	s16 =	sadd.s32 $0x400, s11  }
0x22: {  	p2 =	sgt.s32 s16, $0x497F  }
0x23: {  	s16 =	smov.u32 @p2 s3;
	p2 =	sne.s32 s12, s9  }
.Ltmp1:
0x24: {  	p1 =	slt.u32 s12, $0x2;
	(pc) =	sbr.rel @!p2 .LBB1_6-.Ltmp1, $4  }
0x25: {  	s17 =	sadd.s32 $0x1, s12;
	s13 =	simm.s32 @!p1 $0x2  }
0x26: {  	s14 =	smov.u32 s11;
	p0 =	por !p0, !p0;
	_ =	swait.ge @!p1 [sflag:s13], $0x4000  }
0x27: {  	s15 =	smov.u32 s4;
	s12 =	smov.u32 s17;
	[sflag:s13] =	ssyncset.done @!p1 $0x0  }
0x28: {  	s11 =	smov.u32 s16;
	[sflag:s13] =	ssyncadd.s32 @!p1 $0xFFFFC000;
	s13 =	smov.u32 s2  }
.LBB1_1:
0x29: {  	p1 =	sge.u32 s12, s7  }
0x2a: {  	s31 =	sadd.s32 $0xFFFFFFFF, s12;
	s16 =	sxor.u32 @!p1 $0xFFFFFFFF, s12  }
0x2b: {  	s17 =	sshll.u32 @!p1 s11, $0x6;
	s18 =	simm.s32 @!p1 $0x80;
	s16 =	sshll.u32 @!p1 s16, $0xE  }
0x2c: {  	s19 =	simm.s32 @!p1 $0x200;
	s17 =	sadd.s32 @!p1 s17, s8;
	s16 =	sand.u32 @!p1 $0x4000, s16  }
0x2d: {  	[tilespmem:s16], [sflag:$0x1] =	stream.strided.gather @!p1 [hbm4b:s17+s18], $0x4000, s19, s18, $0x38;
	[tilespmem:$0x10100] =	vst v63  }
0x2e: {  	p1 =	sge.u32 s31, s7  }
.Ltmp2:
0x2f: {  	_ = 	snop;
	(pc) =	sbr.rel @p1 .LBB1_5-.Ltmp2, $1  }
0x30: {  	_ =	sdelay $0x3  }
0x31: {  	s16 =	simm.s32 $0x1  }
0x32: {  	_ =	swait.ge [sflag:s6], $0x4000;
	s16 =	simm.s32 @!p0 $0x0  }
0x33: {  	[sflag:s6] =	ssyncset.done $0x0;
	s17 =	sshll.u32 s16, $0xE  }
0x34: {  	[sflag:s6] =	ssyncadd.s32 $0xFFFFC000;
	s19 =	sor.u32 $0x40, s17  }
0x35: {  	s16 =	smul.u32 $0x10200, s16;
	v0 =	vld [tilespmem:s19+$0x30]  }
0x36: {  	v1 =	vld [tilespmem:s19+$0xFFFFFFD0]  }
0x37: {  	s16 =	sshrl.u32 s16, $0x2;
	v5 =	vld [tilespmem:s19+$0xFFFFFFE0]  }
0x38: {  	v6 =	vld [tilespmem:s19+$0xFFFFFFF0];
	s17 =	sor.u32 $0x8000, s16  }
0x39: {  	s31 =	sand.u32 $0x1, s12;
	v4 =	vld [tilespmem:s19+$0x0];
	s18 =	sadd.s32 $0x0, s17  }
0x3a: {  	v3 =	vld [tilespmem:s19+$0x10];
	s16 =	smul.u32 $0x10200, s31;
	[tilespmem:s18+$0x3870 ss:$0x81] =	vst.msk $0xffff, v0  }
0x3b: {  	v2 =	vld [tilespmem:s19+$0x20];
	[tilespmem:s18+$0x810 ss:$0x81] =	vst.msk $0xffff, v1  }
0x3c: {  	s16 =	sshrl.u32 s16, $0x2;
	v0 =	vld [tilespmem:s19+$0xFFFFFFC0];
	[tilespmem:s18+$0x1020 ss:$0x81] =	vst.msk $0xffff, v5;
	s19 =	sadd.s32 $0x80, s19  }
0x3d: {  	s20 =	simm.s32 $0x4;
	s21 =	simm.s32 $0x8;
	s16 =	sor.u32 $0x8000, s16;
	[tilespmem:s18+$0x1830 ss:$0x81] =	vst.msk $0xffff, v6;
	v1 =	vld [tilespmem:s19+$0x30]  }
.LBB1_3:
0x3e: {  	p1 =	sne.s32 s21, $0x1FC;
	v5 =	vld [tilespmem:s19+$0xFFFFFFD0];
	[tilespmem:s18+$0x2040 ss:$0x81] =	vst.msk $0xffff, v4  }
0x3f: {  	v6 =	vld [tilespmem:s19+$0xFFFFFFE0];
	[tilespmem:s18+$0x2850 ss:$0x81] =	vst.msk $0xffff, v3  }
0x40: {  	s22 =	sshra.s32 s20, $0x2;
	s20 =	smov.u32 s21;
	v7 =	vld [tilespmem:s19+$0xFFFFFFF0];
	[tilespmem:s18+$0x3060 ss:$0x81] =	vst.msk $0xffff, v2  }
.Ltmp3:
0x41: {  	v4 =	vld [tilespmem:s19+$0x0];
	[tilespmem:s18+$0x0 ss:$0x81] =	vst.msk $0xffff, v0;
	s18 =	sadd.s32 s22, s17;
	(pc) =	sbr.rel @p1 .LBB1_3-.Ltmp3, $4  }
0x42: {  	v3 =	vld [tilespmem:s19+$0x10];
	[tilespmem:s18+$0x3870 ss:$0x81] =	vst.msk $0xffff, v1  }
0x43: {  	[tilespmem:s18+$0x810 ss:$0x81] =	vst.msk $0xffff, v5;
	v2 =	vld [tilespmem:s19+$0x20]  }
0x44: {  	v0 =	vld [tilespmem:s19+$0xFFFFFFC0];
	[tilespmem:s18+$0x1020 ss:$0x81] =	vst.msk $0xffff, v6;
	s19 =	sadd.s32 $0x80, s19  }
0x45: {  	s21 =	sadd.s32 $0x4, s21;
	v1 =	vld [tilespmem:s19+$0x30];
	[tilespmem:s18+$0x1830 ss:$0x81] =	vst.msk $0xffff, v7  }
.Ltmp4:
0x46: {  	_ = 	snop;
	(pc) =	sbr.rel .LBB1_4-.Ltmp4, $1  }
0x47: {  	_ =	sdelay $0x3  }
.LBB1_6:
0x48: {  	_ =	sfence.sel $0x180000  }
0x49: {  	s2 =	simm.s32 $0x1;
	[bflag:$0x0] =	sbarrier.arrive $0xFFFF  }
0x4a: {  	s31 =	simm.s32 $0x2;
	[sflag:s2] =	ssyncpa.u1 $0x1  }
0x4b: {  	[sflag:s31] =	ssyncpa.u1 $0x1  }
0x4c: {  	p0 =	sne.s32 s1, $0x0;
	_ =	strace $0x90000053  }
0x4d: {  	s0 =	sadd.s32 @!p0 $0x100000, s0;
	[bflag:$0x2] =	sbarrier.arrive $0xFFFF  }
0x4e: {  	[sflag:s0] =	ssyncadd.tile.s32 @!p0 $0x1;
	_ =	shalt  }
.Lfunc_end1:
_tile_overlayer_lowered:
.L_overlay_start_2:
0x4f: {  	(tag) =	ssettag $0x2  }
0x50: {  	s0 =	rddreg [dreg:$0x0];
	s2 =	stileid.u32  }
0x51: {  	s1 =	rddreg [dreg:$0x1];
	p0 =	sne.s32 s2, $0x0  }
0x52: {  	s3 =	rddreg [dreg:$0x2];
	[bflag:$0x3] =	sbarrier.arrive $0xFFFF;
	s2 =	simm.s32 @!p0 $0x1C01  }
0x53: {  	[timem:s3], [sflag:s2] =	dma.local @!p0 [hbm:s0], s1  }
0x54: {  	s0 =	simm.s32 @!p0 $0x1  }
0x55: {  	_ =	swait.ge @!p0 [sflag:s0], s1  }
0x56: {  	s1 =	ssub.s32 @!p0 $0x0, s1;
	[sflag:s0] =	ssyncset.done @!p0 $0x0  }
0x57: {  	[sflag:s0] =	ssyncadd.s32 @!p0 s1  }
0x58: {  	[bflag:$0x3] =	sbarrier.arrive $0xFFFF  }
0x59: {  	_ =	shalt  }

// kernel: sparse-core-data-format-call.4.cloned.1.call-start
scs
called_computation.4_lowered:
.L_overlay_start_0:
0x0: {  	s2 =	sld [smem:$0x3FD9]  }
0x1: {  	s3 =	sld [smem:$0x3FFE];
	_ =	sdelay $0x1  }
0x2: {  	s1 =	srdreg.scid  }
0x3: {  	s0 =	sand.u32 $0x1, s1  }
0x4: {  	s18 =	sshll.u32 s0, $0xA;
	s2 =	sadd.s32 s3, s2  }
0x5: {  	s2 =	sadd.s32 s2, s18  }
0x6: {  	[smem:$0x3FBE] =	sst s2  }
0x7: {  	_ = 	snop  }
0x8: {  	(tm) =	ssettm $0x1  }
0x9: {  	s19 =	sld [smem:$0x3FFB];
	_ =	sdelay $0x3  }
0xa: {  	_ =	strace s19  }
0xb: {  	s2 =	sld [smem:$0x3FFC];
	_ =	sdelay $0x3  }
0xc: {  	_ =	strace s2  }
0xd: {  	s2 =	sld [smem:$0x3FFD];
	_ =	sdelay $0x3  }
0xe: {  	_ =	strace s2  }
0xf: {  	_ =	strace $0x8FFFFFFF  }
0x10: {  	s20 =	sld [smem:$0x3FDB];
	_ =	sdelay $0x1  }
0x11: {  	s21 =	simm.s32 $_scs_section_size  }
0x12: {  	s4 =	simm.s32 $_size__tile_overlayer_lowered;
	s5 =	simm.s32 $_tile_overlayer_lowered  }
0x13: {  	s6 =	simm.s32 $0x1BFF;
	s22 =	sshll.u32 s5, $0x1;
	s3 =	sadd.s32 s21, s20  }
0x14: {  	s23 =	simm.s32 $0x0;
	s4 =	sshll.u32 s4, $0x1;
	s5 =	sadd.s32 s22, s3  }
0x15: {  	[timem:s23], [sflag:s6] =	dma.local [hbm:s5], s4  }
0x16: {  	_ =	swait.ge [sflag:s6], s4  }
0x17: {  	s4 =	ssub.s32 $0x0, s4;
	[sflag:s6] =	ssyncset.done $0x0  }
0x18: {  	[sflag:s6] =	ssyncadd.s32 s4;
	_ =	sdelay $0x1  }
0x19: {  	s24 =	simm.s32 $0x1B8B  }
0x1a: {  	_ =	swait.ge [sflag:s24], $0x1  }
0x1b: {  	[sflag:s24] =	ssyncset.done $0x0  }
0x1c: {  	[sflag:s24] =	ssyncadd.s32 $0xFFFFFFFF  }
0x1d: {  	s4 =	sld [smem:$0x0]  }
0x1e: {  	s5 =	sand.u32 $0xFFFFFFFE, s1  }
0x1f: {  	p0 =	sne.s32 s1, s5  }
0x20: {  	s5 =	sshll.u32 @p0 s5, $0xE  }
0x21: {  	s5 =	sadd.s32 @p0 $0x11B8D, s5;
	s6 =	sshll.u32 @p0 s4, $0x11  }
0x22: {  	s5 =	sor.u32 @p0 s6, s5  }
0x23: {  	[sflag:s5] =	ssyncadd.remote.s32 @p0 $0x1;
	_ =	sdelay $0x1  }
0x24: {  	s5 =	simm.s32 @p0 $0x1B8D  }
0x25: {  	_ =	swait.eq @p0 [sflag:s5], $0x1  }
0x26: {  	[sflag:s5] =	ssyncadd.s32 @p0 $0xFFFFFFFF  }
0x27: {  	s6 =	sshll.u32 @!p0 s1, $0xE  }
0x28: {  	s6 =	sor.u32 @!p0 $0x4000, s6;
	s5 =	simm.s32 @!p0 $0x1B8D  }
0x29: {  	s4 =	sshll.u32 @!p0 s4, $0x11;
	s6 =	sadd.s32 @!p0 $0x11B8D, s6;
	_ =	swait.eq @!p0 [sflag:s5], $0x1  }
0x2a: {  	s4 =	sor.u32 @!p0 s4, s6;
	[sflag:s5] =	ssyncadd.s32 @!p0 $0xFFFFFFFF  }
0x2b: {  	s26 =	simm.s32 $0x1B8E;
	s25 =	sld [smem:$0x3FFE];
	[sflag:s4] =	ssyncadd.remote.s32 @!p0 $0x1  }
0x2c: {  	s27 =	simm.s32 $execute0_lowered;
	[smem:$0x3FD2] =	sst s26  }
0x2d: {  	s5 =	sshll.u32 s27, $0x1;
	_ =	strace $0x8000004C;
	[dreg:$0x1] =	wrdreg $0xFFFFFFFF  }
0x2e: {  	s28 =	simm.s32 $_size_execute0_lowered;
	s3 =	sadd.s32 s3, s5;
	[dreg:$0x0] =	wrdreg $0x0  }
0x2f: {  	s5 =	sshll.u32 s28, $0x1;
	[dreg:$0x2] =	wrdreg s3  }
0x30: {  	[dreg:$0x3] =	wrdreg s5  }
0x31: {  	[dreg:$0x4] =	wrdreg $0xC0  }
0x32: {  	_ =	task [dreg:s23], $0x5FFFF  }
0x33: {  	[dreg:$0x1] =	wrdreg $0xFFFFFFFF  }
0x34: {  	[dreg:$0x0] =	wrdreg $0x60  }
0x35: {  	[dreg:$0x2] =	wrdreg s25  }
0x36: {  	[dreg:$0x3] =	wrdreg $0x9  }
0x37: {  	_ =	task.clear_ibuf [dreg:s23], $0x4FFFF;
	_ =	strace $0x9000004C  }
0x38: {  	s29 =	simm.s32 $0x9;
	_ =	strace $0x8000004E  }
0x39: {  	_ =	swait.ge [sflag:s29], $0x1  }
0x3a: {  	[sflag:s29] =	ssyncadd.s32 $0xFFFFFFFF  }
0x3b: {  	_ =	strace $0x9000004E  }
0x3c: {  	_ =	sfence  }
0x3d: {  	s30 =	sld [smem:$0x0];
	_ =	sdelay $0x2  }
0x3e: {  	s31 =	sshll.u32 s1, $0xD;
	s1 =	sshrl.u32 s1, $0x2  }
0x3f: {  	s4 =	sand.u32 $0x4000, s31;
	s1 =	sadd.s32 s1, s30  }
0x40: {  	s0 =	sor.u32 s4, s0;
	s1 =	sshll.u32 s1, $0x11  }
0x41: {  	s0 =	sor.u32 s1, s0  }
0x42: {  	s0 =	sadd.s32 $0x8F2B, s0  }
0x43: {  	[sflag:s0] =	ssyncadd.remote.s32 $0x1  }
0x44: {  	_ =	sfence.sel $0xFFFF  }
0x45: {  	[dreg:$0x0] =	wrdreg $0xFFFFFFFF;
	(pc) =	sbr.abs _section_cstart, $3  }
0x46: {  	[dreg:$0x1] =	wrdreg $0xFFFFFFFF  }
0x47: {  	_ =	task.clear_ibuf [dreg:s23], $0x2FFFF;
	_ =	strace $0x9FFFFFFF  }
0x48: {  	(tm) =	ssettm $0x7FFFFFFF  }
0x49: {  	_ =	shalt  }
tec
execute0_lowered:
.L_overlay_start_1:
0x0: {  	(tag) =	ssettag $0x1  }
0x1: {  	s0 =	stileid.u32;
	s1 =	srdreg.scid  }
0x2: {  	s31 =	rddreg [dreg:$0x0];
	s9 =	simm.s32 $0x2;
	s16 =	simm.s32 $0x0  }
0x3: {  	p0 =	por $0x0, $0x0;
	s1 =	sand.u32 $0x1, s1;
	s3 =	sshll.u32 s0, $0x7  }
0x4: {  	s2 =	sshrl.u32 s0, $0x1;
	s3 =	sand.u32 $0x80, s3;
	s4 =	ssub.s32 $0x2, s1  }
0x5: {  	s6 =	ssub.s32 $0x38, s2;
	s5 =	ssub.s32 $0x100, s3;
	s7 =	sshrl.u32 s4, $0x1  }
0x6: {  	s6 =	sshrl.u32 s6, $0x3;
	s8 =	sshrl.u32 s5, $0x7;
	s4 =	ssub.s32 s4, s7  }
0x7: {  	s5 =	sshrl.u32 s5, $0x8;
	s30 =	sand.u32 $0x1, s8;
	s6 =	smul.u32 s4, s6  }
0x8: {  	s10 =	simm.s32 $0x6200;
	s19 =	simm.s32 $0x0;
	s5 =	sadd.s32 s5, s30  }
0x9: {  	s18 =	simm.s32 $0x0;
	s17 =	simm.s32 $0x0;
	s6 =	smul.u32 s5, s6  }
.Ltmp0:
0xa: {  	s11 =	simm.s32 $0x0;
	s15 =	simm.s32 $0x0;
	(pc) =	sbr.rel .LBB1_1-.Ltmp0, $4  }
0xb: {  	s12 =	smov.u32 s1;
	s13 =	smov.u32 s2;
	s4 =	rddreg [dreg:$0x1]  }
0xc: {  	_ =	strace $0x8000004D;
	s5 =	simm.s32 $0x1;
	s6 =	smul.u32 $0x3, s6  }
0xd: {  	s14 =	smov.u32 s3;
	s7 =	sadd.s32 $0x128800, s31;
	[sflag:s5] =	ssyncpa.u1 $0x0  }
0xe: {  	s8 =	sadd.s32 $0x2800, s31;
	[sflag:s9] =	ssyncpa.u1 $0x0;
	s9 =	sadd.s32 $0x1, s6  }
.LBB1_4:
0xf: {  	v5 =	vld [tilespmem:s23+$0xFFFFFFD0];
	[tilespmem:s22+$0x2040 ss:$0x81] =	vst.msk $0xffff, v1  }
0x10: {  	v58 =	vld [tilespmem:s23+$0xFFFFFFE0];
	[tilespmem:s22+$0x2850 ss:$0x81] =	vst.msk $0xffff, v2  }
0x11: {  	s24 =	sshra.s32 s24, $0x2;
	v59 =	vld [tilespmem:s23+$0xFFFFFFF0];
	[tilespmem:s22+$0x3060 ss:$0x81] =	vst.msk $0xffff, v3  }
0x12: {  	v60 =	vld [tilespmem:s23+$0x0];
	[tilespmem:s22+$0x0 ss:$0x81] =	vst.msk $0xffff, v0;
	s21 =	sadd.s32 s24, s21  }
0x13: {  	v61 =	vld [tilespmem:s23+$0x10];
	[tilespmem:s21+$0x3870 ss:$0x81] =	vst.msk $0xffff, v4  }
0x14: {  	v62 =	vld [tilespmem:s23+$0x20];
	[tilespmem:s21+$0x810 ss:$0x81] =	vst.msk $0xffff, v5  }
0x15: {  	v63 =	vld [tilespmem:s23+$0xFFFFFFC0];
	s29 =	sand.u32 $0x78, s17;
	s19 =	sshll.u32 s19, $0x7;
	[tilespmem:s21+$0x1020 ss:$0x81] =	vst.msk $0xffff, v58  }
0x16: {  	s18 =	sshll.u32 s18, $0x6;
	s30 =	sshrl.u32 s17, $0x2;
	s16 =	smul.u32 $0xC40, s16;
	[tilespmem:s21+$0x1830 ss:$0x81] =	vst.msk $0xffff, v59  }
0x17: {  	s19 =	sand.u32 $0x80, s19;
	s23 =	sand.u32 $0x20, s30;
	s18 =	sadd.s32 s8, s18;
	[tilespmem:s21+$0x2040 ss:$0x81] =	vst.msk $0xffff, v60  }
0x18: {  	s31 =	sand.u32 $0x7, s17;
	s19 =	sor.u32 s29, s19;
	s18 =	sadd.s32 s23, s18;
	[tilespmem:s21+$0x2850 ss:$0x81] =	vst.msk $0xffff, v61  }
0x19: {  	s17 =	sshll.u32 s31, $0x12;
	s19 =	sshrl.u32 s19, $0x3;
	s16 =	sadd.s32 s16, s18;
	[tilespmem:s21+$0x3060 ss:$0x81] =	vst.msk $0xffff, v62  }
0x1a: {  	s17 =	sor.u32 $0x80, s17;
	s16 =	sadd.s32 s19, s16;
	[tilespmem:s21+$0x0 ss:$0x81] =	vst.msk $0xffff, v63  }
0x1b: {  	[hbm4b:s16+s17] =	stream.strided.scatter [tilespmem:s20], [sflag:$0x2], $0x4000, s10, s17, $0x20;
	[tilespmem:$0x10100] =	vst v63  }
.LBB1_5:
0x1c: {  	s20 =	sadd.s32 $0x80, s11  }
0x1d: {  	s16 =	sadd.s32 $0x2, s12;
	s21 =	smov.u32 s12;
	p2 =	sgt.s32 s20, $0x17F  }
0x1e: {  	s21 =	smov.u32 @p2 s16  }
0x1f: {  	s22 =	smov.u32 s13;
	s16 =	sadd.s32 $0x8, s13;
	p3 =	sgt.s32 s21, $0x1  }
0x20: {  	s22 =	smov.u32 @p3 s16  }
0x21: {  	s23 =	smov.u32 s14;
	s16 =	sadd.s32 $0x100, s14;
	p4 =	sgt.s32 s22, $0x30  }
0x22: {  	p1 =	slt.u32 s15, $0x2;
	s23 =	smov.u32 @p4 s16  }
0x23: {  	s19 =	smov.u32 s12;
	s20 =	simm.s32 @p2 $0x0;
	p2 =	sgt.s32 s23, $0xFF  }
0x24: {  	s24 =	simm.s32 @!p1 $0x2;
	s23 =	smov.u32 @p2 s3;
	p2 =	sne.s32 s15, s9  }
.Ltmp1:
0x25: {  	s18 =	smov.u32 s13;
	_ =	swait.ge @!p1 [sflag:s24], $0x4000;
	(pc) =	sbr.rel @!p2 .LBB1_6-.Ltmp1, $4  }
0x26: {  	s17 =	smov.u32 s14;
	[sflag:s24] =	ssyncset.done @!p1 $0x0;
	s21 =	smov.u32 @p3 s1  }
0x27: {  	p0 =	por !p0, !p0;
	[sflag:s24] =	ssyncadd.s32 @!p1 $0xFFFFC000;
	s12 =	smov.u32 s21  }
0x28: {  	s22 =	smov.u32 @p4 s2;
	s16 =	smov.u32 s11;
	s11 =	smov.u32 s20  }
0x29: {  	s13 =	smov.u32 s22;
	s15 =	sadd.s32 $0x1, s15;
	s14 =	smov.u32 s23  }
.LBB1_1:
0x2a: {  	p1 =	sge.u32 s15, s6  }
0x2b: {  	s20 =	sshrl.u32 @!p1 s12, $0x1  }
0x2c: {  	s21 =	sshll.u32 @!p1 s11, $0x1;
	s20 =	smul.u32 @!p1 $0x300, s20  }
0x2d: {  	s22 =	sshll.u32 @!p1 s12, $0x7;
	s21 =	sand.u32 @!p1 $0xFFFFFF00, s21  }
0x2e: {  	s20 =	sadd.s32 @!p1 s20, s21;
	s21 =	sand.u32 @!p1 $0x80, s22  }
0x2f: {  	s22 =	sand.u32 @!p1 $0x7F, s11;
	s20 =	sor.u32 @!p1 s21, s20  }
0x30: {  	s21 =	sor.u32 @!p1 s22, s20  }
0x31: {  	s22 =	smulhi.u32 @!p1 $0xAAAAAAAB, s21  }
0x32: {  	s20 =	smulhi.u32 @!p1 $0xAAAAAAAB, s20  }
0x33: {  	s31 =	sadd.s32 $0xFFFFFFFF, s15;
	s23 =	sxor.u32 @!p1 $0xFFFFFFFF, s15;
	s22 =	sshrl.u32 @!p1 s22, $0x8  }
0x34: {  	s23 =	sshll.u32 @!p1 s23, $0xE;
	s20 =	sshrl.u32 @!p1 s20, $0x8;
	s22 =	smul.u32 @!p1 $0x180, s22  }
0x35: {  	s24 =	smul.u32 @!p1 $0x1260, s14;
	s23 =	sand.u32 @!p1 $0x4000, s23;
	s20 =	sand.u32 @!p1 $0x1, s20  }
0x36: {  	p2 =	seq.s32 @!p1 s20, $0x1;
	s21 =	ssub.s32 @!p1 s21, s22;
	s22 =	smul.u32 @!p1 $0x60, s13  }
0x37: {  	s24 =	sadd.s32 @!p1 s7, s24;
	s20 =	simm.s32 @!p1 $0x30;
	p2 =	por !p2, p1  }
0x38: {  	s20 =	simm.s32 @p2 $0x0;
	s22 =	sadd.s32 @!p1 s22, s24;
	s24 =	sand.u32 @!p1 $0x7, s21  }
0x39: {  	s21 =	sshrl.u32 @!p1 s21, $0x3;
	s20 =	sadd.s32 @!p1 s20, s22;
	s22 =	sshll.u32 @!p1 s24, $0x12  }
0x3a: {  	s20 =	sadd.s32 @!p1 s21, s20;
	s21 =	sor.u32 @!p1 $0x80, s22;
	s22 =	simm.s32 @!p1 $0x9300  }
0x3b: {  	[tilespmem:s23], [sflag:$0x1] =	stream.strided.gather @!p1 [hbm4b:s20+s21], $0x4000, s22, s21, $0x38;
	[tilespmem:$0x10100] =	vst v63  }
0x3c: {  	p1 =	sge.u32 s31, s6  }
.Ltmp2:
0x3d: {  	_ = 	snop;
	(pc) =	sbr.rel @p1 .LBB1_5-.Ltmp2, $1  }
0x3e: {  	_ =	sdelay $0x3  }
0x3f: {  	s20 =	simm.s32 $0x1  }
0x40: {  	_ =	swait.ge [sflag:s5], $0x4000;
	s20 =	simm.s32 @!p0 $0x0  }
0x41: {  	[sflag:s5] =	ssyncset.done $0x0;
	s21 =	sshll.u32 s20, $0xE  }
0x42: {  	[sflag:s5] =	ssyncadd.s32 $0xFFFFC000;
	s23 =	sor.u32 $0x40, s21  }
0x43: {  	s20 =	smul.u32 $0x10200, s20;
	v0 =	vld [tilespmem:s23+$0x30]  }
0x44: {  	v3 =	vld [tilespmem:s23+$0xFFFFFFD0]  }
0x45: {  	s20 =	sshrl.u32 s20, $0x2;
	v4 =	vld [tilespmem:s23+$0xFFFFFFE0]  }
0x46: {  	v5 =	vld [tilespmem:s23+$0xFFFFFFF0];
	s21 =	sor.u32 $0x8000, s20  }
0x47: {  	s31 =	sand.u32 $0x1, s15;
	v1 =	vld [tilespmem:s23+$0x0];
	s22 =	sadd.s32 $0x0, s21  }
0x48: {  	v2 =	vld [tilespmem:s23+$0x10];
	s20 =	smul.u32 $0x10200, s31;
	[tilespmem:s22+$0x3870 ss:$0x81] =	vst.msk $0xffff, v0  }
0x49: {  	[tilespmem:s22+$0x810 ss:$0x81] =	vst.msk $0xffff, v3;
	v3 =	vld [tilespmem:s23+$0x20]  }
0x4a: {  	s20 =	sshrl.u32 s20, $0x2;
	v0 =	vld [tilespmem:s23+$0xFFFFFFC0];
	[tilespmem:s22+$0x1020 ss:$0x81] =	vst.msk $0xffff, v4;
	s23 =	sadd.s32 $0x80, s23  }
0x4b: {  	s24 =	simm.s32 $0x4;
	s25 =	simm.s32 $0x8;
	s20 =	sor.u32 $0x8000, s20;
	[tilespmem:s22+$0x1830 ss:$0x81] =	vst.msk $0xffff, v5;
	v4 =	vld [tilespmem:s23+$0x30]  }
.LBB1_3:
0x4c: {  	p1 =	sne.s32 s25, $0x1FC;
	v5 =	vld [tilespmem:s23+$0xFFFFFFD0];
	[tilespmem:s22+$0x2040 ss:$0x81] =	vst.msk $0xffff, v1  }
0x4d: {  	v6 =	vld [tilespmem:s23+$0xFFFFFFE0];
	[tilespmem:s22+$0x2850 ss:$0x81] =	vst.msk $0xffff, v2  }
0x4e: {  	s26 =	sshra.s32 s24, $0x2;
	s24 =	smov.u32 s25;
	v7 =	vld [tilespmem:s23+$0xFFFFFFF0];
	[tilespmem:s22+$0x3060 ss:$0x81] =	vst.msk $0xffff, v3  }
.Ltmp3:
0x4f: {  	v1 =	vld [tilespmem:s23+$0x0];
	[tilespmem:s22+$0x0 ss:$0x81] =	vst.msk $0xffff, v0;
	s22 =	sadd.s32 s26, s21;
	(pc) =	sbr.rel @p1 .LBB1_3-.Ltmp3, $4  }
0x50: {  	v2 =	vld [tilespmem:s23+$0x10];
	[tilespmem:s22+$0x3870 ss:$0x81] =	vst.msk $0xffff, v4  }
0x51: {  	[tilespmem:s22+$0x810 ss:$0x81] =	vst.msk $0xffff, v5;
	v3 =	vld [tilespmem:s23+$0x20]  }
0x52: {  	v0 =	vld [tilespmem:s23+$0xFFFFFFC0];
	[tilespmem:s22+$0x1020 ss:$0x81] =	vst.msk $0xffff, v6;
	s23 =	sadd.s32 $0x80, s23  }
0x53: {  	s25 =	sadd.s32 $0x4, s25;
	v4 =	vld [tilespmem:s23+$0x30];
	[tilespmem:s22+$0x1830 ss:$0x81] =	vst.msk $0xffff, v7  }
.Ltmp4:
0x54: {  	_ = 	snop;
	(pc) =	sbr.rel .LBB1_4-.Ltmp4, $1  }
0x55: {  	_ =	sdelay $0x3  }
.LBB1_6:
0x56: {  	_ =	sfence.sel $0x180000  }
0x57: {  	s1 =	simm.s32 $0x1;
	[bflag:$0x0] =	sbarrier.arrive $0xFFFF  }
0x58: {  	s31 =	simm.s32 $0x2;
	[sflag:s1] =	ssyncpa.u1 $0x1  }
0x59: {  	[sflag:s31] =	ssyncpa.u1 $0x1  }
0x5a: {  	p0 =	sne.s32 s0, $0x0;
	_ =	strace $0x9000004D  }
0x5b: {  	s0 =	sadd.s32 @!p0 $0x100000, s4;
	[bflag:$0x2] =	sbarrier.arrive $0xFFFF  }
0x5c: {  	[sflag:s0] =	ssyncadd.tile.s32 @!p0 $0x1;
	_ =	shalt  }
.Lfunc_end1:
_tile_overlayer_lowered:
.L_overlay_start_2:
0x5d: {  	(tag) =	ssettag $0x2  }
0x5e: {  	s0 =	rddreg [dreg:$0x0];
	s2 =	stileid.u32  }
0x5f: {  	s1 =	rddreg [dreg:$0x1];
	p0 =	sne.s32 s2, $0x0  }
0x60: {  	s3 =	rddreg [dreg:$0x2];
	[bflag:$0x3] =	sbarrier.arrive $0xFFFF;
	s2 =	simm.s32 @!p0 $0x1C01  }
0x61: {  	[timem:s3], [sflag:s2] =	dma.local @!p0 [hbm:s0], s1  }
0x62: {  	s0 =	simm.s32 @!p0 $0x1  }
0x63: {  	_ =	swait.ge @!p0 [sflag:s0], s1  }
0x64: {  	s1 =	ssub.s32 @!p0 $0x0, s1;
	[sflag:s0] =	ssyncset.done @!p0 $0x0  }
0x65: {  	[sflag:s0] =	ssyncadd.s32 @!p0 s1  }
0x66: {  	[bflag:$0x3] =	sbarrier.arrive $0xFFFF  }
0x67: {  	_ =	shalt  }

// kernel: sparse-core-data-format-call.5.cloned.1.call-start
scs
called_computation.5_lowered:
.L_overlay_start_0:
0x0: {  	s1 =	sld [smem:$0x3FD9]  }
0x1: {  	s2 =	sld [smem:$0x3FFE];
	_ =	sdelay $0x1  }
0x2: {  	s3 =	srdreg.scid  }
0x3: {  	s0 =	sand.u32 $0x1, s3  }
0x4: {  	s17 =	sshll.u32 s0, $0xA;
	s1 =	sadd.s32 s2, s1  }
0x5: {  	s1 =	sadd.s32 s1, s17  }
0x6: {  	[smem:$0x3FBE] =	sst s1  }
0x7: {  	_ = 	snop  }
0x8: {  	(tm) =	ssettm $0x1  }
0x9: {  	s18 =	sld [smem:$0x3FFB];
	_ =	sdelay $0x3  }
0xa: {  	_ =	strace s18  }
0xb: {  	s1 =	sld [smem:$0x3FFC];
	_ =	sdelay $0x3  }
0xc: {  	_ =	strace s1  }
0xd: {  	s1 =	sld [smem:$0x3FFD];
	_ =	sdelay $0x3  }
0xe: {  	_ =	strace s1  }
0xf: {  	_ =	strace $0x8FFFFFFF  }
0x10: {  	s19 =	sld [smem:$0x3FDB];
	_ =	sdelay $0x1  }
0x11: {  	s20 =	simm.s32 $_scs_section_size  }
0x12: {  	s4 =	simm.s32 $_size__tile_overlayer_lowered;
	s5 =	simm.s32 $_tile_overlayer_lowered  }
0x13: {  	s23 =	simm.s32 $0x1BFF;
	s22 =	sshll.u32 s5, $0x1;
	s1 =	sadd.s32 s20, s19  }
0x14: {  	s6 =	simm.s32 $0x0;
	s21 =	sshll.u32 s4, $0x1;
	s4 =	sadd.s32 s22, s1  }
0x15: {  	[timem:s6], [sflag:s23] =	dma.local [hbm:s4], s21  }
0x16: {  	_ =	swait.ge [sflag:s23], s21  }
0x17: {  	s2 =	ssub.s32 $0x0, s21;
	[sflag:s23] =	ssyncset.done $0x0  }
0x18: {  	[sflag:s23] =	ssyncadd.s32 s2;
	_ =	sdelay $0x1  }
0x19: {  	s24 =	simm.s32 $0x1B8B  }
0x1a: {  	_ =	swait.ge [sflag:s24], $0x1  }
0x1b: {  	[sflag:s24] =	ssyncset.done $0x0  }
0x1c: {  	s26 =	simm.s32 $0x1B8E;
	s25 =	sld [smem:$0x3FFE];
	[sflag:s24] =	ssyncadd.s32 $0xFFFFFFFF  }
0x1d: {  	s27 =	simm.s32 $execute0_lowered;
	[smem:$0x3FD2] =	sst s26  }
0x1e: {  	s4 =	sshll.u32 s27, $0x1;
	_ =	strace $0x80000046;
	[dreg:$0x1] =	wrdreg $0xFFFFFFFF  }
0x1f: {  	s28 =	simm.s32 $_size_execute0_lowered;
	s1 =	sadd.s32 s1, s4;
	[dreg:$0x0] =	wrdreg $0x0  }
0x20: {  	s4 =	sshll.u32 s28, $0x1;
	[dreg:$0x2] =	wrdreg s1  }
0x21: {  	[dreg:$0x3] =	wrdreg s4  }
0x22: {  	[dreg:$0x4] =	wrdreg $0xC0  }
0x23: {  	_ =	task [dreg:s6], $0x5FFFF  }
0x24: {  	[dreg:$0x1] =	wrdreg $0xFFFFFFFF  }
0x25: {  	[dreg:$0x0] =	wrdreg $0x60  }
0x26: {  	[dreg:$0x2] =	wrdreg s25  }
0x27: {  	[dreg:$0x3] =	wrdreg $0x9  }
0x28: {  	_ =	task.clear_ibuf [dreg:s6], $0x4FFFF;
	_ =	strace $0x90000046  }
0x29: {  	s29 =	simm.s32 $0x9;
	_ =	strace $0x80000048  }
0x2a: {  	_ =	swait.ge [sflag:s29], $0x1  }
0x2b: {  	[sflag:s29] =	ssyncadd.s32 $0xFFFFFFFF  }
0x2c: {  	_ =	strace $0x90000048  }
0x2d: {  	_ =	sfence  }
0x2e: {  	s30 =	sld [smem:$0x0];
	_ =	sdelay $0x2  }
0x2f: {  	s31 =	sshll.u32 s3, $0xD;
	s3 =	sshrl.u32 s3, $0x2  }
0x30: {  	s2 =	sand.u32 $0x4000, s31;
	s1 =	sadd.s32 s3, s30  }
0x31: {  	s0 =	sor.u32 s2, s0;
	s1 =	sshll.u32 s1, $0x11  }
0x32: {  	s0 =	sor.u32 s1, s0  }
0x33: {  	s0 =	sadd.s32 $0x8F2B, s0  }
0x34: {  	[sflag:s0] =	ssyncadd.remote.s32 $0x1  }
0x35: {  	_ =	sfence.sel $0xFFFF  }
0x36: {  	[dreg:$0x0] =	wrdreg $0xFFFFFFFF;
	(pc) =	sbr.abs _section_cstart, $3  }
0x37: {  	[dreg:$0x1] =	wrdreg $0xFFFFFFFF  }
0x38: {  	_ =	task.clear_ibuf [dreg:s6], $0x2FFFF;
	_ =	strace $0x9FFFFFFF  }
0x39: {  	(tm) =	ssettm $0x7FFFFFFF  }
tec
execute0_lowered:
.L_overlay_start_1:
0x0: {  	(tag) =	ssettag $0x1  }
0x1: {  	s0 =	srdreg.scid  }
0x2: {  	s5 =	rddreg [dreg:$0x0];
	s4 =	simm.s32 $0x1;
	s1 =	sshll.u32 s0, $0x4  }
0x3: {  	s8 =	simm.s32 $0x2;
	s0 =	stileid.u32;
	s1 =	sand.u32 $0x10, s1  }
0x4: {  	s13 =	simm.s32 $0x0;
	s9 =	simm.s32 $0x310000;
	s2 =	sor.u32 s0, s1  }
0x5: {  	s10 =	simm.s32 $0x0;
	s12 =	simm.s32 $0x0;
	s2 =	sshll.u32 s2, $0x4  }
0x6: {  	s21 =	simm.s32 $0x0;
	s3 =	sadd.s32 $0x2800, s5;
	s6 =	ssub.s32 $0x3100, s2  }
.Ltmp0:
0x7: {  	s1 =	rddreg [dreg:$0x1];
	s7 =	sand.u32 $0x1F0, s6;
	(pc) =	sbr.rel .LBB1_1-.Ltmp0, $4  }
0x8: {  	_ =	strace $0x80000047;
	p0 =	sne.s32 s7, $0x0;
	s7 =	simm.s32 $0x1  }
0x9: {  	[sflag:s4] =	ssyncpa.u1 $0x0;
	s6 =	sshrl.u32 s6, $0x9;
	s7 =	simm.s32 @!p0 $0x0  }
0xa: {  	s5 =	sadd.s32 $0x18A800, s5;
	[sflag:s8] =	ssyncpa.u1 $0x0;
	s6 =	sadd.s32 s7, s6  }
0xb: {  	s8 =	simm.s32 $0x1000;
	s11 =	smov.u32 s2;
	s7 =	sadd.s32 $0x1, s6  }
.LBB1_9:
0xc: {  	s15 =	sadd.s32 $0x200, s11  }
0xd: {  	p1 =	sgt.s32 s15, $0x30FF  }
0xe: {  	s15 =	smov.u32 @p1 s2;
	p1 =	sne.s32 s12, s7  }
.Ltmp1:
0xf: {  	p0 =	slt.u32 s12, $0x2;
	(pc) =	sbr.rel @!p1 .LBB1_10-.Ltmp1, $4  }
0x10: {  	s14 =	simm.s32 @!p0 $0x2  }
0x11: {  	s16 =	sadd.s32 $0x1, s12;
	_ =	swait.ge @!p0 [sflag:s14], $0x4000  }
0x12: {  	s13 =	smov.u32 s11;
	s10 =	sadd.s32 $0x4000, s10;
	[sflag:s14] =	ssyncset.done @!p0 $0x0  }
0x13: {  	s12 =	smov.u32 s16;
	s11 =	smov.u32 s15;
	[sflag:s14] =	ssyncadd.s32 @!p0 $0xFFFFC000  }
.LBB1_1:
0x14: {  	p0 =	sge.u32 s12, s6  }
0x15: {  	s14 =	sxor.u32 @!p0 $0xFFFFFFFF, s12  }
0x16: {  	s31 =	sadd.s32 $0xFFFFFFFF, s12;
	s15 =	sshll.u32 @!p0 s11, $0x7;
	s14 =	sshll.u32 @!p0 s14, $0xE  }
0x17: {  	s16 =	simm.s32 @!p0 $0x0;
	s15 =	sadd.s32 @!p0 s3, s15;
	s14 =	sand.u32 @!p0 $0x4000, s14  }
0x18: {  	[tilespmem:s14], [sflag:$0x1] =	stream.linear.gather @!p0 [hbm4b:s15+s16], $0x4000, $0x38;
	[tilespmem:$0x10000] =	vst v63  }
0x19: {  	p0 =	sge.u32 s31, s6  }
.Ltmp2:
0x1a: {  	_ = 	snop;
	(pc) =	sbr.rel @p0 .LBB1_9-.Ltmp2, $1  }
0x1b: {  	_ =	sdelay $0x3  }
0x1c: {  	s14 =	sand.u32 $0x4000, s10;
	_ =	swait.ge [sflag:s4], $0x4000;
	s16 =	sshll.u32 s12, $0xE  }
0x1d: {  	s17 =	simm.s32 $0x0;
	[sflag:s4] =	ssyncset.done $0x0;
	s16 =	sand.u32 $0x4000, s16  }
0x1e: {  	s15 =	sor.u32 $0x8040, s14;
	[sflag:s4] =	ssyncadd.s32 $0xFFFFC000;
	s16 =	sor.u32 $0x8000, s16  }
.LBB1_3:
0x1f: {  	p1 =	por $0x1, $0x1;
	s18 =	simm.s32 $0x0  }
.LBB1_4:
0x20: {  	s19 =	sshll.u32 s18, $0x2  }
0x21: {  	s19 =	sshra.s32 s19, $0x2  }
0x22: {  	s19 =	sadd.s32 s19, s14  }
0x23: {  	v0 =	vmov s19;
	_ =	sdelay $0x4  }
0x24: {  	v6 =	vld.idx.msk [tilespmem:v0+s21+$0x70 ss:$0x1], $0xffff  }
0x25: {  	v7 =	vld.idx.msk [tilespmem:v0+s21+$0x0 ss:$0x1], $0xffff  }
0x26: {  	v5 =	vld.idx.msk [tilespmem:v0+s21+$0x10 ss:$0x1], $0xffff  }
0x27: {  	v1 =	vld.idx.msk [tilespmem:v0+s21+$0x20 ss:$0x1], $0xffff  }
0x28: {  	s31 =	sshra.s32 s18, $0x2;
	v2 =	vld.idx.msk [tilespmem:v0+s21+$0x30 ss:$0x1], $0xffff  }
0x29: {  	s18 =	sadd.s32 s31, s15;
	v3 =	vld.idx.msk [tilespmem:v0+s21+$0x40 ss:$0x1], $0xffff  }
0x2a: {  	v4 =	vld.idx.msk [tilespmem:v0+s21+$0x50 ss:$0x1], $0xffff;
	[tilespmem:s18+$0x30] =	vst v6  }
0x2b: {  	p0 =	por p1, p1;
	s20 =	simm.s32 $0x400;
	s19 =	simm.s32 $0x80;
	[tilespmem:s18+$0xFFFFFFC0] =	vst v7;
	v6 =	vld.idx.msk [tilespmem:v0+s21+$0x60 ss:$0x1], $0xffff  }
.LBB1_5:
0x2c: {  	p1 =	sne.s32 s20, $0x600;
	v7 =	vld.idx.msk [tilespmem:v0+s19+$0x70 ss:$0x1], $0xffff;
	[tilespmem:s18+$0xFFFFFFD0] =	vst v5  }
0x2d: {  	v8 =	vld.idx.msk [tilespmem:v0+s19+$0x0 ss:$0x1], $0xffff;
	[tilespmem:s18+$0xFFFFFFE0] =	vst v1  }
0x2e: {  	v5 =	vld.idx.msk [tilespmem:v0+s19+$0x10 ss:$0x1], $0xffff;
	[tilespmem:s18+$0xFFFFFFF0] =	vst v2  }
.Ltmp3:
0x2f: {  	v1 =	vld.idx.msk [tilespmem:v0+s19+$0x20 ss:$0x1], $0xffff;
	[tilespmem:s18+$0x0] =	vst v3;
	(pc) =	sbr.rel @p1 .LBB1_5-.Ltmp3, $4  }
0x30: {  	v2 =	vld.idx.msk [tilespmem:v0+s19+$0x30 ss:$0x1], $0xffff;
	[tilespmem:s18+$0x10] =	vst v4  }
0x31: {  	v3 =	vld.idx.msk [tilespmem:v0+s19+$0x40 ss:$0x1], $0xffff;
	[tilespmem:s18+$0x20] =	vst v6;
	s18 =	sadd.s32 $0x1000, s18  }
0x32: {  	v4 =	vld.idx.msk [tilespmem:v0+s19+$0x50 ss:$0x1], $0xffff;
	[tilespmem:s18+$0x30] =	vst v7  }
0x33: {  	[tilespmem:s18+$0xFFFFFFC0] =	vst v8;
	v6 =	vld.idx.msk [tilespmem:v0+s19+$0x60 ss:$0x1], $0xffff;
	s19 =	sshra.s32 s20, $0x2;
	s20 =	sadd.s32 $0x200, s20  }
0x34: {  	_ =	sdelay $0x2  }
0x35: {  	[tilespmem:s18+$0xFFFFFFD0] =	vst v5  }
0x36: {  	v56 =	vld.idx.msk [tilespmem:v0+s19+$0x70 ss:$0x1], $0xffff;
	[tilespmem:s18+$0xFFFFFFE0] =	vst v1  }
0x37: {  	v57 =	vld.idx.msk [tilespmem:v0+s19+$0x0 ss:$0x1], $0xffff;
	[tilespmem:s18+$0xFFFFFFF0] =	vst v2  }
0x38: {  	v58 =	vld.idx.msk [tilespmem:v0+s19+$0x10 ss:$0x1], $0xffff;
	[tilespmem:s18+$0x0] =	vst v3  }
0x39: {  	v59 =	vld.idx.msk [tilespmem:v0+s19+$0x20 ss:$0x1], $0xffff;
	[tilespmem:s18+$0x10] =	vst v4  }
0x3a: {  	v60 =	vld.idx.msk [tilespmem:v0+s19+$0x30 ss:$0x1], $0xffff;
	s31 =	sadd.s32 $0x1000, s18;
	[tilespmem:s18+$0x20] =	vst v6  }
0x3b: {  	v61 =	vld.idx.msk [tilespmem:v0+s19+$0x40 ss:$0x1], $0xffff;
	[tilespmem:s31+$0x30] =	vst v56  }
0x3c: {  	v62 =	vld.idx.msk [tilespmem:v0+s19+$0x50 ss:$0x1], $0xffff;
	[tilespmem:s31+$0xFFFFFFC0] =	vst v57  }
0x3d: {  	v63 =	vld.idx.msk [tilespmem:v0+s19+$0x60 ss:$0x1], $0xffff;
	[tilespmem:s31+$0xFFFFFFD0] =	vst v58  }
.Ltmp4:
0x3e: {  	[tilespmem:s31+$0xFFFFFFE0] =	vst v59;
	(pc) =	sbr.rel @p0 .LBB1_4-.Ltmp4, $4  }
0x3f: {  	[tilespmem:s31+$0xFFFFFFF0] =	vst v60  }
0x40: {  	[tilespmem:s31+$0x0] =	vst v61  }
0x41: {  	[tilespmem:s31+$0x10] =	vst v62  }
0x42: {  	p1 =	por $0x0, $0x0;
	s18 =	simm.s32 $0x200;
	[tilespmem:s31+$0x20] =	vst v63  }
0x43: {  	s17 =	sadd.s32 $0x1, s17  }
0x44: {  	p0 =	sne.s32 s17, $0x10  }
.Ltmp5:
0x45: {  	_ = 	snop;
	(pc) =	sbr.rel @p0 .LBB1_3-.Ltmp5, $2  }
0x46: {  	_ =	sdelay $0x2  }
0x47: {  	s15 =	sadd.s32 $0x100, s15;
	s14 =	sadd.s32 $0x400, s14  }
.Ltmp6:
0x48: {  	(pc) =	sbr.rel .LBB1_9-.Ltmp6, $4  }
0x49: {  	_ = 	snop  }
0x4a: {  	s13 =	sshll.u32 s13, $0x5  }
0x4b: {  	s13 =	sadd.s32 s5, s13  }
0x4c: {  	[hbm4b:s13+s8] =	stream.strided.scatter [tilespmem:s16], [sflag:$0x2], $0x4000, s9, s8, $0x38;
	[tilespmem:$0x10000] =	vst v63  }
.LBB1_10:
0x4d: {  	_ =	sfence.sel $0x180000  }
0x4e: {  	s2 =	simm.s32 $0x1;
	[bflag:$0x0] =	sbarrier.arrive $0xFFFF  }
0x4f: {  	s31 =	simm.s32 $0x2;
	[sflag:s2] =	ssyncpa.u1 $0x1  }
0x50: {  	[sflag:s31] =	ssyncpa.u1 $0x1  }
0x51: {  	p0 =	sne.s32 s0, $0x0;
	_ =	strace $0x90000047  }
0x52: {  	s0 =	sadd.s32 @!p0 $0x100000, s1;
	[bflag:$0x2] =	sbarrier.arrive $0xFFFF  }
0x53: {  	[sflag:s0] =	ssyncadd.tile.s32 @!p0 $0x1;
	_ =	shalt  }
.Lfunc_end1:
_tile_overlayer_lowered:
.L_overlay_start_2:
0x54: {  	(tag) =	ssettag $0x2  }
0x55: {  	s0 =	rddreg [dreg:$0x0];
	s2 =	stileid.u32  }
0x56: {  	s1 =	rddreg [dreg:$0x1];
	p0 =	sne.s32 s2, $0x0  }
0x57: {  	s3 =	rddreg [dreg:$0x2];
	[bflag:$0x3] =	sbarrier.arrive $0xFFFF;
	s2 =	simm.s32 @!p0 $0x1C01  }
0x58: {  	[timem:s3], [sflag:s2] =	dma.local @!p0 [hbm:s0], s1  }
0x59: {  	s0 =	simm.s32 @!p0 $0x1  }
0x5a: {  	_ =	swait.ge @!p0 [sflag:s0], s1  }
0x5b: {  	s1 =	ssub.s32 @!p0 $0x0, s1;
	[sflag:s0] =	ssyncset.done @!p0 $0x0  }
0x5c: {  	[sflag:s0] =	ssyncadd.s32 @!p0 s1  }
0x5d: {  	[bflag:$0x3] =	sbarrier.arrive $0xFFFF  }
0x5e: {  	_ =	shalt  }

// kernel: sparse-core-data-format-call.6.cloned.1.call-start
scs
called_computation.6_lowered:
.L_overlay_start_0:
0x0: {  	s2 =	sld [smem:$0x3FD9]  }
0x1: {  	s3 =	sld [smem:$0x3FFE];
	_ =	sdelay $0x1  }
0x2: {  	s1 =	srdreg.scid  }
0x3: {  	s0 =	sand.u32 $0x1, s1  }
0x4: {  	s18 =	sshll.u32 s0, $0xA;
	s2 =	sadd.s32 s3, s2  }
0x5: {  	s2 =	sadd.s32 s2, s18  }
0x6: {  	[smem:$0x3FBE] =	sst s2  }
0x7: {  	_ = 	snop  }
0x8: {  	s19 =	sld [smem:$0x3FD0];
	(tm) =	ssettm $0x1  }
0x9: {  	s20 =	sld [smem:$0x3FFB];
	_ =	sdelay $0x3  }
0xa: {  	_ =	strace s20  }
0xb: {  	s2 =	sld [smem:$0x3FFC];
	_ =	sdelay $0x3  }
0xc: {  	_ =	strace s2  }
0xd: {  	s2 =	sld [smem:$0x3FFD];
	_ =	sdelay $0x3  }
0xe: {  	_ =	strace s2  }
0xf: {  	_ =	strace $0x8FFFFFFF  }
0x10: {  	s21 =	sld [smem:$0x3FDB];
	_ =	sdelay $0x1  }
0x11: {  	s4 =	simm.s32 $_scs_section_size  }
0x12: {  	s5 =	simm.s32 $_size__tile_overlayer_lowered;
	s6 =	simm.s32 $_tile_overlayer_lowered  }
0x13: {  	s7 =	simm.s32 $0x1BFF;
	s22 =	sshll.u32 s6, $0x1;
	s4 =	sadd.s32 s4, s21  }
0x14: {  	s23 =	simm.s32 $0x0;
	s5 =	sshll.u32 s5, $0x1;
	s6 =	sadd.s32 s22, s4  }
0x15: {  	[timem:s23], [sflag:s7] =	dma.local [hbm:s6], s5  }
0x16: {  	_ =	swait.ge [sflag:s7], s5  }
0x17: {  	s5 =	ssub.s32 $0x0, s5;
	[sflag:s7] =	ssyncset.done $0x0  }
0x18: {  	[sflag:s7] =	ssyncadd.s32 s5;
	_ =	sdelay $0x1  }
0x19: {  	s24 =	simm.s32 $0x1B8B  }
0x1a: {  	_ =	swait.ge [sflag:s24], $0x1  }
0x1b: {  	[sflag:s24] =	ssyncset.done $0x0  }
0x1c: {  	[sflag:s24] =	ssyncadd.s32 $0xFFFFFFFF  }
0x1d: {  	s5 =	sld [smem:$0x0]  }
0x1e: {  	s6 =	sand.u32 $0xFFFFFFFE, s1  }
0x1f: {  	p0 =	sne.s32 s1, s6  }
0x20: {  	s6 =	sshll.u32 @p0 s6, $0xE  }
0x21: {  	s6 =	sadd.s32 @p0 $0x11B8D, s6;
	s7 =	sshll.u32 @p0 s5, $0x11  }
0x22: {  	s6 =	sor.u32 @p0 s7, s6  }
0x23: {  	[sflag:s6] =	ssyncadd.remote.s32 @p0 $0x1;
	_ =	sdelay $0x1  }
0x24: {  	s6 =	simm.s32 @p0 $0x1B8D  }
0x25: {  	_ =	swait.eq @p0 [sflag:s6], $0x1  }
0x26: {  	[sflag:s6] =	ssyncadd.s32 @p0 $0xFFFFFFFF  }
0x27: {  	s7 =	sshll.u32 @!p0 s1, $0xE  }
0x28: {  	s7 =	sor.u32 @!p0 $0x4000, s7;
	s6 =	simm.s32 @!p0 $0x1B8D  }
0x29: {  	s5 =	sshll.u32 @!p0 s5, $0x11;
	s7 =	sadd.s32 @!p0 $0x11B8D, s7;
	_ =	swait.eq @!p0 [sflag:s6], $0x1  }
0x2a: {  	s5 =	sor.u32 @!p0 s5, s7;
	[sflag:s6] =	ssyncadd.s32 @!p0 $0xFFFFFFFF  }
0x2b: {  	s26 =	simm.s32 $0x1B8E;
	s25 =	sld [smem:$0x3FFE];
	[sflag:s5] =	ssyncadd.remote.s32 @!p0 $0x1  }
0x2c: {  	s27 =	simm.s32 $execute0_lowered;
	[smem:$0x3FD2] =	sst s26  }
0x2d: {  	s6 =	sshll.u32 s27, $0x1;
	_ =	strace $0x8000004F;
	[dreg:$0x1] =	wrdreg $0xFFFFFFFF  }
0x2e: {  	s28 =	simm.s32 $_size_execute0_lowered;
	s4 =	sadd.s32 s4, s6;
	[dreg:$0x0] =	wrdreg $0x0  }
0x2f: {  	s6 =	sshll.u32 s28, $0x1;
	[dreg:$0x2] =	wrdreg s4  }
0x30: {  	[dreg:$0x3] =	wrdreg s6  }
0x31: {  	[dreg:$0x4] =	wrdreg $0xC0  }
0x32: {  	_ =	task [dreg:s23], $0x5FFFF  }
0x33: {  	[dreg:$0x1] =	wrdreg $0xFFFFFFFF  }
0x34: {  	[dreg:$0x0] =	wrdreg $0x60  }
0x35: {  	[dreg:$0x2] =	wrdreg s19  }
0x36: {  	[dreg:$0x3] =	wrdreg s25  }
0x37: {  	[dreg:$0x4] =	wrdreg $0xA  }
0x38: {  	_ =	task.clear_ibuf [dreg:s23], $0x5FFFF;
	_ =	strace $0x9000004F  }
0x39: {  	s29 =	simm.s32 $0xA;
	_ =	strace $0x80000051  }
0x3a: {  	_ =	swait.ge [sflag:s29], $0x1  }
0x3b: {  	[sflag:s29] =	ssyncadd.s32 $0xFFFFFFFF  }
0x3c: {  	_ =	strace $0x90000051  }
0x3d: {  	_ =	sfence  }
0x3e: {  	s30 =	sld [smem:$0x0];
	_ =	sdelay $0x2  }
0x3f: {  	s31 =	sshll.u32 s1, $0xD;
	s1 =	sshrl.u32 s1, $0x2  }
0x40: {  	s4 =	sand.u32 $0x4000, s31;
	s1 =	sadd.s32 s1, s30  }
0x41: {  	s0 =	sor.u32 s4, s0;
	s1 =	sshll.u32 s1, $0x11  }
0x42: {  	s0 =	sor.u32 s1, s0  }
0x43: {  	s0 =	sadd.s32 $0x8F2B, s0  }
0x44: {  	[sflag:s0] =	ssyncadd.remote.s32 $0x1  }
0x45: {  	_ =	sfence.sel $0xFFFF  }
0x46: {  	[dreg:$0x0] =	wrdreg $0xFFFFFFFF;
	(pc) =	sbr.abs _section_cstart, $3  }
0x47: {  	[dreg:$0x1] =	wrdreg $0xFFFFFFFF  }
0x48: {  	_ =	task.clear_ibuf [dreg:s23], $0x2FFFF;
	_ =	strace $0x9FFFFFFF  }
0x49: {  	(tm) =	ssettm $0x7FFFFFFF  }
tec
execute0_lowered:
.L_overlay_start_1:
0x0: {  	(tag) =	ssettag $0x1  }
0x1: {  	s1 =	rddreg [dreg:$0x0]  }
0x2: {  	s0 =	srdreg.scid;
	s8 =	rddreg [dreg:$0x1];
	s7 =	simm.s32 $0x4A  }
0x3: {  	s31 =	simm.s32 $0x2;
	s17 =	simm.s32 $0x0;
	s11 =	simm.s32 $0x24C00  }
0x4: {  	s16 =	simm.s32 $0x0;
	s15 =	simm.s32 $0x0;
	s2 =	sshll.u32 s0, $0x4  }
0x5: {  	s14 =	simm.s32 $0x0;
	s0 =	stileid.u32;
	s2 =	sand.u32 $0x10, s2  }
0x6: {  	s8 =	sadd.s32 $0x24E800, s8;
	s4 =	sshll.u32 s0, $0x6;
	s9 =	sor.u32 s0, s2  }
0x7: {  	s2 =	sand.u32 $0x1, s0;
	s4 =	sand.u32 $0x80, s4;
	s3 =	sshll.u32 s9, $0x5  }
0x8: {  	s5 =	ssub.s32 $0x2, s2;
	p0 =	seq.s32 s4, $0x0;
	s3 =	sand.u32 $0x380, s3  }
0x9: {  	s6 =	sshrl.u32 s5, $0x1;
	s5 =	sand.u32 $0x1, s5;
	s30 =	ssub.s32 $0x400, s3  }
0xa: {  	s7 =	simm.s32 @!p0 $0x49;
	s5 =	sadd.s32 s5, s6;
	s10 =	sand.u32 $0x380, s30  }
0xb: {  	s7 =	smul.u32 s7, s5;
	p0 =	sne.s32 s10, $0x0;
	s10 =	simm.s32 $0x1  }
.Ltmp0:
0xc: {  	s6 =	sshrl.u32 s30, $0xA;
	s10 =	simm.s32 @!p0 $0x0;
	(pc) =	sbr.rel .LBB1_1-.Ltmp0, $4  }
0xd: {  	s9 =	sshll.u32 s9, $0x8;
	s5 =	rddreg [dreg:$0x2];
	s10 =	sadd.s32 s10, s6  }
0xe: {  	_ =	strace $0x80000050;
	s6 =	simm.s32 $0x1;
	s7 =	smul.u32 s10, s7  }
0xf: {  	s12 =	smov.u32 s4;
	s13 =	smov.u32 s2;
	[sflag:s6] =	ssyncpa.u1 $0x0  }
0x10: {  	p0 =	por $0x0, $0x0;
	[sflag:s31] =	ssyncpa.u1 $0x0;
	s10 =	sadd.s32 $0x1, s7  }
.LBB1_4:
0x11: {  	s17 =	sshrl.u32 s17, $0x3  }
0x12: {  	s23 =	sshll.u32 s16, $0x3;
	s17 =	smul.u32 $0x24C00, s17  }
0x13: {  	v5 =	vld [tilespmem:s21+$0xFFFFFFD0];
	[tilespmem:s20+$0x2040 ss:$0x81] =	vst.msk $0xffff, v4;
	s23 =	sand.u32 $0xFFFFFC00, s23  }
0x14: {  	v58 =	vld [tilespmem:s21+$0xFFFFFFE0];
	[tilespmem:s20+$0x2850 ss:$0x81] =	vst.msk $0xffff, v3;
	s28 =	sand.u32 $0x7F, s16;
	s17 =	sadd.s32 s23, s17  }
0x15: {  	s22 =	sshra.s32 s22, $0x2;
	v59 =	vld [tilespmem:s21+$0xFFFFFFF0];
	[tilespmem:s20+$0x3060 ss:$0x81] =	vst.msk $0xffff, v2;
	s16 =	sor.u32 s28, s17  }
0x16: {  	v60 =	vld [tilespmem:s21+$0x0];
	[tilespmem:s20+$0x0 ss:$0x81] =	vst.msk $0xffff, v0;
	s19 =	sadd.s32 s22, s19;
	s29 =	smulhi.u32 $0xDEE95C4D, s16  }
0x17: {  	v61 =	vld [tilespmem:s21+$0x10];
	[tilespmem:s19+$0x3870 ss:$0x81] =	vst.msk $0xffff, v1;
	s17 =	smulhi.u32 $0xDEE95C4D, s17  }
0x18: {  	v62 =	vld [tilespmem:s21+$0x20];
	[tilespmem:s19+$0x810 ss:$0x81] =	vst.msk $0xffff, v5;
	s20 =	sshrl.u32 s29, $0xE  }
0x19: {  	v63 =	vld [tilespmem:s21+$0xFFFFFFC0];
	[tilespmem:s19+$0x1020 ss:$0x81] =	vst.msk $0xffff, v58;
	s17 =	sshrl.u32 s17, $0xE;
	s20 =	smul.u32 $0x4980, s20  }
0x1a: {  	s15 =	smul.u32 $0x24C000, s15;
	[tilespmem:s19+$0x1830 ss:$0x81] =	vst.msk $0xffff, v59;
	s17 =	sand.u32 $0x3FF, s17  }
0x1b: {  	[tilespmem:s19+$0x2040 ss:$0x81] =	vst.msk $0xffff, v60;
	s17 =	smul.u32 $0x930, s17;
	s16 =	ssub.s32 s16, s20  }
0x1c: {  	s15 =	sadd.s32 s8, s15;
	[tilespmem:s19+$0x2850 ss:$0x81] =	vst.msk $0xffff, v61;
	s20 =	sand.u32 $0x7, s16  }
0x1d: {  	[tilespmem:s19+$0x3060 ss:$0x81] =	vst.msk $0xffff, v62;
	s15 =	sadd.s32 s17, s15;
	s16 =	sshrl.u32 s16, $0x3;
	s30 =	sshll.u32 s20, $0x12  }
0x1e: {  	[tilespmem:s19+$0x0 ss:$0x81] =	vst.msk $0xffff, v63;
	s15 =	sadd.s32 s16, s15;
	s31 =	sor.u32 $0x400, s30  }
0x1f: {  	[hbm4b:s15+s31] =	stream.strided.scatter [tilespmem:s18], [sflag:$0x2], $0x4000, s11, s31, $0x20;
	[tilespmem:$0x10100] =	vst v63  }
.LBB1_5:
0x20: {  	s18 =	sadd.s32 $0x100, s12  }
0x21: {  	s15 =	sadd.s32 $0x2, s13;
	s19 =	smov.u32 s13;
	p2 =	sgt.s32 s18, $0x497F  }
0x22: {  	s19 =	smov.u32 @p2 s15  }
0x23: {  	s18 =	smov.u32 @p2 s4;
	p2 =	sgt.s32 s19, $0x1  }
0x24: {  	s19 =	smov.u32 @p2 s2;
	p2 =	sne.s32 s14, s10  }
.Ltmp1:
0x25: {  	p1 =	slt.u32 s14, $0x2;
	(pc) =	sbr.rel @!p2 .LBB1_6-.Ltmp1, $4  }
0x26: {  	s16 =	smov.u32 s12;
	s17 =	simm.s32 @!p1 $0x2  }
0x27: {  	p0 =	por !p0, !p0;
	_ =	swait.ge @!p1 [sflag:s17], $0x4000;
	s15 =	smov.u32 s13  }
0x28: {  	[sflag:s17] =	ssyncset.done @!p1 $0x0;
	s12 =	smov.u32 s18;
	s14 =	sadd.s32 $0x1, s14  }
0x29: {  	[sflag:s17] =	ssyncadd.s32 @!p1 $0xFFFFC000;
	s17 =	smov.u32 s3;
	s13 =	smov.u32 s19  }
.LBB1_1:
0x2a: {  	p1 =	sge.u32 s14, s7  }
0x2b: {  	s18 =	sshll.u32 @!p1 s12, $0xA  }
0x2c: {  	s18 =	sand.u32 @!p1 $0xFFFFE000, s18  }
0x2d: {  	s18 =	sor.u32 @!p1 s9, s18  }
0x2e: {  	s18 =	sshrl.u32 @!p1 s18, $0xA  }
0x2f: {  	s19 =	smulhi.u32 @!p1 $0x6F74AF, s18;
	_ =	sdelay $0x1  }
0x30: {  	s19 =	sshrl.u32 @!p1 s19, $0x5  }
0x31: {  	s19 =	smul.u32 @!p1 $0x4980, s19  }
0x32: {  	s31 =	sadd.s32 $0xFFFFFFFF, s14;
	s20 =	smul.u32 @!p1 $0x24C000, s13  }
0x33: {  	s21 =	sxor.u32 @!p1 $0xFFFFFFFF, s14;
	s18 =	ssub.s32 @!p1 s18, s19;
	s19 =	sshll.u32 @!p1 s12, $0x4  }
0x34: {  	s21 =	sshll.u32 @!p1 s21, $0xE;
	s20 =	sadd.s32 @!p1 s1, s20;
	s19 =	sand.u32 @!p1 $0x70, s19  }
0x35: {  	s21 =	sand.u32 @!p1 $0x4000, s21;
	s18 =	sshll.u32 @!p1 s18, $0x7;
	s19 =	sadd.s32 @!p1 s19, s20  }
0x36: {  	s20 =	simm.s32 @!p1 $0x2000;
	s18 =	sadd.s32 @!p1 s18, s19;
	s19 =	simm.s32 @!p1 $0x400  }
0x37: {  	[tilespmem:s21], [sflag:$0x1] =	stream.strided.gather @!p1 [hbm4b:s18+s19], $0x4000, s20, s19, $0x38;
	[tilespmem:$0x10100] =	vst v63  }
0x38: {  	p1 =	sge.u32 s31, s7  }
.Ltmp2:
0x39: {  	_ = 	snop;
	(pc) =	sbr.rel @p1 .LBB1_5-.Ltmp2, $1  }
0x3a: {  	_ =	sdelay $0x3  }
0x3b: {  	s18 =	simm.s32 $0x1  }
0x3c: {  	_ =	swait.ge [sflag:s6], $0x4000;
	s18 =	simm.s32 @!p0 $0x0  }
0x3d: {  	[sflag:s6] =	ssyncset.done $0x0;
	s19 =	sshll.u32 s18, $0xE  }
0x3e: {  	[sflag:s6] =	ssyncadd.s32 $0xFFFFC000;
	s21 =	sor.u32 $0x40, s19  }
0x3f: {  	s18 =	smul.u32 $0x10200, s18;
	v0 =	vld [tilespmem:s21+$0x30]  }
0x40: {  	v1 =	vld [tilespmem:s21+$0xFFFFFFD0]  }
0x41: {  	s18 =	sshrl.u32 s18, $0x2;
	v5 =	vld [tilespmem:s21+$0xFFFFFFE0]  }
0x42: {  	v6 =	vld [tilespmem:s21+$0xFFFFFFF0];
	s19 =	sor.u32 $0x8000, s18  }
0x43: {  	s31 =	sand.u32 $0x1, s14;
	v4 =	vld [tilespmem:s21+$0x0];
	s20 =	sadd.s32 $0x0, s19  }
0x44: {  	v3 =	vld [tilespmem:s21+$0x10];
	s18 =	smul.u32 $0x10200, s31;
	[tilespmem:s20+$0x3870 ss:$0x81] =	vst.msk $0xffff, v0  }
0x45: {  	v2 =	vld [tilespmem:s21+$0x20];
	[tilespmem:s20+$0x810 ss:$0x81] =	vst.msk $0xffff, v1  }
0x46: {  	s18 =	sshrl.u32 s18, $0x2;
	v0 =	vld [tilespmem:s21+$0xFFFFFFC0];
	[tilespmem:s20+$0x1020 ss:$0x81] =	vst.msk $0xffff, v5;
	s21 =	sadd.s32 $0x80, s21  }
0x47: {  	s22 =	simm.s32 $0x4;
	s23 =	simm.s32 $0x8;
	s18 =	sor.u32 $0x8000, s18;
	[tilespmem:s20+$0x1830 ss:$0x81] =	vst.msk $0xffff, v6;
	v1 =	vld [tilespmem:s21+$0x30]  }
.LBB1_3:
0x48: {  	p1 =	sne.s32 s23, $0x1FC;
	v5 =	vld [tilespmem:s21+$0xFFFFFFD0];
	[tilespmem:s20+$0x2040 ss:$0x81] =	vst.msk $0xffff, v4  }
0x49: {  	v6 =	vld [tilespmem:s21+$0xFFFFFFE0];
	[tilespmem:s20+$0x2850 ss:$0x81] =	vst.msk $0xffff, v3  }
0x4a: {  	s24 =	sshra.s32 s22, $0x2;
	s22 =	smov.u32 s23;
	v7 =	vld [tilespmem:s21+$0xFFFFFFF0];
	[tilespmem:s20+$0x3060 ss:$0x81] =	vst.msk $0xffff, v2  }
.Ltmp3:
0x4b: {  	v4 =	vld [tilespmem:s21+$0x0];
	[tilespmem:s20+$0x0 ss:$0x81] =	vst.msk $0xffff, v0;
	s20 =	sadd.s32 s24, s19;
	(pc) =	sbr.rel @p1 .LBB1_3-.Ltmp3, $4  }
0x4c: {  	v3 =	vld [tilespmem:s21+$0x10];
	[tilespmem:s20+$0x3870 ss:$0x81] =	vst.msk $0xffff, v1  }
0x4d: {  	[tilespmem:s20+$0x810 ss:$0x81] =	vst.msk $0xffff, v5;
	v2 =	vld [tilespmem:s21+$0x20]  }
0x4e: {  	v0 =	vld [tilespmem:s21+$0xFFFFFFC0];
	[tilespmem:s20+$0x1020 ss:$0x81] =	vst.msk $0xffff, v6;
	s21 =	sadd.s32 $0x80, s21  }
0x4f: {  	s23 =	sadd.s32 $0x4, s23;
	v1 =	vld [tilespmem:s21+$0x30];
	[tilespmem:s20+$0x1830 ss:$0x81] =	vst.msk $0xffff, v7  }
.Ltmp4:
0x50: {  	_ = 	snop;
	(pc) =	sbr.rel .LBB1_4-.Ltmp4, $1  }
0x51: {  	_ =	sdelay $0x3  }
.LBB1_6:
0x52: {  	_ =	sfence.sel $0x180000  }
0x53: {  	s1 =	simm.s32 $0x1;
	[bflag:$0x0] =	sbarrier.arrive $0xFFFF  }
0x54: {  	s31 =	simm.s32 $0x2;
	[sflag:s1] =	ssyncpa.u1 $0x1  }
0x55: {  	[sflag:s31] =	ssyncpa.u1 $0x1  }
0x56: {  	p0 =	sne.s32 s0, $0x0;
	_ =	strace $0x90000050  }
0x57: {  	s0 =	sadd.s32 @!p0 $0x100000, s5;
	[bflag:$0x2] =	sbarrier.arrive $0xFFFF  }
0x58: {  	[sflag:s0] =	ssyncadd.tile.s32 @!p0 $0x1;
	_ =	shalt  }
.Lfunc_end1:
_tile_overlayer_lowered:
.L_overlay_start_2:
0x59: {  	(tag) =	ssettag $0x2  }
0x5a: {  	s0 =	rddreg [dreg:$0x0];
	s2 =	stileid.u32  }
0x5b: {  	s1 =	rddreg [dreg:$0x1];
	p0 =	sne.s32 s2, $0x0  }
0x5c: {  	s3 =	rddreg [dreg:$0x2];
	[bflag:$0x3] =	sbarrier.arrive $0xFFFF;
	s2 =	simm.s32 @!p0 $0x1C01  }
0x5d: {  	[timem:s3], [sflag:s2] =	dma.local @!p0 [hbm:s0], s1  }
0x5e: {  	s0 =	simm.s32 @!p0 $0x1  }
0x5f: {  	_ =	swait.ge @!p0 [sflag:s0], s1  }
0x60: {  	s1 =	ssub.s32 @!p0 $0x0, s1;
	[sflag:s0] =	ssyncset.done @!p0 $0x0  }
0x61: {  	[sflag:s0] =	ssyncadd.s32 @!p0 s1  }
0x62: {  	[bflag:$0x3] =	sbarrier.arrive $0xFFFF  }
0x63: {  	_ =	shalt  }

// kernel: sparse-core-data-format-call.7.cloned.1.call-start
scs
called_computation.7_lowered:
.L_overlay_start_0:
0x0: {  	s2 =	sld [smem:$0x3FD9]  }
0x1: {  	s3 =	sld [smem:$0x3FFE];
	_ =	sdelay $0x1  }
0x2: {  	s1 =	srdreg.scid  }
0x3: {  	s0 =	sand.u32 $0x1, s1  }
0x4: {  	s18 =	sshll.u32 s0, $0xA;
	s2 =	sadd.s32 s3, s2  }
0x5: {  	s2 =	sadd.s32 s2, s18  }
0x6: {  	[smem:$0x3FBE] =	sst s2  }
0x7: {  	_ = 	snop  }
0x8: {  	s19 =	sld [smem:$0x3FD0];
	(tm) =	ssettm $0x1  }
0x9: {  	s20 =	sld [smem:$0x3FFB];
	_ =	sdelay $0x3  }
0xa: {  	_ =	strace s20  }
0xb: {  	s2 =	sld [smem:$0x3FFC];
	_ =	sdelay $0x3  }
0xc: {  	_ =	strace s2  }
0xd: {  	s2 =	sld [smem:$0x3FFD];
	_ =	sdelay $0x3  }
0xe: {  	_ =	strace s2  }
0xf: {  	_ =	strace $0x8FFFFFFF  }
0x10: {  	s21 =	sld [smem:$0x3FDB];
	_ =	sdelay $0x1  }
0x11: {  	s4 =	simm.s32 $_scs_section_size  }
0x12: {  	s5 =	simm.s32 $_size__tile_overlayer_lowered;
	s6 =	simm.s32 $_tile_overlayer_lowered  }
0x13: {  	s7 =	simm.s32 $0x1BFF;
	s22 =	sshll.u32 s6, $0x1;
	s4 =	sadd.s32 s4, s21  }
0x14: {  	s23 =	simm.s32 $0x0;
	s5 =	sshll.u32 s5, $0x1;
	s6 =	sadd.s32 s22, s4  }
0x15: {  	[timem:s23], [sflag:s7] =	dma.local [hbm:s6], s5  }
0x16: {  	_ =	swait.ge [sflag:s7], s5  }
0x17: {  	s5 =	ssub.s32 $0x0, s5;
	[sflag:s7] =	ssyncset.done $0x0  }
0x18: {  	[sflag:s7] =	ssyncadd.s32 s5;
	_ =	sdelay $0x1  }
0x19: {  	s24 =	simm.s32 $0x1B8B  }
0x1a: {  	_ =	swait.ge [sflag:s24], $0x1  }
0x1b: {  	[sflag:s24] =	ssyncset.done $0x0  }
0x1c: {  	[sflag:s24] =	ssyncadd.s32 $0xFFFFFFFF  }
0x1d: {  	s5 =	sld [smem:$0x0]  }
0x1e: {  	s6 =	sand.u32 $0xFFFFFFFE, s1  }
0x1f: {  	p0 =	sne.s32 s1, s6  }
0x20: {  	s6 =	sshll.u32 @p0 s6, $0xE  }
0x21: {  	s6 =	sadd.s32 @p0 $0x11B8D, s6;
	s7 =	sshll.u32 @p0 s5, $0x11  }
0x22: {  	s6 =	sor.u32 @p0 s7, s6  }
0x23: {  	[sflag:s6] =	ssyncadd.remote.s32 @p0 $0x1;
	_ =	sdelay $0x1  }
0x24: {  	s6 =	simm.s32 @p0 $0x1B8D  }
0x25: {  	_ =	swait.eq @p0 [sflag:s6], $0x1  }
0x26: {  	[sflag:s6] =	ssyncadd.s32 @p0 $0xFFFFFFFF  }
0x27: {  	s7 =	sshll.u32 @!p0 s1, $0xE  }
0x28: {  	s7 =	sor.u32 @!p0 $0x4000, s7;
	s6 =	simm.s32 @!p0 $0x1B8D  }
0x29: {  	s5 =	sshll.u32 @!p0 s5, $0x11;
	s7 =	sadd.s32 @!p0 $0x11B8D, s7;
	_ =	swait.eq @!p0 [sflag:s6], $0x1  }
0x2a: {  	s5 =	sor.u32 @!p0 s5, s7;
	[sflag:s6] =	ssyncadd.s32 @!p0 $0xFFFFFFFF  }
0x2b: {  	s26 =	simm.s32 $0x1B8E;
	s25 =	sld [smem:$0x3FFE];
	[sflag:s5] =	ssyncadd.remote.s32 @!p0 $0x1  }
0x2c: {  	s27 =	simm.s32 $execute0_lowered;
	[smem:$0x3FD2] =	sst s26  }
0x2d: {  	s6 =	sshll.u32 s27, $0x1;
	_ =	strace $0x80000049;
	[dreg:$0x1] =	wrdreg $0xFFFFFFFF  }
0x2e: {  	s28 =	simm.s32 $_size_execute0_lowered;
	s4 =	sadd.s32 s4, s6;
	[dreg:$0x0] =	wrdreg $0x0  }
0x2f: {  	s6 =	sshll.u32 s28, $0x1;
	[dreg:$0x2] =	wrdreg s4  }
0x30: {  	[dreg:$0x3] =	wrdreg s6  }
0x31: {  	[dreg:$0x4] =	wrdreg $0xC0  }
0x32: {  	_ =	task [dreg:s23], $0x5FFFF  }
0x33: {  	[dreg:$0x1] =	wrdreg $0xFFFFFFFF  }
0x34: {  	[dreg:$0x0] =	wrdreg $0x60  }
0x35: {  	[dreg:$0x2] =	wrdreg s19  }
0x36: {  	[dreg:$0x3] =	wrdreg s25  }
0x37: {  	[dreg:$0x4] =	wrdreg $0xA  }
0x38: {  	_ =	task.clear_ibuf [dreg:s23], $0x5FFFF;
	_ =	strace $0x90000049  }
0x39: {  	s29 =	simm.s32 $0xA;
	_ =	strace $0x8000004B  }
0x3a: {  	_ =	swait.ge [sflag:s29], $0x1  }
0x3b: {  	[sflag:s29] =	ssyncadd.s32 $0xFFFFFFFF  }
0x3c: {  	_ =	strace $0x9000004B  }
0x3d: {  	_ =	sfence  }
0x3e: {  	s30 =	sld [smem:$0x0];
	_ =	sdelay $0x2  }
0x3f: {  	s31 =	sshll.u32 s1, $0xD;
	s1 =	sshrl.u32 s1, $0x2  }
0x40: {  	s4 =	sand.u32 $0x4000, s31;
	s1 =	sadd.s32 s1, s30  }
0x41: {  	s0 =	sor.u32 s4, s0;
	s1 =	sshll.u32 s1, $0x11  }
0x42: {  	s0 =	sor.u32 s1, s0  }
0x43: {  	s0 =	sadd.s32 $0x8F2B, s0  }
0x44: {  	[sflag:s0] =	ssyncadd.remote.s32 $0x1  }
0x45: {  	_ =	sfence.sel $0xFFFF  }
0x46: {  	[dreg:$0x0] =	wrdreg $0xFFFFFFFF;
	(pc) =	sbr.abs _section_cstart, $3  }
0x47: {  	[dreg:$0x1] =	wrdreg $0xFFFFFFFF  }
0x48: {  	_ =	task.clear_ibuf [dreg:s23], $0x2FFFF;
	_ =	strace $0x9FFFFFFF  }
0x49: {  	(tm) =	ssettm $0x7FFFFFFF  }
tec
execute0_lowered:
.L_overlay_start_1:
0x0: {  	(tag) =	ssettag $0x1  }
0x1: {  	s2 =	rddreg [dreg:$0x0]  }
0x2: {  	s6 =	rddreg [dreg:$0x1]  }
0x3: {  	s0 =	rddreg [dreg:$0x2]  }
0x4: {  	s1 =	srdreg.scid;
	_ =	strace $0x8000004A;
	s7 =	simm.s32 $0x2  }
0x5: {  	s15 =	simm.s32 $0x0;
	s17 =	simm.s32 $0x0;
	s18 =	simm.s32 $0x0  }
0x6: {  	s16 =	simm.s32 $0x0;
	s19 =	simm.s32 $0x0;
	s20 =	simm.s32 $0x0  }
0x7: {  	s9 =	simm.s32 $0x0;
	s10 =	simm.s32 $0x0;
	s11 =	simm.s32 $0x0  }
.Ltmp0:
0x8: {  	s12 =	simm.s32 $0x0;
	s13 =	simm.s32 $0x0;
	(pc) =	sbr.rel .LBB1_1-.Ltmp0, $4  }
0x9: {  	s8 =	simm.s32 $0x0;
	s3 =	sadd.s32 $0x312800, s6;
	s4 =	sshll.u32 s1, $0x4  }
0xa: {  	s1 =	stileid.u32;
	s5 =	sand.u32 $0x10, s4;
	s4 =	simm.s32 $0x1  }
0xb: {  	s6 =	sadd.s32 $0xC42800, s6;
	s5 =	sor.u32 s1, s5;
	[sflag:s4] =	ssyncpa.u1 $0x0  }
0xc: {  	[sflag:s7] =	ssyncpa.u1 $0x0;
	s7 =	simm.s32 $0x31000;
	s14 =	smov.u32 s5  }
.LBB1_7:
0xd: {  	s21 =	sadd.s32 $0x80, s9  }
0xe: {  	s15 =	sadd.s32 $0x2, s10;
	s22 =	smov.u32 s10;
	p1 =	sgt.s32 s21, $0x17F  }
0xf: {  	s22 =	smov.u32 @p1 s15  }
0x10: {  	s15 =	simm.s32 $0x1;
	p2 =	sgt.s32 s22, $0x1  }
0x11: {  	s15 =	simm.s32 @!p2 $0x0  }
0x12: {  	s23 =	sadd.s32 s15, s11  }
0x13: {  	s24 =	smov.u32 s12;
	s15 =	sadd.s32 $0x20, s12;
	p3 =	sgt.s32 s23, $0x6  }
0x14: {  	s24 =	smov.u32 @p3 s15  }
0x15: {  	s15 =	simm.s32 $0x1;
	p4 =	sgt.s32 s24, $0x1F  }
0x16: {  	p0 =	slt.u32 s8, $0x2;
	s26 =	smov.u32 s14;
	s15 =	simm.s32 @!p4 $0x0  }
0x17: {  	s8 =	sadd.s32 $0x1, s8;
	s17 =	smov.u32 s10;
	s25 =	sadd.s32 s15, s13  }
0x18: {  	s21 =	simm.s32 @p1 $0x0;
	s15 =	sadd.s32 $0x20, s14;
	p1 =	sgt.s32 s25, $0x6  }
0x19: {  	s18 =	smov.u32 s11;
	s16 =	smov.u32 s12;
	s26 =	smov.u32 @p1 s15  }
0x1a: {  	s27 =	simm.s32 @!p0 $0x2;
	s25 =	simm.s32 @p1 $0x0;
	p1 =	sgt.s32 s26, $0x1F  }
0x1b: {  	_ =	swait.ge @!p0 [sflag:s27], $0x2000;
	s26 =	smov.u32 @p1 s5;
	p1 =	sne.s32 s8, $0x95  }
.Ltmp1:
0x1c: {  	s19 =	smov.u32 s13;
	[sflag:s27] =	ssyncset.done @!p0 $0x0;
	(pc) =	sbr.rel @!p1 .LBB1_8-.Ltmp1, $4  }
0x1d: {  	s20 =	smov.u32 s14;
	s22 =	simm.s32 @p2 $0x0;
	[sflag:s27] =	ssyncadd.s32 @!p0 $0xFFFFE000  }
0x1e: {  	s10 =	smov.u32 s22;
	s23 =	simm.s32 @p3 $0x0;
	s24 =	simm.s32 @p4 $0x0  }
0x1f: {  	s11 =	smov.u32 s23;
	s12 =	smov.u32 s24;
	s15 =	smov.u32 s9  }
0x20: {  	s9 =	smov.u32 s21;
	s13 =	smov.u32 s25;
	s14 =	smov.u32 s26  }
.LBB1_1:
0x21: {  	p0 =	sgt.u32 s8, $0x92  }
0x22: {  	s21 =	sshrl.u32 @!p0 s10, $0x1  }
0x23: {  	s22 =	sshll.u32 @!p0 s9, $0x1;
	s21 =	smul.u32 @!p0 $0x300, s21  }
0x24: {  	s23 =	sshll.u32 @!p0 s10, $0x7;
	s22 =	sand.u32 @!p0 $0xFFFFFF00, s22  }
0x25: {  	s21 =	sadd.s32 @!p0 s21, s22;
	s22 =	sand.u32 @!p0 $0x80, s23  }
0x26: {  	s23 =	sand.u32 @!p0 $0x7F, s9;
	s21 =	sor.u32 @!p0 s22, s21  }
0x27: {  	s25 =	smul.u32 @!p0 $0x24C00, s14;
	s22 =	sor.u32 @!p0 s23, s21  }
0x28: {  	s23 =	smulhi.u32 @!p0 $0xAAAAAAAB, s22  }
0x29: {  	s26 =	smul.u32 @!p0 $0x2A0, s12  }
0x2a: {  	s21 =	smulhi.u32 @!p0 $0xAAAAAAAB, s21;
	s23 =	sshrl.u32 @!p0 s23, $0x8  }
0x2b: {  	s23 =	smul.u32 @!p0 $0x180, s23  }
0x2c: {  	s24 =	sxor.u32 @!p0 $0xFFFFFFFF, s8;
	s27 =	smul.u32 @!p0 $0x60, s11  }
0x2d: {  	s21 =	sshrl.u32 @!p0 s21, $0x8;
	s22 =	ssub.s32 @!p0 s22, s23;
	s23 =	smul.u32 @!p0 $0x5400, s13  }
0x2e: {  	s24 =	sshll.u32 @!p0 s24, $0xD;
	s25 =	sadd.s32 @!p0 s2, s25;
	s21 =	sand.u32 @!p0 $0x1, s21  }
0x2f: {  	s24 =	sand.u32 @!p0 $0x2000, s24;
	p1 =	seq.s32 @!p0 s21, $0x1;
	s21 =	sadd.s32 @!p0 s23, s25  }
0x30: {  	p1 =	por !p1, p0;
	s23 =	simm.s32 @!p0 $0x30;
	s21 =	sadd.s32 @!p0 s26, s21  }
0x31: {  	s25 =	sand.u32 @!p0 $0x7, s22;
	s23 =	simm.s32 @p1 $0x0;
	s21 =	sadd.s32 @!p0 s27, s21  }
0x32: {  	s22 =	sshrl.u32 @!p0 s22, $0x3;
	s21 =	sadd.s32 @!p0 s23, s21;
	s23 =	sshll.u32 @!p0 s25, $0x12  }
0x33: {  	s21 =	sadd.s32 @!p0 s22, s21;
	s22 =	sor.u32 @!p0 $0x100, s23;
	s23 =	simm.s32 @!p0 $0x1500  }
0x34: {  	[tilespmem:s24], [sflag:$0x1] =	stream.strided.gather @!p0 [hbm4b:s21+s22], $0x2000, s23, s22, $0x38;
	[tilespmem:$0x8200] =	vst v63  }
0x35: {  	p0 =	seq.s32 s8, $0x0  }
0x36: {  	p1 =	seq.s32 @!p0 s8, $0x94  }
0x37: {  	p0 =	por p0, p1  }
.Ltmp2:
0x38: {  	_ = 	snop;
	(pc) =	sbr.rel @p0 .LBB1_7-.Ltmp2, $1  }
0x39: {  	_ =	sdelay $0x3  }
0x3a: {  	s22 =	sand.u32 $0x1, s8  }
0x3b: {  	s21 =	smul.u32 $0x8400, s22  }
0x3c: {  	_ =	swait.ge [sflag:s4], $0x2000  }
0x3d: {  	s24 =	simm.s32 $0x0;
	[sflag:s4] =	ssyncset.done $0x0;
	s21 =	sshrl.u32 s21, $0x2  }
0x3e: {  	s23 =	sshll.u32 s22, $0xD;
	[sflag:s4] =	ssyncadd.s32 $0xFFFFE000;
	s22 =	sor.u32 $0x4000, s21  }
.LBB1_3:
0x3f: {  	s25 =	sshll.u32 s24, $0x8  }
0x40: {  	s25 =	sand.u32 $0x3FFFFF00, s25  }
0x41: {  	s25 =	sadd.s32 s25, s23  }
0x42: {  	v0 =	vmov s25;
	_ =	sdelay $0x1  }
0x43: {  	p0 =	por $0x1, $0x1;
	s25 =	simm.s32 $0x0  }
.LBB1_4:
0x44: {  	s26 =	sshll.u32 s25, $0x7  }
0x45: {  	s26 =	sand.u32 $0x3FFFFF80, s26  }
0x46: {  	s31 =	smul.u32 $0x4200, s25;
	v1 =	vld.idx.msk [tilespmem:v0+s26+$0x0 ss:$0x1], $0xffff  }
0x47: {  	v2 =	vld.idx.msk [tilespmem:v0+s26+$0x10 ss:$0x1], $0xffff  }
0x48: {  	s25 =	sshra.s32 s31, $0x2;
	v3 =	vld.idx.msk [tilespmem:v0+s26+$0x20 ss:$0x1], $0xffff  }
0x49: {  	v4 =	vld.idx.msk [tilespmem:v0+s26+$0x30 ss:$0x1], $0xffff;
	s25 =	sadd.s32 s25, s22  }
0x4a: {  	v5 =	vld.idx.msk [tilespmem:v0+s26+$0x40 ss:$0x1], $0xffff;
	s25 =	sadd.s32 s24, s25  }
0x4b: {  	[tilespmem:s25+$0x0 ss:$0x21] =	vst.msk $0xffff, v1;
	v1 =	vld.idx.msk [tilespmem:v0+s26+$0x50 ss:$0x1], $0xffff  }
0x4c: {  	[tilespmem:s25+$0x210 ss:$0x21] =	vst.msk $0xffff, v2;
	v2 =	vld.idx.msk [tilespmem:v0+s26+$0x60 ss:$0x1], $0xffff  }
0x4d: {  	p1 =	por p0, p0;
	[tilespmem:s25+$0x420 ss:$0x21] =	vst.msk $0xffff, v3;
	v3 =	vld.idx.msk [tilespmem:v0+s26+$0x70 ss:$0x1], $0xffff  }
.Ltmp3:
0x4e: {  	[tilespmem:s25+$0x630 ss:$0x21] =	vst.msk $0xffff, v4;
	(pc) =	sbr.rel @p1 .LBB1_4-.Ltmp3, $4  }
0x4f: {  	[tilespmem:s25+$0x840 ss:$0x21] =	vst.msk $0xffff, v5  }
0x50: {  	[tilespmem:s25+$0xA50 ss:$0x21] =	vst.msk $0xffff, v1  }
0x51: {  	[tilespmem:s25+$0xC60 ss:$0x21] =	vst.msk $0xffff, v2  }
0x52: {  	p0 =	por $0x0, $0x0;
	[tilespmem:s25+$0xE70 ss:$0x21] =	vst.msk $0xffff, v3;
	s25 =	simm.s32 $0x1  }
0x53: {  	s24 =	sadd.s32 $0x1, s24  }
0x54: {  	p0 =	sne.s32 s24, $0x20  }
.Ltmp4:
0x55: {  	_ = 	snop;
	(pc) =	sbr.rel @p0 .LBB1_3-.Ltmp4, $1  }
0x56: {  	_ =	sdelay $0x3  }
0x57: {  	s20 =	sshll.u32 s20, $0x7;
	s23 =	sshll.u32 s16, $0x3;
	s19 =	smul.u32 $0xE00, s19  }
0x58: {  	s18 =	sshll.u32 s18, $0x9;
	s28 =	sshrl.u32 s16, $0x3;
	s17 =	smul.u32 $0x930000, s17  }
0x59: {  	s15 =	smul.u32 $0x6200, s15;
	s30 =	sand.u32 $0x7, s16;
	s24 =	sand.u32 $0xC00, s20  }
0x5a: {  	s23 =	sand.u32 $0xC00, s23;
	s20 =	sand.u32 $0x380, s20;
	s16 =	sshll.u32 s30, $0x12  }
0x5b: {  	s23 =	sadd.s32 s24, s23;
	s25 =	sadd.s32 s19, s18;
	s24 =	sand.u32 $0xF, s28  }
0x5c: {  	s19 =	sadd.s32 s19, s6;
	s25 =	sadd.s32 s3, s25;
	s20 =	sor.u32 s20, s23  }
0x5d: {  	s18 =	sadd.s32 s18, s19;
	s29 =	sadd.s32 s24, s25;
	s20 =	sshrl.u32 s20, $0x3  }
0x5e: {  	s18 =	sadd.s32 s24, s18;
	s23 =	sadd.s32 s17, s29;
	s20 =	sand.u32 $0x1F0, s20  }
.Ltmp5:
0x5f: {  	s17 =	sadd.s32 s17, s18;
	s23 =	sadd.s32 s15, s23;
	(pc) =	sbr.rel .LBB1_7-.Ltmp5, $4  }
0x60: {  	s16 =	sor.u32 $0x20, s16;
	s15 =	sadd.s32 s15, s17;
	s23 =	sadd.s32 s20, s23  }
0x61: {  	[hbm4b:s23+s16] =	stream.strided.scatter [tilespmem:s22], [sflag:$0x2], $0x1000, s7, s16, $0x10;
	[tilespmem:$0x8200] =	vst v63  }
0x62: {  	s31 =	sadd.s32 $0x5080, s21;
	s15 =	sadd.s32 s20, s15  }
0x63: {  	[hbm4b:s15+s16] =	stream.strided.scatter [tilespmem:s31], [sflag:$0x2], $0x1000, s7, s16, $0x10;
	[tilespmem:$0x8200] =	vst v63  }
.LBB1_8:
0x64: {  	_ =	sfence.sel $0x180000  }
0x65: {  	s2 =	simm.s32 $0x1;
	[bflag:$0x0] =	sbarrier.arrive $0xFFFF  }
0x66: {  	s31 =	simm.s32 $0x2;
	[sflag:s2] =	ssyncpa.u1 $0x1  }
0x67: {  	[sflag:s31] =	ssyncpa.u1 $0x1  }
0x68: {  	p0 =	sne.s32 s1, $0x0;
	_ =	strace $0x9000004A  }
0x69: {  	s0 =	sadd.s32 @!p0 $0x100000, s0;
	[bflag:$0x2] =	sbarrier.arrive $0xFFFF  }
0x6a: {  	[sflag:s0] =	ssyncadd.tile.s32 @!p0 $0x1;
	_ =	shalt  }
.Lfunc_end1:
_tile_overlayer_lowered:
.L_overlay_start_2:
0x6b: {  	(tag) =	ssettag $0x2  }
0x6c: {  	s0 =	rddreg [dreg:$0x0];
	s2 =	stileid.u32  }
0x6d: {  	s1 =	rddreg [dreg:$0x1];
	p0 =	sne.s32 s2, $0x0  }
0x6e: {  	s3 =	rddreg [dreg:$0x2];
	[bflag:$0x3] =	sbarrier.arrive $0xFFFF;
	s2 =	simm.s32 @!p0 $0x1C01  }
0x6f: {  	[timem:s3], [sflag:s2] =	dma.local @!p0 [hbm:s0], s1  }
0x70: {  	s0 =	simm.s32 @!p0 $0x1  }
0x71: {  	_ =	swait.ge @!p0 [sflag:s0], s1  }
0x72: {  	s1 =	ssub.s32 @!p0 $0x0, s1;
	[sflag:s0] =	ssyncset.done @!p0 $0x0  }
0x73: {  	[sflag:s0] =	ssyncadd.s32 @!p0 s1  }
0x74: {  	[bflag:$0x3] =	sbarrier.arrive $0xFFFF  }
0x75: {  	_ =	shalt  }

// kernel: sparse-core-data-format-call.cloned.1.call-start
scs
called_computation_lowered:
.L_overlay_start_0:
0x0: {  	s2 =	sld [smem:$0x3FD9]  }
0x1: {  	s3 =	sld [smem:$0x3FFE];
	_ =	sdelay $0x1  }
0x2: {  	s1 =	srdreg.scid  }
0x3: {  	s0 =	sand.u32 $0x1, s1  }
0x4: {  	s18 =	sshll.u32 s0, $0xA;
	s2 =	sadd.s32 s3, s2  }
0x5: {  	s2 =	sadd.s32 s2, s18  }
0x6: {  	[smem:$0x3FBE] =	sst s2  }
0x7: {  	_ = 	snop  }
0x8: {  	s2 =	sld [smem:$0x3FD0];
	(tm) =	ssettm $0x1  }
0x9: {  	s19 =	sld [smem:$0x3FFB];
	_ =	sdelay $0x3  }
0xa: {  	_ =	strace s19  }
0xb: {  	s3 =	sld [smem:$0x3FFC];
	_ =	sdelay $0x3  }
0xc: {  	_ =	strace s3  }
0xd: {  	s3 =	sld [smem:$0x3FFD];
	_ =	sdelay $0x3  }
0xe: {  	_ =	strace s3  }
0xf: {  	_ =	strace $0x8FFFFFFF  }
0x10: {  	s20 =	sld [smem:$0x3FDB];
	_ =	sdelay $0x1  }
0x11: {  	s4 =	simm.s32 $_scs_section_size  }
0x12: {  	s5 =	simm.s32 $_size__tile_overlayer_lowered;
	s6 =	simm.s32 $_tile_overlayer_lowered  }
0x13: {  	s23 =	simm.s32 $0x1BFF;
	s22 =	sshll.u32 s6, $0x1;
	s3 =	sadd.s32 s4, s20  }
0x14: {  	s7 =	simm.s32 $0x0;
	s21 =	sshll.u32 s5, $0x1;
	s5 =	sadd.s32 s22, s3  }
0x15: {  	[timem:s7], [sflag:s23] =	dma.local [hbm:s5], s21  }
0x16: {  	_ =	swait.ge [sflag:s23], s21  }
0x17: {  	s4 =	ssub.s32 $0x0, s21;
	[sflag:s23] =	ssyncset.done $0x0  }
0x18: {  	[sflag:s23] =	ssyncadd.s32 s4;
	_ =	sdelay $0x1  }
0x19: {  	s24 =	simm.s32 $0x1B8B  }
0x1a: {  	_ =	swait.ge [sflag:s24], $0x1  }
0x1b: {  	[sflag:s24] =	ssyncset.done $0x0  }
0x1c: {  	s26 =	simm.s32 $0x1B8E;
	s25 =	sld [smem:$0x3FFE];
	[sflag:s24] =	ssyncadd.s32 $0xFFFFFFFF  }
0x1d: {  	s27 =	simm.s32 $execute0_lowered;
	[smem:$0x3FD2] =	sst s26  }
0x1e: {  	s5 =	sshll.u32 s27, $0x1;
	_ =	strace $0x8000005B;
	[dreg:$0x1] =	wrdreg $0xFFFFFFFF  }
0x1f: {  	s28 =	simm.s32 $_size_execute0_lowered;
	s3 =	sadd.s32 s3, s5;
	[dreg:$0x0] =	wrdreg $0x0  }
0x20: {  	s5 =	sshll.u32 s28, $0x1;
	[dreg:$0x2] =	wrdreg s3  }
0x21: {  	[dreg:$0x3] =	wrdreg s5  }
0x22: {  	[dreg:$0x4] =	wrdreg $0xC0  }
0x23: {  	_ =	task [dreg:s7], $0x5FFFF  }
0x24: {  	[dreg:$0x1] =	wrdreg $0xFFFFFFFF  }
0x25: {  	[dreg:$0x0] =	wrdreg $0x60  }
0x26: {  	[dreg:$0x2] =	wrdreg s25  }
0x27: {  	[dreg:$0x3] =	wrdreg s2  }
0x28: {  	[dreg:$0x4] =	wrdreg $0x9  }
0x29: {  	_ =	task.clear_ibuf [dreg:s7], $0x5FFFF;
	_ =	strace $0x9000005B  }
0x2a: {  	s29 =	simm.s32 $0x9;
	_ =	strace $0x8000005D  }
0x2b: {  	_ =	swait.ge [sflag:s29], $0x1  }
0x2c: {  	[sflag:s29] =	ssyncadd.s32 $0xFFFFFFFF  }
0x2d: {  	_ =	strace $0x9000005D  }
0x2e: {  	_ =	sfence  }
0x2f: {  	s30 =	sld [smem:$0x0];
	_ =	sdelay $0x2  }
0x30: {  	s31 =	sshll.u32 s1, $0xD;
	s1 =	sshrl.u32 s1, $0x2  }
0x31: {  	s3 =	sand.u32 $0x4000, s31;
	s1 =	sadd.s32 s1, s30  }
0x32: {  	s0 =	sor.u32 s3, s0;
	s1 =	sshll.u32 s1, $0x11  }
0x33: {  	s0 =	sor.u32 s1, s0  }
0x34: {  	s0 =	sadd.s32 $0x8F2B, s0  }
0x35: {  	[sflag:s0] =	ssyncadd.remote.s32 $0x1  }
0x36: {  	_ =	sfence.sel $0xFFFF  }
0x37: {  	[dreg:$0x0] =	wrdreg $0xFFFFFFFF;
	(pc) =	sbr.abs _section_cstart, $3  }
0x38: {  	[dreg:$0x1] =	wrdreg $0xFFFFFFFF  }
0x39: {  	_ =	task.clear_ibuf [dreg:s7], $0x2FFFF;
	_ =	strace $0x9FFFFFFF  }
0x3a: {  	(tm) =	ssettm $0x7FFFFFFF  }
0x3b: {  	_ =	shalt  }
tec
execute0_lowered:
.L_overlay_start_1:
0x0: {  	(tag) =	ssettag $0x1  }
0x1: {  	s0 =	rddreg [dreg:$0x0]  }
0x2: {  	s1 =	srdreg.scid;
	_ =	strace $0x8000005C;
	s30 =	stileid.u32  }
0x3: {  	s2 =	simm.s32 $0x1;
	s31 =	simm.s32 $0x2;
	s17 =	simm.s32 $0x0  }
0x4: {  	s19 =	simm.s32 $0x0;
	s18 =	simm.s32 $0x0;
	s20 =	simm.s32 $0x0  }
0x5: {  	s8 =	simm.s32 $0x0;
	s9 =	simm.s32 $0x0;
	s11 =	simm.s32 $0x0  }
.Ltmp0:
0x6: {  	s13 =	simm.s32 $0x0;
	s12 =	simm.s32 $0x0;
	(pc) =	sbr.rel .LBB1_1-.Ltmp0, $4  }
0x7: {  	s14 =	simm.s32 $0x0;
	s0 =	sadd.s32 $0x1E00, s0;
	s29 =	sshll.u32 s1, $0x4  }
0x8: {  	s15 =	simm.s32 $0x0;
	[dreg:$0x3] =	wrdreg s0;
	s0 =	sand.u32 $0x10, s29  }
0x9: {  	s10 =	simm.s32 $0x0;
	[sflag:s2] =	ssyncpa.u1 $0x0;
	s7 =	sor.u32 s30, s0  }
0xa: {  	[sflag:s31] =	ssyncpa.u1 $0x0;
	s16 =	smov.u32 s7;
	[dreg:$0x4] =	wrdreg s7  }
.LBB1_18:
0xb: {  	s8 =	rddreg [dreg:$0x5]  }
0xc: {  	s0 =	sshrl.u32 s11, $0x3;
	s3 =	rddreg [dreg:$0xa]  }
0xd: {  	s4 =	rddreg [dreg:$0xc];
	s0 =	smul.u32 $0xC00, s0;
	s1 =	sshll.u32 s8, $0x3  }
0xe: {  	s2 =	sshll.u32 s11, $0x7;
	s13 =	rddreg [dreg:$0x7];
	s1 =	sand.u32 $0xFFFFFC00, s1  }
0xf: {  	s17 =	sand.u32 $0x380, s2;
	s3 =	smul.u32 s3, s4;
	s0 =	sadd.s32 s0, s1  }
0x10: {  	s18 =	sand.u32 $0x7F, s8;
	s23 =	smul.u32 $0x2A00, s13;
	s0 =	sor.u32 s17, s0  }
0x11: {  	s9 =	rddreg [dreg:$0x6];
	s1 =	sor.u32 s18, s0;
	s0 =	smulhi.u32 $0xAAAAAAAB, s0  }
0x12: {  	s24 =	smul.u32 $0x24C000, s9  }
0x13: {  	s5 =	rddreg [dreg:$0xb];
	s2 =	smulhi.u32 $0xAAAAAAAB, s1;
	s0 =	sshrl.u32 s0, $0x8  }
0x14: {  	s22 =	rddreg [dreg:$0xd];
	s21 =	smulhi.u32 $0x124924A, s0  }
0x15: {  	s26 =	rddreg [dreg:$0x1];
	s3 =	smul.u32 s5, s3  }
0x16: {  	s29 =	sor.u32 $0x8000, s25;
	s2 =	sshrl.u32 s2, $0x8;
	s4 =	smul.u32 $0xE0, s21  }
0x17: {  	s31 =	simm.s32 $0xC00;
	s7 =	rddreg [dreg:$0x4];
	s2 =	smul.u32 $0x180, s2  }
0x18: {  	s17 =	rddreg [dreg:$0x8];
	s3 =	smul.u32 s22, s3;
	s0 =	ssub.s32 s0, s4  }
0x19: {  	s1 =	ssub.s32 s1, s2;
	s2 =	sadd.s32 s26, s23;
	s0 =	smul.u32 $0x30, s0  }
0x1a: {  	s18 =	rddreg [dreg:$0x9];
	s2 =	sadd.s32 s24, s2;
	s27 =	sand.u32 $0x7, s1  }
0x1b: {  	s1 =	sshrl.u32 s1, $0x3;
	s28 =	sshll.u32 s27, $0x12;
	s0 =	sadd.s32 s0, s2  }
0x1c: {  	s3 =	sand.u32 $0x3FFFFFFF, s3;
	s30 =	sor.u32 $0x400, s28;
	s0 =	sadd.s32 s1, s0  }
0x1d: {  	[hbm4b:s0+s30] =	stream.strided.scatter [tilespmem:s29], [sflag:$0x2], s3, s31, s30, $0x38;
	[tilespmem:$0x10000] =	vst v63  }
.LBB1_19:
0x1e: {  	p0 =	slt.u32 s10, $0x2;
	s3 =	smov.u32 s18  }
0x1f: {  	s5 =	simm.s32 $0x1;
	s10 =	sadd.s32 $0x1, s10;
	p1 =	sgt.s32 @!p0 s19, $0x1  }
0x20: {  	s0 =	sshra.s32 @!p0 s19, $0x1F;
	p2 =	sgt.s32 @!p0 s20, $0xDF;
	s1 =	sshra.s32 @!p0 s20, $0x1F  }
0x21: {  	p1 =	por !p1, p0;
	s0 =	sand.u32 @!p0 s0, s19;
	p2 =	por !p2, p0  }
0x22: {  	s1 =	sand.u32 @!p0 s1, s20;
	s19 =	simm.s32 @p1 $0x1;
	s0 =	sxor.u32 @!p0 $0xFFFFFFFF, s0  }
0x23: {  	s20 =	simm.s32 @p2 $0xDF;
	p1 =	sgt.s32 @!p0 s18, $0x60;
	s0 =	sadd.s32 @!p0 s0, s19  }
0x24: {  	s1 =	ssub.s32 @!p0 s20, s1;
	p1 =	por !p1, p0;
	s19 =	smov.u32 s9  }
0x25: {  	p2 =	sgt.s32 @!p0 s0, $0x0;
	s2 =	sadd.s32 @!p0 $0xFFFFFF21, s1;
	s3 =	simm.s32 @p1 $0x60  }
0x26: {  	s0 =	ssub.s32 @!p0 $0x1, s0;
	p1 =	sgt.s32 @!p0 s2, $0x0;
	s2 =	sshra.s32 @!p0 s18, $0x1F  }
0x27: {  	s1 =	ssub.s32 @!p0 $0xE0, s1;
	p2 =	por !p2, p0;
	s2 =	sand.u32 @!p0 s2, s18  }
0x28: {  	p1 =	por !p1, p0;
	s0 =	simm.s32 @!p2 $0x0;
	p2 =	sgt.s32 @!p0 s17, $0x100  }
0x29: {  	s2 =	ssub.s32 @!p0 s3, s2;
	s1 =	simm.s32 @!p1 $0x0;
	p2 =	por !p2, p0  }
0x2a: {  	s3 =	sadd.s32 @!p0 $0xFFFFFFA0, s2;
	s0 =	smul.u32 @!p0 s1, s0;
	s1 =	ssub.s32 @!p0 $0xE0, s2  }
0x2b: {  	s2 =	smov.u32 s17;
	p1 =	sgt.s32 @!p0 s3, $0x7F;
	s3 =	sshra.s32 @!p0 s17, $0x1F  }
0x2c: {  	s2 =	simm.s32 @p2 $0x100;
	p1 =	por !p1, p0;
	s3 =	sand.u32 @!p0 s3, s17  }
0x2d: {  	s1 =	simm.s32 @!p1 $0x0;
	s2 =	ssub.s32 @!p0 s2, s3;
	s3 =	sadd.s32 $0x80, s12  }
0x2e: {  	s4 =	sadd.s32 @!p0 $0xFFFFFF00, s2;
	p1 =	sgt.s32 s3, $0x17F;
	s0 =	smul.u32 @!p0 s1, s0  }
0x2f: {  	s1 =	ssub.s32 @!p0 $0x180, s2;
	p2 =	sgt.s32 @!p0 s4, $0x7F;
	s5 =	simm.s32 @!p1 $0x0  }
0x30: {  	s4 =	sadd.s32 $0x80, s15;
	p2 =	por !p2, p0;
	s2 =	sadd.s32 s5, s14  }
0x31: {  	s5 =	smov.u32 s15;
	s1 =	simm.s32 @!p2 $0x0;
	p2 =	sgt.s32 s2, $0x1  }
0x32: {  	s3 =	simm.s32 @p1 $0x0;
	s0 =	smul.u32 @!p0 s1, s0;
	s5 =	smov.u32 @p2 s4  }
0x33: {  	s1 =	sadd.s32 $0x20, s16;
	s4 =	smov.u32 s16;
	p1 =	sgt.s32 s5, $0xDF  }
0x34: {  	s20 =	smov.u32 s13;
	s9 =	smov.u32 s14;
	s4 =	smov.u32 @p1 s1  }
0x35: {  	s13 =	smov.u32 s16;
	s5 =	simm.s32 @p1 $0x0;
	p1 =	sgt.s32 s4, $0xDF  }
0x36: {  	s18 =	smov.u32 s11;
	s4 =	smov.u32 @p1 s7;
	p1 =	sne.s32 s10, $0x56  }
.Ltmp1:
0x37: {  	s11 =	smov.u32 s15;
	s17 =	smov.u32 s8;
	(pc) =	sbr.rel @!p1 .LBB1_20-.Ltmp1, $4  }
0x38: {  	s8 =	smov.u32 s12;
	s0 =	sand.u32 @!p0 $0x3FFFFFFF, s0;
	s1 =	simm.s32 @!p0 $0x2  }
0x39: {  	s12 =	smov.u32 s3;
	s2 =	simm.s32 @p2 $0x0;
	_ =	swait.ge @!p0 [sflag:s1], s0  }
0x3a: {  	s14 =	smov.u32 s2;
	s0 =	ssub.s32 @!p0 $0x0, s0;
	[sflag:s1] =	ssyncset.done @!p0 $0x0  }
0x3b: {  	s15 =	smov.u32 s5;
	[sflag:s1] =	ssyncadd.s32 @!p0 s0;
	s16 =	smov.u32 s4  }
.LBB1_1:
0x3c: {  	p0 =	sgt.u32 s10, $0x53  }
.Ltmp2:
0x3d: {  	_ = 	snop;
	(pc) =	sbr.rel @p0 .LBB1_3-.Ltmp2, $1  }
0x3e: {  	_ =	sdelay $0x3  }
0x3f: {  	s0 =	sshrl.u32 s14, $0x1  }
0x40: {  	s1 =	sshll.u32 s12, $0x1;
	s2 =	sshll.u32 s14, $0x7;
	s3 =	sand.u32 $0x7F, s12  }
0x41: {  	p0 =	sgt.s32 s16, $0xDF;
	s28 =	sshra.s32 s16, $0x1F;
	s4 =	sshra.s32 s15, $0x1F  }
0x42: {  	s31 =	sshra.s32 s14, $0x1F;
	s6 =	smov.u32 s14;
	s25 =	smul.u32 $0x5400, s16  }
0x43: {  	s22 =	sshra.s32 s12, $0x1F;
	s23 =	sxor.u32 $0xFFFFFFFF, s10;
	s0 =	smul.u32 $0x300, s0  }
0x44: {  	s26 =	smul.u32 $0x60, s15;
	s1 =	sand.u32 $0xFFFFFF00, s1;
	s27 =	sand.u32 $0x80, s2  }
0x45: {  	s2 =	sand.u32 s28, s16;
	s0 =	sadd.s32 s0, s1;
	s1 =	smov.u32 s16  }
0x46: {  	s4 =	sand.u32 s4, s15;
	s0 =	sor.u32 s27, s0;
	s1 =	simm.s32 @!p0 $0xDF  }
0x47: {  	p0 =	sgt.s32 s15, $0x60;
	s27 =	rddreg [dreg:$0x3];
	s3 =	sor.u32 s3, s0  }
0x48: {  	s1 =	ssub.s32 s1, s2;
	s2 =	smov.u32 s15;
	s0 =	smulhi.u32 $0xAAAAAAAB, s0  }
0x49: {  	s5 =	sadd.s32 $0xFFFFFF21, s1;
	s2 =	simm.s32 @!p0 $0x60;
	s1 =	ssub.s32 $0xE0, s1  }
0x4a: {  	s29 =	smulhi.u32 $0xAAAAAAAB, s3;
	p0 =	sgt.s32 s5, $0x0;
	s2 =	ssub.s32 s2, s4  }
0x4b: {  	s5 =	sand.u32 s31, s14;
	s0 =	sshrl.u32 s0, $0x8;
	s31 =	simm.s32 $0x300  }
0x4c: {  	s1 =	simm.s32 @p0 $0x0;
	s30 =	sadd.s32 $0xFFFFFFA0, s2;
	s2 =	ssub.s32 $0xE0, s2  }
0x4d: {  	s21 =	sxor.u32 $0xFFFFFFFF, s5;
	s5 =	smov.u32 s12;
	p0 =	sgt.s32 s30, $0x7F  }
0x4e: {  	s4 =	sshrl.u32 s29, $0x8;
	s2 =	simm.s32 @p0 $0x0;
	p0 =	sgt.s32 s14, $0x1  }
0x4f: {  	s4 =	smul.u32 $0x180, s4;
	s6 =	simm.s32 @!p0 $0x1;
	p0 =	sgt.s32 s12, $0x100  }
0x50: {  	s1 =	smul.u32 s1, s2;
	s2 =	sadd.s32 s21, s6;
	s5 =	simm.s32 @!p0 $0x100  }
0x51: {  	s6 =	sand.u32 s22, s12;
	p0 =	sgt.s32 s2, $0x0;
	s2 =	ssub.s32 $0x1, s2  }
0x52: {  	s0 =	sand.u32 $0x1, s0;
	s5 =	ssub.s32 s5, s6;
	s2 =	simm.s32 @p0 $0x0  }
0x53: {  	s3 =	ssub.s32 s3, s4;
	s6 =	sadd.s32 $0xFFFFFF00, s5;
	s1 =	smul.u32 s2, s1  }
0x54: {  	p0 =	sgt.s32 s6, $0x7F;
	s2 =	ssub.s32 $0x180, s5;
	s5 =	sshll.u32 s23, $0xE  }
0x55: {  	s28 =	sand.u32 $0x7, s3;
	s2 =	simm.s32 @p0 $0x0;
	s24 =	sand.u32 $0x4000, s5  }
0x56: {  	p0 =	seq.s32 s0, $0x1;
	s0 =	simm.s32 $0x30;
	s5 =	sadd.s32 s27, s25  }
0x57: {  	s1 =	smul.u32 s2, s1;
	s0 =	simm.s32 @!p0 $0x0;
	s4 =	sadd.s32 s26, s5  }
0x58: {  	s3 =	sshrl.u32 s3, $0x3;
	s29 =	sshll.u32 s28, $0x12;
	s0 =	sadd.s32 s0, s4  }
0x59: {  	s30 =	sor.u32 $0x80, s29;
	s1 =	sand.u32 $0x3FFFFFFF, s1;
	s0 =	sadd.s32 s3, s0  }
0x5a: {  	[tilespmem:s24], [sflag:$0x1] =	stream.strided.gather [hbm4b:s0+s30], s1, s31, s30, $0x38;
	[tilespmem:$0x10000] =	vst v63  }
.LBB1_3:
0x5b: {  	p0 =	seq.s32 s10, $0x0  }
0x5c: {  	p1 =	seq.s32 @!p0 s10, $0x55  }
0x5d: {  	p0 =	por p0, p1  }
.Ltmp3:
0x5e: {  	_ = 	snop;
	(pc) =	sbr.rel @p0 .LBB1_19-.Ltmp3, $1  }
0x5f: {  	_ =	sdelay $0x3  }
0x60: {  	[dreg:$0x9] =	wrdreg s18  }
0x61: {  	[dreg:$0x8] =	wrdreg s17  }
0x62: {  	p0 =	sgt.s32 s13, $0xDF;
	s0 =	smov.u32 s13;
	s1 =	sshra.s32 s13, $0x1F  }
0x63: {  	s2 =	smov.u32 s11;
	s3 =	sshra.s32 s11, $0x1F;
	s22 =	sshra.s32 s9, $0x1F  }
0x64: {  	p1 =	sgt.s32 s9, $0x1;
	s23 =	sshra.s32 s8, $0x1F;
	s0 =	simm.s32 @!p0 $0xDF  }
0x65: {  	s1 =	sand.u32 s1, s13;
	p0 =	sgt.s32 s11, $0x60;
	s17 =	sand.u32 s3, s11  }
0x66: {  	s24 =	sand.u32 s23, s8;
	s0 =	ssub.s32 s0, s1;
	s2 =	simm.s32 @!p0 $0x60  }
0x67: {  	s18 =	sadd.s32 $0xFFFFFF21, s0;
	s1 =	ssub.s32 s2, s17;
	s2 =	ssub.s32 $0xE0, s0  }
0x68: {  	s0 =	sand.u32 s22, s9;
	p0 =	sgt.s32 s18, $0x0;
	s21 =	sadd.s32 $0xFFFFFFA0, s1  }
0x69: {  	s3 =	ssub.s32 $0xE0, s1;
	s1 =	smov.u32 s9;
	s0 =	sxor.u32 $0xFFFFFFFF, s0  }
0x6a: {  	s2 =	simm.s32 @p0 $0x0;
	p0 =	sgt.s32 s21, $0x7F;
	s1 =	simm.s32 @!p1 $0x1  }
0x6b: {  	p1 =	sgt.s32 s8, $0x100;
	s3 =	simm.s32 @p0 $0x0;
	[dreg:$0xa] =	wrdreg s2  }
0x6c: {  	s0 =	sadd.s32 s0, s1;
	s1 =	smov.u32 s8;
	s2 =	smul.u32 s2, s3  }
0x6d: {  	p0 =	sgt.s32 s0, $0x0;
	s4 =	ssub.s32 $0x1, s0;
	s1 =	simm.s32 @!p1 $0x100  }
0x6e: {  	s4 =	simm.s32 @p0 $0x0;
	s0 =	ssub.s32 s1, s24  }
0x6f: {  	[dreg:$0xb] =	wrdreg s3;
	s25 =	smul.u32 s4, s2;
	s26 =	sadd.s32 $0xFFFFFF00, s0  }
0x70: {  	s3 =	ssub.s32 $0x180, s0;
	s0 =	sadd.s32 $0x1, s13;
	p0 =	sgt.s32 s26, $0x7F  }
0x71: {  	s2 =	sadd.s32 $0x80, s11;
	s3 =	simm.s32 @p0 $0x0;
	p0 =	slt.s32 s0, $0xE0  }
0x72: {  	s0 =	simm.s32 @!p0 $0xE0;
	p0 =	slt.s32 s2, $0xE0  }
0x73: {  	s26 =	ssub.s32 s0, s13;
	s2 =	simm.s32 @!p0 $0xE0;
	s0 =	sadd.s32 $0x1, s9  }
0x74: {  	s27 =	ssub.s32 s2, s11;
	p1 =	slt.s32 s0, $0x2;
	p0 =	slt.s32 s26, $0x1  }
0x75: {  	s0 =	simm.s32 @!p1 $0x2;
	p1 =	slt.s32 @!p0 s27, $0x1  }
0x76: {  	[dreg:$0x5] =	wrdreg s8;
	s28 =	ssub.s32 s0, s9;
	p1 =	por p0, p1  }
0x77: {  	[dreg:$0x7] =	wrdreg s13;
	p2 =	slt.s32 @!p1 s28, $0x1  }
0x78: {  	[dreg:$0x6] =	wrdreg s9;
	s1 =	smul.u32 s3, s25;
	p1 =	por p1, p2  }
.Ltmp4:
0x79: {  	[dreg:$0xc] =	wrdreg s4;
	(pc) =	sbr.rel @p1 .LBB1_18-.Ltmp4, $4  }
0x7a: {  	s30 =	simm.s32 $0x1;
	[dreg:$0xd] =	wrdreg s3;
	s1 =	sand.u32 $0x3FFFFFFF, s1  }
0x7b: {  	_ =	swait.ge [sflag:s30], s1  }
0x7c: {  	s31 =	sshll.u32 s10, $0xE;
	s29 =	ssub.s32 $0x0, s1;
	[sflag:s30] =	ssyncset.done $0x0  }
0x7d: {  	s25 =	sand.u32 $0x4000, s31;
	[sflag:s30] =	ssyncadd.s32 s29  }
0x7e: {  	s1 =	rddreg [dreg:$0x5]  }
0x7f: {  	s0 =	sadd.s32 $0x80, s1  }
0x80: {  	p1 =	slt.s32 s0, $0x180  }
.Ltmp5:
0x81: {  	s0 =	simm.s32 @!p1 $0x180;
	(pc) =	sbr.rel .LBB1_6-.Ltmp5, $4  }
0x82: {  	s0 =	ssub.s32 s0, s1  }
0x83: {  	s31 =	sor.u32 @!p0 $0x8000, s25;
	s1 =	simm.s32 $0x0;
	s2 =	sadd.s32 $0xF, s0  }
0x84: {  	s29 =	sand.u32 $0xFFFFFFF0, s2;
	s0 =	sshll.u32 s2, $0x3;
	s30 =	sand.u32 @!p0 $0xFFFFFF00, s2  }
0x85: {  	p0 =	slt.s32 s2, $0x100;
	s0 =	sand.u32 $0xFFFFF800, s0;
	p1 =	sge.s32 s30, s29  }
.LBB1_17:
0x86: {  	s1 =	sadd.s32 $0x1, s1  }
0x87: {  	p2 =	sne.s32 s1, s26  }
.Ltmp6:
0x88: {  	_ = 	snop;
	(pc) =	sbr.rel @!p2 .LBB1_18-.Ltmp6, $1  }
0x89: {  	_ =	sdelay $0x3  }
.LBB1_6:
.Ltmp7:
0x8a: {  	(pc) =	sbr.rel .LBB1_7-.Ltmp7, $4  }
0x8b: {  	_ = 	snop  }
0x8c: {  	s2 =	sshll.u32 s1, $0x10  }
0x8d: {  	s2 =	sshra.s32 s2, $0x2  }
0x8e: {  	s18 =	simm.s32 $0x400;
	s7 =	simm.s32 $0x0;
	s2 =	sadd.s32 s2, s25  }
.LBB1_16:
0x8f: {  	s7 =	sadd.s32 $0x1, s7  }
0x90: {  	p2 =	sne.s32 s7, s27  }
.Ltmp8:
0x91: {  	_ = 	snop;
	(pc) =	sbr.rel @!p2 .LBB1_17-.Ltmp8, $2  }
0x92: {  	_ =	sdelay $0x2  }
0x93: {  	s18 =	sadd.s32 $0x80, s18  }
.LBB1_7:
.Ltmp9:
0x94: {  	(pc) =	sbr.rel .LBB1_8-.Ltmp9, $4  }
0x95: {  	_ = 	snop  }
0x96: {  	s3 =	sshll.u32 s7, $0x7;
	s5 =	sshll.u32 s7, $0x9  }
0x97: {  	s22 =	simm.s32 $0x0;
	s6 =	sand.u32 $0x380, s3;
	s5 =	sshra.s32 s5, $0x2  }
0x98: {  	s4 =	sadd.s32 s3, s2;
	s5 =	sadd.s32 s5, s2;
	s21 =	sadd.s32 s6, s31  }
.LBB1_15:
0x99: {  	s22 =	sadd.s32 $0x1, s22  }
0x9a: {  	p2 =	sne.s32 s22, s28  }
.Ltmp10:
0x9b: {  	_ = 	snop;
	(pc) =	sbr.rel @!p2 .LBB1_16-.Ltmp10, $1  }
0x9c: {  	_ =	sdelay $0x3  }
.LBB1_8:
.Ltmp11:
0x9d: {  	(pc) =	sbr.rel @p0 .LBB1_12-.Ltmp11, $2  }
0x9e: {  	_ =	sdelay $0x2  }
0x9f: {  	s23 =	sshll.u32 s22, $0x7;
	s24 =	sadd.s32 s1, s22  }
0xa0: {  	s6 =	sshll.u32 s24, $0x10  }
0xa1: {  	s9 =	sand.u32 $0x80, s23;
	s6 =	sshra.s32 s6, $0x2  }
0xa2: {  	s17 =	sadd.s32 s9, s4;
	s6 =	sadd.s32 s6, s21  }
0xa3: {  	v6 =	vld [tilespmem:s17+$0x70];
	v0 =	vmov s6  }
0xa4: {  	v7 =	vld [tilespmem:s17+$0x0]  }
0xa5: {  	v8 =	vld [tilespmem:s17+$0x10]  }
0xa6: {  	v1 =	vld [tilespmem:s17+$0x20]  }
0xa7: {  	s13 =	sadd.s32 $0xFFFFFC00, s18;
	s9 =	sand.u32 $0x3C00, s18;
	v2 =	vld [tilespmem:s17+$0x30]  }
0xa8: {  	v3 =	vld [tilespmem:s17+$0x40];
	s6 =	sand.u32 $0x3C00, s13;
	[tilespmem:v0+s9+$0x70 ss:$0x1] =	vst.idx.msk $0xffff, v6  }
0xa9: {  	v5 =	vld [tilespmem:s17+$0x50];
	[tilespmem:v0+s6+$0x0 ss:$0x1] =	vst.idx.msk $0xffff, v7  }
0xaa: {  	v4 =	vld [tilespmem:s17+$0x60];
	[tilespmem:v0+s6+$0x10 ss:$0x1] =	vst.idx.msk $0xffff, v8  }
0xab: {  	[tilespmem:v0+s6+$0x20 ss:$0x1] =	vst.idx.msk $0xffff, v1  }
0xac: {  	[tilespmem:v0+s6+$0x30 ss:$0x1] =	vst.idx.msk $0xffff, v2  }
0xad: {  	p2 =	sgt.s32 s30, $0x100;
	[tilespmem:v0+s6+$0x40 ss:$0x1] =	vst.idx.msk $0xffff, v3  }
.Ltmp12:
0xae: {  	[tilespmem:v0+s6+$0x50 ss:$0x1] =	vst.idx.msk $0xffff, v5;
	(pc) =	sbr.rel @!p2 .LBB1_11-.Ltmp12, $4  }
0xaf: {  	[tilespmem:v0+s6+$0x60 ss:$0x1] =	vst.idx.msk $0xffff, v4  }
0xb0: {  	[tilespmem:v0+s6+$0x70 ss:$0x1] =	vst.idx.msk $0xffff, v6  }
0xb1: {  	[tilespmem:v0+s9+$0x0 ss:$0x1] =	vst.idx.msk $0xffff, v7  }
0xb2: {  	s13 =	simm.s32 $0x100;
	[tilespmem:v0+s9+$0x10 ss:$0x1] =	vst.idx.msk $0xffff, v8;
	s6 =	smov.u32 s18  }
.LBB1_10:
0xb3: {  	v6 =	vld [tilespmem:s17+$0x70];
	s13 =	sadd.s32 $0x100, s13;
	[tilespmem:v0+s9+$0x20 ss:$0x1] =	vst.idx.msk $0xffff, v1  }
0xb4: {  	v7 =	vld [tilespmem:s17+$0x0];
	p2 =	slt.s32 s13, s30;
	[tilespmem:v0+s9+$0x30 ss:$0x1] =	vst.idx.msk $0xffff, v2  }
0xb5: {  	v8 =	vld [tilespmem:s17+$0x10];
	[tilespmem:v0+s9+$0x40 ss:$0x1] =	vst.idx.msk $0xffff, v3  }
0xb6: {  	s6 =	sadd.s32 $0x800, s6;
	v1 =	vld [tilespmem:s17+$0x20];
	[tilespmem:v0+s9+$0x50 ss:$0x1] =	vst.idx.msk $0xffff, v5  }
0xb7: {  	s8 =	sadd.s32 $0xFFFFFC00, s6;
	v2 =	vld [tilespmem:s17+$0x30];
	[tilespmem:v0+s9+$0x60 ss:$0x1] =	vst.idx.msk $0xffff, v4;
	s9 =	sand.u32 $0x3C00, s6  }
0xb8: {  	s8 =	sand.u32 $0x3C00, s8;
	v3 =	vld [tilespmem:s17+$0x40];
	[tilespmem:v0+s9+$0x70 ss:$0x1] =	vst.idx.msk $0xffff, v6  }
0xb9: {  	[tilespmem:v0+s8+$0x0 ss:$0x1] =	vst.idx.msk $0xffff, v7;
	v5 =	vld [tilespmem:s17+$0x50]  }
0xba: {  	[tilespmem:v0+s8+$0x10 ss:$0x1] =	vst.idx.msk $0xffff, v8;
	v4 =	vld [tilespmem:s17+$0x60]  }
0xbb: {  	[tilespmem:v0+s8+$0x20 ss:$0x1] =	vst.idx.msk $0xffff, v1  }
0xbc: {  	[tilespmem:v0+s8+$0x30 ss:$0x1] =	vst.idx.msk $0xffff, v2  }
0xbd: {  	[tilespmem:v0+s8+$0x40 ss:$0x1] =	vst.idx.msk $0xffff, v3  }
.Ltmp13:
0xbe: {  	[tilespmem:v0+s8+$0x50 ss:$0x1] =	vst.idx.msk $0xffff, v5;
	(pc) =	sbr.rel @p2 .LBB1_10-.Ltmp13, $4  }
0xbf: {  	[tilespmem:v0+s8+$0x60 ss:$0x1] =	vst.idx.msk $0xffff, v4  }
0xc0: {  	[tilespmem:v0+s8+$0x70 ss:$0x1] =	vst.idx.msk $0xffff, v6  }
0xc1: {  	[tilespmem:v0+s9+$0x0 ss:$0x1] =	vst.idx.msk $0xffff, v7  }
0xc2: {  	[tilespmem:v0+s9+$0x10 ss:$0x1] =	vst.idx.msk $0xffff, v8  }
.LBB1_11:
0xc3: {  	_ =	sdelay $0x3  }
0xc4: {  	[tilespmem:v0+s9+$0x20 ss:$0x1] =	vst.idx.msk $0xffff, v1  }
0xc5: {  	[tilespmem:v0+s9+$0x30 ss:$0x1] =	vst.idx.msk $0xffff, v2  }
0xc6: {  	[tilespmem:v0+s9+$0x40 ss:$0x1] =	vst.idx.msk $0xffff, v3  }
0xc7: {  	[tilespmem:v0+s9+$0x50 ss:$0x1] =	vst.idx.msk $0xffff, v5  }
0xc8: {  	[tilespmem:v0+s9+$0x60 ss:$0x1] =	vst.idx.msk $0xffff, v4  }
.LBB1_12:
.Ltmp14:
0xc9: {  	(pc) =	sbr.rel @p1 .LBB1_15-.Ltmp14, $1  }
0xca: {  	_ =	sdelay $0x3  }
0xcb: {  	s6 =	sand.u32 $0x80, s23  }
0xcc: {  	s13 =	sadd.s32 s6, s5  }
0xcd: {  	v0 =	vmov s13  }
0xce: {  	s9 =	sshll.u32 s24, $0x10  }
0xcf: {  	s24 =	sshra.s32 s9, $0x2  }
0xd0: {  	s9 =	smov.u32 s0;
	s6 =	sadd.s32 s24, s21;
	s13 =	smov.u32 s30  }
.LBB1_14:
0xd1: {  	s8 =	sand.u32 $0x70, s13;
	s13 =	sadd.s32 $0x10, s13  }
0xd2: {  	s17 =	sand.u32 $0x3C00, s9;
	v1 =	vld.idx.msk [tilespmem:v0+s8+$0x0 ss:$0x1], $0xffff;
	p2 =	slt.s32 s13, s29  }
.Ltmp15:
0xd3: {  	s17 =	sadd.s32 s3, s17;
	(pc) =	sbr.rel @p2 .LBB1_14-.Ltmp15, $4  }
0xd4: {  	s17 =	sand.u32 $0x3C00, s17  }
0xd5: {  	s17 =	sadd.s32 s17, s6  }
0xd6: {  	s8 =	sadd.s32 s8, s17  }
0xd7: {  	s9 =	sadd.s32 $0x80, s9;
	[tilespmem:s8+$0x0] =	vst v1  }
.Ltmp16:
0xd8: {  	_ = 	snop;
	(pc) =	sbr.rel .LBB1_15-.Ltmp16, $1  }
0xd9: {  	_ =	sdelay $0x3  }
.LBB1_20:
0xda: {  	_ =	sfence.sel $0x180000  }
0xdb: {  	s0 =	simm.s32 $0x1;
	[bflag:$0x0] =	sbarrier.arrive $0xFFFF  }
0xdc: {  	s30 =	simm.s32 $0x2;
	[sflag:s0] =	ssyncpa.u1 $0x1  }
0xdd: {  	[sflag:s30] =	ssyncpa.u1 $0x1  }
0xde: {  	_ =	strace $0x9000005C  }
0xdf: {  	s31 =	stileid.u32;
	[bflag:$0x2] =	sbarrier.arrive $0xFFFF  }
0xe0: {  	p0 =	sne.s32 s31, $0x0;
	s0 =	rddreg [dreg:$0x2]  }
0xe1: {  	s0 =	sadd.s32 @!p0 $0x100000, s0  }
0xe2: {  	[sflag:s0] =	ssyncadd.tile.s32 @!p0 $0x1;
	_ =	shalt  }
.Lfunc_end1:
_tile_overlayer_lowered:
.L_overlay_start_2:
0xe3: {  	(tag) =	ssettag $0x2  }
0xe4: {  	s0 =	rddreg [dreg:$0x0];
	s2 =	stileid.u32  }
0xe5: {  	s1 =	rddreg [dreg:$0x1];
	p0 =	sne.s32 s2, $0x0  }
0xe6: {  	s3 =	rddreg [dreg:$0x2];
	[bflag:$0x3] =	sbarrier.arrive $0xFFFF;
	s2 =	simm.s32 @!p0 $0x1C01  }
0xe7: {  	[timem:s3], [sflag:s2] =	dma.local @!p0 [hbm:s0], s1  }
0xe8: {  	s0 =	simm.s32 @!p0 $0x1  }
0xe9: {  	_ =	swait.ge @!p0 [sflag:s0], s1  }
0xea: {  	s1 =	ssub.s32 @!p0 $0x0, s1;
	[sflag:s0] =	ssyncset.done @!p0 $0x0  }
0xeb: {  	[sflag:s0] =	ssyncadd.s32 @!p0 s1  }
0xec: {  	[bflag:$0x3] =	sbarrier.arrive $0xFFFF  }
0xed: {  	_ =	shalt  }

</sc_bundles>
